<compile_context>
chip_gen: v7x
topology: tpu7x:2x2x1
jax: 0.10.2.dev20260603
libtpu: 0.0.44.dev20260713+nightly
codegen_flags: <defaults>
</compile_context>

<pallas_src>
import functools
import jax
import jax.numpy as jnp
from jax import lax
from jax.experimental import pallas as pl
from jax.experimental.pallas import tpu as pltpu
from jax.experimental.pallas import tpu_sc as plsc

N = 10000
E = 320000
F = 128

NC = 2
NS = 16
NW = NC * NS
EPW = E // NW
CHUNK = 128
EPT = 10240
EPAD = NW * EPT
NCHUNK = EPT // CHUNK
NPAIR = NCHUNK // 2
NPAD = 10240
RPT = NPAD // NS


def _mesh():
    return plsc.VectorSubcoreMesh(core_axis_name="c", subcore_axis_name="s")



def _deg_body(pk_hbm, ones_hbm, zeros_hbm, out_hbm, pk_v, didx, ones_v, acc_sh):
    c = lax.axis_index("c")
    s = lax.axis_index("s")
    wid = s * NC + c
    pltpu.sync_copy(pk_hbm.at[wid], pk_v)
    pltpu.sync_copy(ones_hbm, ones_v)
    pltpu.sync_copy(zeros_hbm.at[pl.ds(s * RPT, RPT)],
                    acc_sh.at[pl.ds(s * RPT, RPT)])
    plsc.subcore_barrier()

    def body(j, carry):
        for k in range(CHUNK // 16):
            didx[pl.ds(k * 16, 16)] = lax.shift_right_logical(
                pk_v[j, pl.ds(k * 16, 16)], jnp.int32(16))
        pltpu.sync_copy(ones_v, acc_sh.at[didx], add=True)
        return carry

    lax.fori_loop(0, NCHUNK, body, 0)
    plsc.subcore_barrier()
    pltpu.sync_copy(acc_sh.at[pl.ds(s * RPT, RPT)],
                    out_hbm.at[c].at[pl.ds(s * RPT, RPT)])


def _degree_partials(pk_r, ones_in, zeros_in):
    fn = pl.kernel(
        _deg_body,
        out_type=jax.ShapeDtypeStruct((NC, NPAD), jnp.float32),
        mesh=_mesh(),
        scratch_types=[
            pltpu.VMEM((NCHUNK, CHUNK), jnp.int32),
            pltpu.VMEM((CHUNK,), jnp.int32),
            pltpu.VMEM((CHUNK,), jnp.float32),
            pltpu.VMEM_SHARED((NPAD,), jnp.float32),
        ],
    )
    return fn(pk_r, ones_in, zeros_in)



def _unpack_chunk(pk_v, j, sidx, didx):
    for k in range(CHUNK // 16):
        v = pk_v[j, pl.ds(k * 16, 16)]
        sidx[pl.ds(k * 16, 16)] = jnp.bitwise_and(v, jnp.int32(0xFFFF))
        didx[pl.ds(k * 16, 16)] = lax.shift_right_logical(v, jnp.int32(16))


def _edge_body(g_hbm, pk_hbm, zeros_hbm, out_hbm,
               pk_v, sidx0, didx0, sidx1, didx1, rows0, rows1, acc_sh,
               sem0, sem1):
    c = lax.axis_index("c")
    s = lax.axis_index("s")
    wid = s * NC + c
    pltpu.sync_copy(pk_hbm.at[wid], pk_v)
    pltpu.sync_copy(zeros_hbm.at[pl.ds(s * RPT, RPT)],
                    acc_sh.at[pl.ds(s * RPT, RPT)])
    plsc.subcore_barrier()

    _unpack_chunk(pk_v, 0, sidx0, didx0)
    pltpu.async_copy(g_hbm.at[sidx0], rows0, sem0)
    _unpack_chunk(pk_v, 1, sidx1, didx1)
    pltpu.async_copy(g_hbm.at[sidx1], rows1, sem1)

    def body(i, carry):
        j2 = 2 * i + 2
        pltpu.make_async_copy(g_hbm.at[sidx0], rows0, sem0).wait()
        pltpu.sync_copy(rows0, acc_sh.at[didx0], add=True)
        _unpack_chunk(pk_v, j2, sidx0, didx0)
        pltpu.async_copy(g_hbm.at[sidx0], rows0, sem0)
        pltpu.make_async_copy(g_hbm.at[sidx1], rows1, sem1).wait()
        pltpu.sync_copy(rows1, acc_sh.at[didx1], add=True)
        _unpack_chunk(pk_v, j2 + 1, sidx1, didx1)
        pltpu.async_copy(g_hbm.at[sidx1], rows1, sem1)
        return carry

    lax.fori_loop(0, NPAIR - 1, body, 0)
    pltpu.make_async_copy(g_hbm.at[sidx0], rows0, sem0).wait()
    pltpu.sync_copy(rows0, acc_sh.at[didx0], add=True)
    pltpu.make_async_copy(g_hbm.at[sidx1], rows1, sem1).wait()
    pltpu.sync_copy(rows1, acc_sh.at[didx1], add=True)
    plsc.subcore_barrier()
    pltpu.sync_copy(acc_sh.at[pl.ds(s * RPT, RPT)],
                    out_hbm.at[c].at[pl.ds(s * RPT, RPT)])


def _edge_partials(g, pk_r, zeros_in):
    fn = pl.kernel(
        _edge_body,
        out_type=jax.ShapeDtypeStruct((NC, NPAD, F), jnp.float32),
        mesh=_mesh(),
        scratch_types=[
            pltpu.VMEM((NCHUNK, CHUNK), jnp.int32),
            pltpu.VMEM((CHUNK,), jnp.int32),
            pltpu.VMEM((CHUNK,), jnp.int32),
            pltpu.VMEM((CHUNK,), jnp.int32),
            pltpu.VMEM((CHUNK,), jnp.int32),
            pltpu.VMEM((CHUNK, F), jnp.float32),
            pltpu.VMEM((CHUNK, F), jnp.float32),
            pltpu.VMEM_SHARED((NPAD, F), jnp.float32),
            pltpu.SemaphoreType.DMA,
            pltpu.SemaphoreType.DMA,
        ],
    )
    return fn(g, pk_r, zeros_in)



BR = 1000


def _prep_body(degp_ref, x_ref, w_ref, g_ref, dinvb_ref):
    deg = degp_ref[:, 0] + degp_ref[:, 1] + 1.0
    dinv = lax.rsqrt(deg)
    h = jnp.dot(x_ref[...], w_ref[...], preferred_element_type=jnp.float32)
    g_ref[...] = h * dinv[:, None]
    dinvb_ref[...] = jnp.broadcast_to(dinv[:, None], (BR, F))


def _tc_prep(degp, x, w1):
    return pl.pallas_call(
        _prep_body,
        grid=(N // BR,),
        in_specs=[
            pl.BlockSpec((BR, NC), lambda i: (i, 0)),
            pl.BlockSpec((BR, F), lambda i: (i, 0)),
            pl.BlockSpec((F, F), lambda i: (0, 0)),
        ],
        out_specs=[
            pl.BlockSpec((BR, F), lambda i: (i, 0)),
            pl.BlockSpec((BR, F), lambda i: (i, 0)),
        ],
        out_shape=[
            jax.ShapeDtypeStruct((N, F), jnp.float32),
            jax.ShapeDtypeStruct((N, F), jnp.float32),
        ],
    )(degp, x, w1)


def _mid_body(p_ref, g_ref, dinvb_ref, b_ref, w_ref, g2_ref):
    psum = p_ref[0] + p_ref[1] + g_ref[...]
    t = jnp.maximum(dinvb_ref[...] * psum + b_ref[...], 0.0)
    h = jnp.dot(t, w_ref[...], preferred_element_type=jnp.float32)
    g2_ref[...] = h * dinvb_ref[...]


def _tc_mid(p, g, dinvb, b1, w2):
    return pl.pallas_call(
        _mid_body,
        grid=(N // BR,),
        in_specs=[
            pl.BlockSpec((NC, BR, F), lambda i: (0, i, 0)),
            pl.BlockSpec((BR, F), lambda i: (i, 0)),
            pl.BlockSpec((BR, F), lambda i: (i, 0)),
            pl.BlockSpec((1, F), lambda i: (0, 0)),
            pl.BlockSpec((F, F), lambda i: (0, 0)),
        ],
        out_specs=pl.BlockSpec((BR, F), lambda i: (i, 0)),
        out_shape=jax.ShapeDtypeStruct((N, F), jnp.float32),
    )(p, g, dinvb, b1, w2)


def _fin_body(p_ref, g_ref, dinvb_ref, b_ref, out_ref):
    psum = p_ref[0] + p_ref[1] + g_ref[...]
    out_ref[...] = jnp.maximum(dinvb_ref[...] * psum + b_ref[...], 0.0)


def _tc_fin(p, g, dinvb, b2):
    return pl.pallas_call(
        _fin_body,
        grid=(N // BR,),
        in_specs=[
            pl.BlockSpec((NC, BR, F), lambda i: (0, i, 0)),
            pl.BlockSpec((BR, F), lambda i: (i, 0)),
            pl.BlockSpec((BR, F), lambda i: (i, 0)),
            pl.BlockSpec((1, F), lambda i: (0, 0)),
        ],
        out_specs=pl.BlockSpec((BR, F), lambda i: (i, 0)),
        out_shape=jax.ShapeDtypeStruct((N, F), jnp.float32),
    )(p, g, dinvb, b2)



def kernel(x, edge_index, W1, b1, W2, b2):
    npadedge = EPAD - E
    pad_src = jnp.arange(npadedge, dtype=jnp.int32) % N
    src_p = jnp.concatenate([edge_index[0], pad_src])
    pad_dst = N + (jnp.arange(npadedge, dtype=jnp.int32) % (NPAD - N))
    dst_p = jnp.concatenate([edge_index[1], pad_dst])
    pk_r = (src_p | (dst_p << 16)).reshape(NW, NCHUNK, CHUNK)
    ones_in = jnp.ones((CHUNK,), jnp.float32)
    zeros16 = jnp.zeros((NPAD,), jnp.float32)
    zerosF = jnp.zeros((NPAD, F), jnp.float32)
    b1r = b1.reshape(1, F)
    b2r = b2.reshape(1, F)

    degp = _degree_partials(pk_r, ones_in, zeros16)
    g1, dinvb = _tc_prep(jnp.swapaxes(degp, 0, 1), x, W1)
    p1 = _edge_partials(g1, pk_r, zerosF)
    g2 = _tc_mid(p1, g1, dinvb, b1r, W2)
    p2 = _edge_partials(g2, pk_r, zerosF)
    return _tc_fin(p2, g2, dinvb, b2r)

# --- scband reference (transcript-rebuilt; emitter-appended) ---
"""Pipeline reference for scband-encoder-31181462569203 (READ-ONLY COPY).

The authoritative reference and input builder live on the scoring server;
editing this copy changes nothing except your own understanding.
"""

import jax, jax.numpy as jnp
import numpy as np

N = 10000
E = 320000
F_IN = 128
F_HID = 128


def _glorot(key, fan_in, fan_out):
    limit = np.sqrt(6.0 / (fan_in + fan_out))
    return jax.random.uniform(key, (fan_in, fan_out), jnp.float32, -limit, limit)


def setup_inputs(seed: int = 0) -> dict:
    key = jax.random.key(seed)
    k1, k2, k3, k4 = jax.random.split(key, 4)
    x = jax.random.normal(k1, (N, F_IN), dtype=jnp.float32)
    edge_index = jax.random.randint(k2, (2, E), 0, N, dtype=jnp.int32)
    W1 = _glorot(k3, F_IN, F_HID)
    b1 = jnp.zeros((F_HID,), jnp.float32)
    W2 = _glorot(k4, F_HID, F_HID)
    b2 = jnp.zeros((F_HID,), jnp.float32)
    return {"x": x, "edge_index": edge_index, "W1": W1, "b1": b1, "W2": W2, "b2": b2}


def _gcn_conv(x, src, dst, W, b, n):
    # Standard GCNConv: x' = D^{-1/2} (A + I) D^{-1/2} (x W) + b
    h = x @ W
    loop = jnp.arange(n, dtype=src.dtype)
    s = jnp.concatenate([src, loop])
    d = jnp.concatenate([dst, loop])
    deg = jnp.zeros((n,), jnp.float32).at[d].add(1.0)
    dinv = jnp.where(deg > 0, 1.0 / jnp.sqrt(deg), 0.0)
    norm = dinv[s] * dinv[d]
    msg = h[s] * norm[:, None]
    out = jax.ops.segment_sum(msg, d, num_segments=n) + b
    return out


def reference(x, edge_index, W1, b1, W2, b2):
    src = edge_index[0]
    dst = edge_index[1]
    h = jax.nn.relu(_gcn_conv(x, src, dst, W1, b1, N))
    # dropout is identity in eval mode
    h = jax.nn.relu(_gcn_conv(h, src, dst, W2, b2, N))
    return h

if __name__ == "__main__":
    import jax
    _d = setup_inputs()
    print(jax.jit(kernel)(*tuple(_d.values())))

</pallas_src>

<mosaic_0001>
#map = affine_map<(d0, d1) -> (0, 0, 0)>
#map1 = affine_map<(d0, d1) -> (0)>
#map2 = affine_map<(d0, d1) -> (0, 0)>
module attributes {stable_mosaic.version = 14 : i64} {
  func.func @_deg_body(%arg0: i32, %arg1: i32, %arg2: memref<32x80x128xi32, #tpu.memory_space<hbm>>, %arg3: memref<128xf32, #tpu.memory_space<hbm>>, %arg4: memref<10240xf32, #tpu.memory_space<hbm>>, %arg5: memref<2x10240xf32, #tpu.memory_space<hbm>>, %arg6: memref<80x128xi32, #tpu.memory_space<vmem>>, %arg7: memref<128xi32, #tpu.memory_space<vmem>>, %arg8: memref<128xf32, #tpu.memory_space<vmem>>, %arg9: memref<10240xf32, #tpu.memory_space<vmem_shared>>) attributes {dimension_semantics = [#tpu.dimension_semantics<core_parallel>, #tpu.dimension_semantics<subcore_parallel>], iteration_bounds = array<i64: 2, 16>, scalar_prefetch = 0 : i64, scratch_operands = 4 : i64, tpu.core_type = #tpu.core_type<sc_vector_subcore>, window_params = [{transform_indices = #map}, {transform_indices = #map1}, {transform_indices = #map1}, {transform_indices = #map2}]} {
    %mul3A = arith.constant 2 : i32
    %mul3A_0 = arith.muli %arg1, %mul3A : i32
    %add3A = arith.addi %mul3A_0, %arg0 : i32
    "tpu.region"() ({
      %run_scoped3A = tpu.sem_alloc : memref<!tpu.dma_semaphore, #tpu.memory_space<semaphore_mem>>
      %dma_start3A = arith.constant 0 : i32
      %dma_start3A_15 = arith.constant 0 : i32
      %dma_start3A_16 = tpu.memref_slice %arg2[%add3A, %dma_start3A, %dma_start3A_15] : memref<32x80x128xi32, #tpu.memory_space<hbm>> -> memref<1x80x128xi32, #tpu.memory_space<hbm>>
      %dma_start3A_17 = tpu.memref_squeeze %dma_start3A_16 : memref<1x80x128xi32, #tpu.memory_space<hbm>> -> memref<80x128xi32, #tpu.memory_space<hbm>>
      %dma_start3A_18 = arith.constant 0 : i32
      %dma_start3A_19 = arith.constant 0 : i32
      %dma_start3A_20 = tpu.memref_slice %arg2[%add3A, %dma_start3A_18, %dma_start3A_19] : memref<32x80x128xi32, #tpu.memory_space<hbm>> -> memref<1x80x128xi32, #tpu.memory_space<hbm>>
      %dma_start3A_21 = tpu.memref_squeeze %dma_start3A_20 : memref<1x80x128xi32, #tpu.memory_space<hbm>> -> memref<80x128xi32, #tpu.memory_space<hbm>>
      tpu.enqueue_dma source(%dma_start3A_21 : memref<80x128xi32, #tpu.memory_space<hbm>>) target(%arg6 : memref<80x128xi32, #tpu.memory_space<vmem>>) target_semaphore(%run_scoped3A : memref<!tpu.dma_semaphore, #tpu.memory_space<semaphore_mem>>)
      %dma_wait3A = arith.constant 0 : i32
      %dma_wait3A_22 = arith.constant 0 : i32
      %dma_wait3A_23 = tpu.memref_slice %arg2[%add3A, %dma_wait3A, %dma_wait3A_22] : memref<32x80x128xi32, #tpu.memory_space<hbm>> -> memref<1x80x128xi32, #tpu.memory_space<hbm>>
      %dma_wait3A_24 = tpu.memref_squeeze %dma_wait3A_23 : memref<1x80x128xi32, #tpu.memory_space<hbm>> -> memref<80x128xi32, #tpu.memory_space<hbm>>
      %dma_wait3A_25 = arith.constant 0 : i32
      %dma_wait3A_26 = arith.constant 0 : i32
      %dma_wait3A_27 = tpu.memref_slice %arg2[%add3A, %dma_wait3A_25, %dma_wait3A_26] : memref<32x80x128xi32, #tpu.memory_space<hbm>> -> memref<1x80x128xi32, #tpu.memory_space<hbm>>
      %dma_wait3A_28 = tpu.memref_squeeze %dma_wait3A_27 : memref<1x80x128xi32, #tpu.memory_space<hbm>> -> memref<80x128xi32, #tpu.memory_space<hbm>>
      tpu.wait_dma2 semaphore(%run_scoped3A : memref<!tpu.dma_semaphore, #tpu.memory_space<semaphore_mem>>) src(%dma_wait3A_28 : memref<80x128xi32, #tpu.memory_space<hbm>>) dst(%arg6 : memref<80x128xi32, #tpu.memory_space<vmem>>)
      tpu.yield
    }) : () -> ()
    "tpu.region"() ({
      %run_scoped3A = tpu.sem_alloc : memref<!tpu.dma_semaphore, #tpu.memory_space<semaphore_mem>>
      tpu.enqueue_dma source(%arg3 : memref<128xf32, #tpu.memory_space<hbm>>) target(%arg8 : memref<128xf32, #tpu.memory_space<vmem>>) target_semaphore(%run_scoped3A : memref<!tpu.dma_semaphore, #tpu.memory_space<semaphore_mem>>)
      tpu.wait_dma2 semaphore(%run_scoped3A : memref<!tpu.dma_semaphore, #tpu.memory_space<semaphore_mem>>) src(%arg3 : memref<128xf32, #tpu.memory_space<hbm>>) dst(%arg8 : memref<128xf32, #tpu.memory_space<vmem>>)
      tpu.yield
    }) : () -> ()
    %mul3A_1 = arith.constant 640 : i32
    %mul3A_2 = arith.muli %arg1, %mul3A_1 : i32
    %mul3A_3 = arith.constant 640 : i32
    %mul3A_4 = arith.muli %arg1, %mul3A_3 : i32
    "tpu.region"() ({
      %run_scoped3A = tpu.sem_alloc : memref<!tpu.dma_semaphore, #tpu.memory_space<semaphore_mem>>
      %dma_start3A = tpu.memref_slice %arg9[%mul3A_4] : memref<10240xf32, #tpu.memory_space<vmem_shared>> -> memref<640xf32, #tpu.memory_space<vmem_shared>>
      %dma_start3A_15 = tpu.memref_slice %arg4[%mul3A_2] : memref<10240xf32, #tpu.memory_space<hbm>> -> memref<640xf32, #tpu.memory_space<hbm>>
      tpu.enqueue_dma source(%dma_start3A_15 : memref<640xf32, #tpu.memory_space<hbm>>) target(%dma_start3A : memref<640xf32, #tpu.memory_space<vmem_shared>>) target_semaphore(%run_scoped3A : memref<!tpu.dma_semaphore, #tpu.memory_space<semaphore_mem>>)
      %dma_wait3A = tpu.memref_slice %arg9[%mul3A_4] : memref<10240xf32, #tpu.memory_space<vmem_shared>> -> memref<640xf32, #tpu.memory_space<vmem_shared>>
      %dma_wait3A_16 = tpu.memref_slice %arg4[%mul3A_2] : memref<10240xf32, #tpu.memory_space<hbm>> -> memref<640xf32, #tpu.memory_space<hbm>>
      tpu.wait_dma2 semaphore(%run_scoped3A : memref<!tpu.dma_semaphore, #tpu.memory_space<semaphore_mem>>) src(%dma_wait3A_16 : memref<640xf32, #tpu.memory_space<hbm>>) dst(%dma_wait3A : memref<640xf32, #tpu.memory_space<vmem_shared>>)
      tpu.yield
    }) : () -> ()
    %barrier3A = arith.constant 0 : index
    tpu.barrier barrier_id(%barrier3A)
    %scan3A = arith.constant 0 : i32
    %scan3A_5 = arith.constant 0 : i32
    %scan3A_6 = arith.constant 80 : i32
    %scan3A_7 = arith.addi %scan3A_5, %scan3A_6 : i32
    %scan3A_8 = arith.constant 1 : i32
    scf.for %scan3A_15 = %scan3A_5 to %scan3A_7 step %scan3A_8  : i32 {
      %get3A = arith.index_cast %scan3A_15 : i32 to index
      %get3A_16 = arith.constant 0 : index
      %get3A_17 = tpu.vector_load %arg6[%get3A, %get3A_16] {strides = array<i32>} : memref<80x128xi32, #tpu.memory_space<vmem>>, vector<1x16xi32>,
      %get3A_18 = vector.shape_cast %get3A_17 : vector<1x16xi32> to vector<16xi32>
      %shift_right_logical3A = arith.constant 16 : i32
      %shift_right_logical3A_19 = vector.broadcast %shift_right_logical3A : i32 to vector<16xi32>
      %shift_right_logical3A_20 = arith.shrui %get3A_18, %shift_right_logical3A_19 : vector<16xi32>
      %swap3A = arith.constant 0 : index
      %swap3A_21 = tpu.vector_load %arg7[%swap3A] {strides = array<i32>} : memref<128xi32, #tpu.memory_space<vmem>>, vector<16xi32>,
      %swap3A_22 = vector.shape_cast %swap3A_21 : vector<16xi32> to vector<16xi32>
      %swap3A_23 = vector.shape_cast %shift_right_logical3A_20 : vector<16xi32> to vector<16xi32>
      tpu.vector_store %arg7[%swap3A], %swap3A_23 {strides = array<i32>} : memref<128xi32, #tpu.memory_space<vmem>>, vector<16xi32>,
      %get3A_24 = arith.index_cast %scan3A_15 : i32 to index
      %get3A_25 = arith.constant 16 : index
      %get3A_26 = tpu.vector_load %arg6[%get3A_24, %get3A_25] {strides = array<i32>} : memref<80x128xi32, #tpu.memory_space<vmem>>, vector<1x16xi32>,
      %get3A_27 = vector.shape_cast %get3A_26 : vector<1x16xi32> to vector<16xi32>
      %shift_right_logical3A_28 = arith.constant 16 : i32
      %shift_right_logical3A_29 = vector.broadcast %shift_right_logical3A_28 : i32 to vector<16xi32>
      %shift_right_logical3A_30 = arith.shrui %get3A_27, %shift_right_logical3A_29 : vector<16xi32>
      %swap3A_31 = arith.constant 16 : index
      %swap3A_32 = tpu.vector_load %arg7[%swap3A_31] {strides = array<i32>} : memref<128xi32, #tpu.memory_space<vmem>>, vector<16xi32>,
      %swap3A_33 = vector.shape_cast %swap3A_32 : vector<16xi32> to vector<16xi32>
      %swap3A_34 = vector.shape_cast %shift_right_logical3A_30 : vector<16xi32> to vector<16xi32>
      tpu.vector_store %arg7[%swap3A_31], %swap3A_34 {strides = array<i32>} : memref<128xi32, #tpu.memory_space<vmem>>, vector<16xi32>,
      %get3A_35 = arith.index_cast %scan3A_15 : i32 to index
      %get3A_36 = arith.constant 32 : index
      %get3A_37 = tpu.vector_load %arg6[%get3A_35, %get3A_36] {strides = array<i32>} : memref<80x128xi32, #tpu.memory_space<vmem>>, vector<1x16xi32>,
      %get3A_38 = vector.shape_cast %get3A_37 : vector<1x16xi32> to vector<16xi32>
      %shift_right_logical3A_39 = arith.constant 16 : i32
      %shift_right_logical3A_40 = vector.broadcast %shift_right_logical3A_39 : i32 to vector<16xi32>
      %shift_right_logical3A_41 = arith.shrui %get3A_38, %shift_right_logical3A_40 : vector<16xi32>
      %swap3A_42 = arith.constant 32 : index
      %swap3A_43 = tpu.vector_load %arg7[%swap3A_42] {strides = array<i32>} : memref<128xi32, #tpu.memory_space<vmem>>, vector<16xi32>,
      %swap3A_44 = vector.shape_cast %swap3A_43 : vector<16xi32> to vector<16xi32>
      %swap3A_45 = vector.shape_cast %shift_right_logical3A_41 : vector<16xi32> to vector<16xi32>
      tpu.vector_store %arg7[%swap3A_42], %swap3A_45 {strides = array<i32>} : memref<128xi32, #tpu.memory_space<vmem>>, vector<16xi32>,
      %get3A_46 = arith.index_cast %scan3A_15 : i32 to index
      %get3A_47 = arith.constant 48 : index
      %get3A_48 = tpu.vector_load %arg6[%get3A_46, %get3A_47] {strides = array<i32>} : memref<80x128xi32, #tpu.memory_space<vmem>>, vector<1x16xi32>,
      %get3A_49 = vector.shape_cast %get3A_48 : vector<1x16xi32> to vector<16xi32>
      %shift_right_logical3A_50 = arith.constant 16 : i32
      %shift_right_logical3A_51 = vector.broadcast %shift_right_logical3A_50 : i32 to vector<16xi32>
      %shift_right_logical3A_52 = arith.shrui %get3A_49, %shift_right_logical3A_51 : vector<16xi32>
      %swap3A_53 = arith.constant 48 : index
      %swap3A_54 = tpu.vector_load %arg7[%swap3A_53] {strides = array<i32>} : memref<128xi32, #tpu.memory_space<vmem>>, vector<16xi32>,
      %swap3A_55 = vector.shape_cast %swap3A_54 : vector<16xi32> to vector<16xi32>
      %swap3A_56 = vector.shape_cast %shift_right_logical3A_52 : vector<16xi32> to vector<16xi32>
      tpu.vector_store %arg7[%swap3A_53], %swap3A_56 {strides = array<i32>} : memref<128xi32, #tpu.memory_space<vmem>>, vector<16xi32>,
      %get3A_57 = arith.index_cast %scan3A_15 : i32 to index
      %get3A_58 = arith.constant 64 : index
      %get3A_59 = tpu.vector_load %arg6[%get3A_57, %get3A_58] {strides = array<i32>} : memref<80x128xi32, #tpu.memory_space<vmem>>, vector<1x16xi32>,
      %get3A_60 = vector.shape_cast %get3A_59 : vector<1x16xi32> to vector<16xi32>
      %shift_right_logical3A_61 = arith.constant 16 : i32
      %shift_right_logical3A_62 = vector.broadcast %shift_right_logical3A_61 : i32 to vector<16xi32>
      %shift_right_logical3A_63 = arith.shrui %get3A_60, %shift_right_logical3A_62 : vector<16xi32>
      %swap3A_64 = arith.constant 64 : index
      %swap3A_65 = tpu.vector_load %arg7[%swap3A_64] {strides = array<i32>} : memref<128xi32, #tpu.memory_space<vmem>>, vector<16xi32>,
      %swap3A_66 = vector.shape_cast %swap3A_65 : vector<16xi32> to vector<16xi32>
      %swap3A_67 = vector.shape_cast %shift_right_logical3A_63 : vector<16xi32> to vector<16xi32>
      tpu.vector_store %arg7[%swap3A_64], %swap3A_67 {strides = array<i32>} : memref<128xi32, #tpu.memory_space<vmem>>, vector<16xi32>,
      %get3A_68 = arith.index_cast %scan3A_15 : i32 to index
      %get3A_69 = arith.constant 80 : index
      %get3A_70 = tpu.vector_load %arg6[%get3A_68, %get3A_69] {strides = array<i32>} : memref<80x128xi32, #tpu.memory_space<vmem>>, vector<1x16xi32>,
      %get3A_71 = vector.shape_cast %get3A_70 : vector<1x16xi32> to vector<16xi32>
      %shift_right_logical3A_72 = arith.constant 16 : i32
      %shift_right_logical3A_73 = vector.broadcast %shift_right_logical3A_72 : i32 to vector<16xi32>
      %shift_right_logical3A_74 = arith.shrui %get3A_71, %shift_right_logical3A_73 : vector<16xi32>
      %swap3A_75 = arith.constant 80 : index
      %swap3A_76 = tpu.vector_load %arg7[%swap3A_75] {strides = array<i32>} : memref<128xi32, #tpu.memory_space<vmem>>, vector<16xi32>,
      %swap3A_77 = vector.shape_cast %swap3A_76 : vector<16xi32> to vector<16xi32>
      %swap3A_78 = vector.shape_cast %shift_right_logical3A_74 : vector<16xi32> to vector<16xi32>
      tpu.vector_store %arg7[%swap3A_75], %swap3A_78 {strides = array<i32>} : memref<128xi32, #tpu.memory_space<vmem>>, vector<16xi32>,
      %get3A_79 = arith.index_cast %scan3A_15 : i32 to index
      %get3A_80 = arith.constant 96 : index
      %get3A_81 = tpu.vector_load %arg6[%get3A_79, %get3A_80] {strides = array<i32>} : memref<80x128xi32, #tpu.memory_space<vmem>>, vector<1x16xi32>,
      %get3A_82 = vector.shape_cast %get3A_81 : vector<1x16xi32> to vector<16xi32>
      %shift_right_logical3A_83 = arith.constant 16 : i32
      %shift_right_logical3A_84 = vector.broadcast %shift_right_logical3A_83 : i32 to vector<16xi32>
      %shift_right_logical3A_85 = arith.shrui %get3A_82, %shift_right_logical3A_84 : vector<16xi32>
      %swap3A_86 = arith.constant 96 : index
      %swap3A_87 = tpu.vector_load %arg7[%swap3A_86] {strides = array<i32>} : memref<128xi32, #tpu.memory_space<vmem>>, vector<16xi32>,
      %swap3A_88 = vector.shape_cast %swap3A_87 : vector<16xi32> to vector<16xi32>
      %swap3A_89 = vector.shape_cast %shift_right_logical3A_85 : vector<16xi32> to vector<16xi32>
      tpu.vector_store %arg7[%swap3A_86], %swap3A_89 {strides = array<i32>} : memref<128xi32, #tpu.memory_space<vmem>>, vector<16xi32>,
      %get3A_90 = arith.index_cast %scan3A_15 : i32 to index
      %get3A_91 = arith.constant 112 : index
      %get3A_92 = tpu.vector_load %arg6[%get3A_90, %get3A_91] {strides = array<i32>} : memref<80x128xi32, #tpu.memory_space<vmem>>, vector<1x16xi32>,
      %get3A_93 = vector.shape_cast %get3A_92 : vector<1x16xi32> to vector<16xi32>
      %shift_right_logical3A_94 = arith.constant 16 : i32
      %shift_right_logical3A_95 = vector.broadcast %shift_right_logical3A_94 : i32 to vector<16xi32>
      %shift_right_logical3A_96 = arith.shrui %get3A_93, %shift_right_logical3A_95 : vector<16xi32>
      %swap3A_97 = arith.constant 112 : index
      %swap3A_98 = tpu.vector_load %arg7[%swap3A_97] {strides = array<i32>} : memref<128xi32, #tpu.memory_space<vmem>>, vector<16xi32>,
      %swap3A_99 = vector.shape_cast %swap3A_98 : vector<16xi32> to vector<16xi32>
      %swap3A_100 = vector.shape_cast %shift_right_logical3A_96 : vector<16xi32> to vector<16xi32>
      tpu.vector_store %arg7[%swap3A_97], %swap3A_100 {strides = array<i32>} : memref<128xi32, #tpu.memory_space<vmem>>, vector<16xi32>,
      "tpu.region"() ({
        %run_scoped3A = tpu.sem_alloc : memref<!tpu.dma_semaphore, #tpu.memory_space<semaphore_mem>>
        %dma_start3A = arith.constant 0 : i32
        %dma_start3A_101 = tpu.memref_slice %arg9[%dma_start3A] : memref<10240xf32, #tpu.memory_space<vmem_shared>> -> memref<10240xf32, #tpu.memory_space<vmem_shared>>
        tpu.enqueue_indirect_dma source(%arg8 : memref<128xf32, #tpu.memory_space<vmem>>) target(%dma_start3A_101 : memref<10240xf32, #tpu.memory_space<vmem_shared>>) offsets(%arg7 : memref<128xi32, #tpu.memory_space<vmem>>) semaphore(%run_scoped3A : memref<!tpu.dma_semaphore, #tpu.memory_space<semaphore_mem>>) {add = true}
        %dma_wait3A = arith.constant 0 : i32
        %dma_wait3A_102 = tpu.memref_slice %arg9[%dma_wait3A] : memref<10240xf32, #tpu.memory_space<vmem_shared>> -> memref<10240xf32, #tpu.memory_space<vmem_shared>>
        tpu.wait_indirect_dma semaphore(%run_scoped3A : memref<!tpu.dma_semaphore, #tpu.memory_space<semaphore_mem>>) src(%arg8 : memref<128xf32, #tpu.memory_space<vmem>>) dst(%dma_wait3A_102 : memref<10240xf32, #tpu.memory_space<vmem_shared>>)
        tpu.yield
      }) : () -> ()
    }
    %scan3A_9 = arith.constant 80 : i32
    %barrier3A_10 = arith.constant 0 : index
    tpu.barrier barrier_id(%barrier3A_10)
    %mul3A_11 = arith.constant 640 : i32
    %mul3A_12 = arith.muli %arg1, %mul3A_11 : i32
    %mul3A_13 = arith.constant 640 : i32
    %mul3A_14 = arith.muli %arg1, %mul3A_13 : i32
    "tpu.region"() ({
      %run_scoped3A = tpu.sem_alloc : memref<!tpu.dma_semaphore, #tpu.memory_space<semaphore_mem>>
      %dma_start3A = arith.constant 0 : i32
      %dma_start3A_15 = tpu.memref_slice %arg5[%arg0, %dma_start3A] : memref<2x10240xf32, #tpu.memory_space<hbm>> -> memref<1x10240xf32, #tpu.memory_space<hbm>>
      %dma_start3A_16 = tpu.memref_squeeze %dma_start3A_15 : memref<1x10240xf32, #tpu.memory_space<hbm>> -> memref<10240xf32, #tpu.memory_space<hbm>>
      %dma_start3A_17 = tpu.memref_slice %dma_start3A_16[%mul3A_14] : memref<10240xf32, #tpu.memory_space<hbm>> -> memref<640xf32, #tpu.memory_space<hbm>>
      %dma_start3A_18 = tpu.memref_slice %arg9[%mul3A_12] : memref<10240xf32, #tpu.memory_space<vmem_shared>> -> memref<640xf32, #tpu.memory_space<vmem_shared>>
      tpu.enqueue_dma source(%dma_start3A_18 : memref<640xf32, #tpu.memory_space<vmem_shared>>) target(%dma_start3A_17 : memref<640xf32, #tpu.memory_space<hbm>>) target_semaphore(%run_scoped3A : memref<!tpu.dma_semaphore, #tpu.memory_space<semaphore_mem>>)
      %dma_wait3A = arith.constant 0 : i32
      %dma_wait3A_19 = tpu.memref_slice %arg5[%arg0, %dma_wait3A] : memref<2x10240xf32, #tpu.memory_space<hbm>> -> memref<1x10240xf32, #tpu.memory_space<hbm>>
      %dma_wait3A_20 = tpu.memref_squeeze %dma_wait3A_19 : memref<1x10240xf32, #tpu.memory_space<hbm>> -> memref<10240xf32, #tpu.memory_space<hbm>>
      %dma_wait3A_21 = tpu.memref_slice %dma_wait3A_20[%mul3A_14] : memref<10240xf32, #tpu.memory_space<hbm>> -> memref<640xf32, #tpu.memory_space<hbm>>
      %dma_wait3A_22 = tpu.memref_slice %arg9[%mul3A_12] : memref<10240xf32, #tpu.memory_space<vmem_shared>> -> memref<640xf32, #tpu.memory_space<vmem_shared>>
      tpu.wait_dma2 semaphore(%run_scoped3A : memref<!tpu.dma_semaphore, #tpu.memory_space<semaphore_mem>>) src(%dma_wait3A_22 : memref<640xf32, #tpu.memory_space<vmem_shared>>) dst(%dma_wait3A_21 : memref<640xf32, #tpu.memory_space<hbm>>)
      tpu.yield
    }) : () -> ()
    return
  }
}

#map = affine_map<(d0, d1) -> (0, 0)>
#map1 = affine_map<(d0, d1) -> (0, 0, 0)>
module attributes {stable_mosaic.version = 14 : i64} {
  func.func @_edge_body(%arg0: i32, %arg1: i32, %arg2: memref<10000x128xf32, #tpu.memory_space<hbm>>, %arg3: memref<32x80x128xi32, #tpu.memory_space<hbm>>, %arg4: memref<10240x128xf32, #tpu.memory_space<hbm>>, %arg5: memref<2x10240x128xf32, #tpu.memory_space<hbm>>, %arg6: memref<80x128xi32, #tpu.memory_space<vmem>>, %arg7: memref<128xi32, #tpu.memory_space<vmem>>, %arg8: memref<128xi32, #tpu.memory_space<vmem>>, %arg9: memref<128xi32, #tpu.memory_space<vmem>>, %arg10: memref<128xi32, #tpu.memory_space<vmem>>, %arg11: memref<128x128xf32, #tpu.memory_space<vmem>>, %arg12: memref<128x128xf32, #tpu.memory_space<vmem>>, %arg13: memref<10240x128xf32, #tpu.memory_space<vmem_shared>>, %arg14: memref<!tpu.dma_semaphore, #tpu.memory_space<semaphore_mem>>, %arg15: memref<!tpu.dma_semaphore, #tpu.memory_space<semaphore_mem>>) attributes {dimension_semantics = [#tpu.dimension_semantics<core_parallel>, #tpu.dimension_semantics<subcore_parallel>], iteration_bounds = array<i64: 2, 16>, scalar_prefetch = 0 : i64, scratch_operands = 10 : i64, tpu.core_type = #tpu.core_type<sc_vector_subcore>, window_params = [{transform_indices = #map}, {transform_indices = #map1}, {transform_indices = #map}, {transform_indices = #map1}]} {
    %mul3A = arith.constant 2 : i32
    %mul3A_0 = arith.muli %arg1, %mul3A : i32
    %add3A = arith.addi %mul3A_0, %arg0 : i32
    "tpu.region"() ({
      %run_scoped3A = tpu.sem_alloc : memref<!tpu.dma_semaphore, #tpu.memory_space<semaphore_mem>>
      %dma_start3A_325 = arith.constant 0 : i32
      %dma_start3A_326 = arith.constant 0 : i32
      %dma_start3A_327 = tpu.memref_slice %arg3[%add3A, %dma_start3A_325, %dma_start3A_326] : memref<32x80x128xi32, #tpu.memory_space<hbm>> -> memref<1x80x128xi32, #tpu.memory_space<hbm>>
      %dma_start3A_328 = tpu.memref_squeeze %dma_start3A_327 : memref<1x80x128xi32, #tpu.memory_space<hbm>> -> memref<80x128xi32, #tpu.memory_space<hbm>>
      %dma_start3A_329 = arith.constant 0 : i32
      %dma_start3A_330 = arith.constant 0 : i32
      %dma_start3A_331 = tpu.memref_slice %arg3[%add3A, %dma_start3A_329, %dma_start3A_330] : memref<32x80x128xi32, #tpu.memory_space<hbm>> -> memref<1x80x128xi32, #tpu.memory_space<hbm>>
      %dma_start3A_332 = tpu.memref_squeeze %dma_start3A_331 : memref<1x80x128xi32, #tpu.memory_space<hbm>> -> memref<80x128xi32, #tpu.memory_space<hbm>>
      tpu.enqueue_dma source(%dma_start3A_332 : memref<80x128xi32, #tpu.memory_space<hbm>>) target(%arg6 : memref<80x128xi32, #tpu.memory_space<vmem>>) target_semaphore(%run_scoped3A : memref<!tpu.dma_semaphore, #tpu.memory_space<semaphore_mem>>)
      %dma_wait3A_333 = arith.constant 0 : i32
      %dma_wait3A_334 = arith.constant 0 : i32
      %dma_wait3A_335 = tpu.memref_slice %arg3[%add3A, %dma_wait3A_333, %dma_wait3A_334] : memref<32x80x128xi32, #tpu.memory_space<hbm>> -> memref<1x80x128xi32, #tpu.memory_space<hbm>>
      %dma_wait3A_336 = tpu.memref_squeeze %dma_wait3A_335 : memref<1x80x128xi32, #tpu.memory_space<hbm>> -> memref<80x128xi32, #tpu.memory_space<hbm>>
      %dma_wait3A_337 = arith.constant 0 : i32
      %dma_wait3A_338 = arith.constant 0 : i32
      %dma_wait3A_339 = tpu.memref_slice %arg3[%add3A, %dma_wait3A_337, %dma_wait3A_338] : memref<32x80x128xi32, #tpu.memory_space<hbm>> -> memref<1x80x128xi32, #tpu.memory_space<hbm>>
      %dma_wait3A_340 = tpu.memref_squeeze %dma_wait3A_339 : memref<1x80x128xi32, #tpu.memory_space<hbm>> -> memref<80x128xi32, #tpu.memory_space<hbm>>
      tpu.wait_dma2 semaphore(%run_scoped3A : memref<!tpu.dma_semaphore, #tpu.memory_space<semaphore_mem>>) src(%dma_wait3A_340 : memref<80x128xi32, #tpu.memory_space<hbm>>) dst(%arg6 : memref<80x128xi32, #tpu.memory_space<vmem>>)
      tpu.yield
    }) : () -> ()
    %mul3A_1 = arith.constant 640 : i32
    %mul3A_2 = arith.muli %arg1, %mul3A_1 : i32
    %mul3A_3 = arith.constant 640 : i32
    %mul3A_4 = arith.muli %arg1, %mul3A_3 : i32
    "tpu.region"() ({
      %run_scoped3A = tpu.sem_alloc : memref<!tpu.dma_semaphore, #tpu.memory_space<semaphore_mem>>
      %dma_start3A_325 = arith.constant 0 : i32
      %dma_start3A_326 = tpu.memref_slice %arg13[%mul3A_4, %dma_start3A_325] : memref<10240x128xf32, #tpu.memory_space<vmem_shared>> -> memref<640x128xf32, #tpu.memory_space<vmem_shared>>
      %dma_start3A_327 = arith.constant 0 : i32
      %dma_start3A_328 = tpu.memref_slice %arg4[%mul3A_2, %dma_start3A_327] : memref<10240x128xf32, #tpu.memory_space<hbm>> -> memref<640x128xf32, #tpu.memory_space<hbm>>
      tpu.enqueue_dma source(%dma_start3A_328 : memref<640x128xf32, #tpu.memory_space<hbm>>) target(%dma_start3A_326 : memref<640x128xf32, #tpu.memory_space<vmem_shared>>) target_semaphore(%run_scoped3A : memref<!tpu.dma_semaphore, #tpu.memory_space<semaphore_mem>>)
      %dma_wait3A_329 = arith.constant 0 : i32
      %dma_wait3A_330 = tpu.memref_slice %arg13[%mul3A_4, %dma_wait3A_329] : memref<10240x128xf32, #tpu.memory_space<vmem_shared>> -> memref<640x128xf32, #tpu.memory_space<vmem_shared>>
      %dma_wait3A_331 = arith.constant 0 : i32
      %dma_wait3A_332 = tpu.memref_slice %arg4[%mul3A_2, %dma_wait3A_331] : memref<10240x128xf32, #tpu.memory_space<hbm>> -> memref<640x128xf32, #tpu.memory_space<hbm>>
      tpu.wait_dma2 semaphore(%run_scoped3A : memref<!tpu.dma_semaphore, #tpu.memory_space<semaphore_mem>>) src(%dma_wait3A_332 : memref<640x128xf32, #tpu.memory_space<hbm>>) dst(%dma_wait3A_330 : memref<640x128xf32, #tpu.memory_space<vmem_shared>>)
      tpu.yield
    }) : () -> ()
    %barrier3A = arith.constant 0 : index
    tpu.barrier barrier_id(%barrier3A)
    %get3A = arith.constant 0 : i32
    %get3A_5 = arith.index_cast %get3A : i32 to index
    %get3A_6 = arith.constant 0 : index
    %get3A_7 = tpu.vector_load %arg6[%get3A_5, %get3A_6] {strides = array<i32>} : memref<80x128xi32, #tpu.memory_space<vmem>>, vector<1x16xi32>,
    %get3A_8 = vector.shape_cast %get3A_7 : vector<1x16xi32> to vector<16xi32>
    %and3A = arith.constant 65535 : i32
    %and3A_9 = vector.broadcast %and3A : i32 to vector<16xi32>
    %and3A_10 = arith.andi %get3A_8, %and3A_9 : vector<16xi32>
    %swap3A = arith.constant 0 : index
    %swap3A_11 = tpu.vector_load %arg7[%swap3A] {strides = array<i32>} : memref<128xi32, #tpu.memory_space<vmem>>, vector<16xi32>,
    %swap3A_12 = vector.shape_cast %swap3A_11 : vector<16xi32> to vector<16xi32>
    %swap3A_13 = vector.shape_cast %and3A_10 : vector<16xi32> to vector<16xi32>
    tpu.vector_store %arg7[%swap3A], %swap3A_13 {strides = array<i32>} : memref<128xi32, #tpu.memory_space<vmem>>, vector<16xi32>,
    %shift_right_logical3A = arith.constant 16 : i32
    %shift_right_logical3A_14 = vector.broadcast %shift_right_logical3A : i32 to vector<16xi32>
    %shift_right_logical3A_15 = arith.shrui %get3A_8, %shift_right_logical3A_14 : vector<16xi32>
    %swap3A_16 = arith.constant 0 : index
    %swap3A_17 = tpu.vector_load %arg8[%swap3A_16] {strides = array<i32>} : memref<128xi32, #tpu.memory_space<vmem>>, vector<16xi32>,
    %swap3A_18 = vector.shape_cast %swap3A_17 : vector<16xi32> to vector<16xi32>
    %swap3A_19 = vector.shape_cast %shift_right_logical3A_15 : vector<16xi32> to vector<16xi32>
    tpu.vector_store %arg8[%swap3A_16], %swap3A_19 {strides = array<i32>} : memref<128xi32, #tpu.memory_space<vmem>>, vector<16xi32>,
    %get3A_20 = arith.constant 0 : i32
    %get3A_21 = arith.index_cast %get3A_20 : i32 to index
    %get3A_22 = arith.constant 16 : index
    %get3A_23 = tpu.vector_load %arg6[%get3A_21, %get3A_22] {strides = array<i32>} : memref<80x128xi32, #tpu.memory_space<vmem>>, vector<1x16xi32>,
    %get3A_24 = vector.shape_cast %get3A_23 : vector<1x16xi32> to vector<16xi32>
    %and3A_25 = arith.constant 65535 : i32
    %and3A_26 = vector.broadcast %and3A_25 : i32 to vector<16xi32>
    %and3A_27 = arith.andi %get3A_24, %and3A_26 : vector<16xi32>
    %swap3A_28 = arith.constant 16 : index
    %swap3A_29 = tpu.vector_load %arg7[%swap3A_28] {strides = array<i32>} : memref<128xi32, #tpu.memory_space<vmem>>, vector<16xi32>,
    %swap3A_30 = vector.shape_cast %swap3A_29 : vector<16xi32> to vector<16xi32>
    %swap3A_31 = vector.shape_cast %and3A_27 : vector<16xi32> to vector<16xi32>
    tpu.vector_store %arg7[%swap3A_28], %swap3A_31 {strides = array<i32>} : memref<128xi32, #tpu.memory_space<vmem>>, vector<16xi32>,
    %shift_right_logical3A_32 = arith.constant 16 : i32
    %shift_right_logical3A_33 = vector.broadcast %shift_right_logical3A_32 : i32 to vector<16xi32>
    %shift_right_logical3A_34 = arith.shrui %get3A_24, %shift_right_logical3A_33 : vector<16xi32>
    %swap3A_35 = arith.constant 16 : index
    %swap3A_36 = tpu.vector_load %arg8[%swap3A_35] {strides = array<i32>} : memref<128xi32, #tpu.memory_space<vmem>>, vector<16xi32>,
    %swap3A_37 = vector.shape_cast %swap3A_36 : vector<16xi32> to vector<16xi32>
    %swap3A_38 = vector.shape_cast %shift_right_logical3A_34 : vector<16xi32> to vector<16xi32>
    tpu.vector_store %arg8[%swap3A_35], %swap3A_38 {strides = array<i32>} : memref<128xi32, #tpu.memory_space<vmem>>, vector<16xi32>,
    %get3A_39 = arith.constant 0 : i32
    %get3A_40 = arith.index_cast %get3A_39 : i32 to index
    %get3A_41 = arith.constant 32 : index
    %get3A_42 = tpu.vector_load %arg6[%get3A_40, %get3A_41] {strides = array<i32>} : memref<80x128xi32, #tpu.memory_space<vmem>>, vector<1x16xi32>,
    %get3A_43 = vector.shape_cast %get3A_42 : vector<1x16xi32> to vector<16xi32>
    %and3A_44 = arith.constant 65535 : i32
    %and3A_45 = vector.broadcast %and3A_44 : i32 to vector<16xi32>
    %and3A_46 = arith.andi %get3A_43, %and3A_45 : vector<16xi32>
    %swap3A_47 = arith.constant 32 : index
    %swap3A_48 = tpu.vector_load %arg7[%swap3A_47] {strides = array<i32>} : memref<128xi32, #tpu.memory_space<vmem>>, vector<16xi32>,
    %swap3A_49 = vector.shape_cast %swap3A_48 : vector<16xi32> to vector<16xi32>
    %swap3A_50 = vector.shape_cast %and3A_46 : vector<16xi32> to vector<16xi32>
    tpu.vector_store %arg7[%swap3A_47], %swap3A_50 {strides = array<i32>} : memref<128xi32, #tpu.memory_space<vmem>>, vector<16xi32>,
    %shift_right_logical3A_51 = arith.constant 16 : i32
    %shift_right_logical3A_52 = vector.broadcast %shift_right_logical3A_51 : i32 to vector<16xi32>
    %shift_right_logical3A_53 = arith.shrui %get3A_43, %shift_right_logical3A_52 : vector<16xi32>
    %swap3A_54 = arith.constant 32 : index
    %swap3A_55 = tpu.vector_load %arg8[%swap3A_54] {strides = array<i32>} : memref<128xi32, #tpu.memory_space<vmem>>, vector<16xi32>,
    %swap3A_56 = vector.shape_cast %swap3A_55 : vector<16xi32> to vector<16xi32>
    %swap3A_57 = vector.shape_cast %shift_right_logical3A_53 : vector<16xi32> to vector<16xi32>
    tpu.vector_store %arg8[%swap3A_54], %swap3A_57 {strides = array<i32>} : memref<128xi32, #tpu.memory_space<vmem>>, vector<16xi32>,
    %get3A_58 = arith.constant 0 : i32
    %get3A_59 = arith.index_cast %get3A_58 : i32 to index
    %get3A_60 = arith.constant 48 : index
    %get3A_61 = tpu.vector_load %arg6[%get3A_59, %get3A_60] {strides = array<i32>} : memref<80x128xi32, #tpu.memory_space<vmem>>, vector<1x16xi32>,
    %get3A_62 = vector.shape_cast %get3A_61 : vector<1x16xi32> to vector<16xi32>
    %and3A_63 = arith.constant 65535 : i32
    %and3A_64 = vector.broadcast %and3A_63 : i32 to vector<16xi32>
    %and3A_65 = arith.andi %get3A_62, %and3A_64 : vector<16xi32>
    %swap3A_66 = arith.constant 48 : index
    %swap3A_67 = tpu.vector_load %arg7[%swap3A_66] {strides = array<i32>} : memref<128xi32, #tpu.memory_space<vmem>>, vector<16xi32>,
    %swap3A_68 = vector.shape_cast %swap3A_67 : vector<16xi32> to vector<16xi32>
    %swap3A_69 = vector.shape_cast %and3A_65 : vector<16xi32> to vector<16xi32>
    tpu.vector_store %arg7[%swap3A_66], %swap3A_69 {strides = array<i32>} : memref<128xi32, #tpu.memory_space<vmem>>, vector<16xi32>,
    %shift_right_logical3A_70 = arith.constant 16 : i32
    %shift_right_logical3A_71 = vector.broadcast %shift_right_logical3A_70 : i32 to vector<16xi32>
    %shift_right_logical3A_72 = arith.shrui %get3A_62, %shift_right_logical3A_71 : vector<16xi32>
    %swap3A_73 = arith.constant 48 : index
    %swap3A_74 = tpu.vector_load %arg8[%swap3A_73] {strides = array<i32>} : memref<128xi32, #tpu.memory_space<vmem>>, vector<16xi32>,
    %swap3A_75 = vector.shape_cast %swap3A_74 : vector<16xi32> to vector<16xi32>
    %swap3A_76 = vector.shape_cast %shift_right_logical3A_72 : vector<16xi32> to vector<16xi32>
    tpu.vector_store %arg8[%swap3A_73], %swap3A_76 {strides = array<i32>} : memref<128xi32, #tpu.memory_space<vmem>>, vector<16xi32>,
    %get3A_77 = arith.constant 0 : i32
    %get3A_78 = arith.index_cast %get3A_77 : i32 to index
    %get3A_79 = arith.constant 64 : index
    %get3A_80 = tpu.vector_load %arg6[%get3A_78, %get3A_79] {strides = array<i32>} : memref<80x128xi32, #tpu.memory_space<vmem>>, vector<1x16xi32>,
    %get3A_81 = vector.shape_cast %get3A_80 : vector<1x16xi32> to vector<16xi32>
    %and3A_82 = arith.constant 65535 : i32
    %and3A_83 = vector.broadcast %and3A_82 : i32 to vector<16xi32>
    %and3A_84 = arith.andi %get3A_81, %and3A_83 : vector<16xi32>
    %swap3A_85 = arith.constant 64 : index
    %swap3A_86 = tpu.vector_load %arg7[%swap3A_85] {strides = array<i32>} : memref<128xi32, #tpu.memory_space<vmem>>, vector<16xi32>,
    %swap3A_87 = vector.shape_cast %swap3A_86 : vector<16xi32> to vector<16xi32>
    %swap3A_88 = vector.shape_cast %and3A_84 : vector<16xi32> to vector<16xi32>
    tpu.vector_store %arg7[%swap3A_85], %swap3A_88 {strides = array<i32>} : memref<128xi32, #tpu.memory_space<vmem>>, vector<16xi32>,
    %shift_right_logical3A_89 = arith.constant 16 : i32
    %shift_right_logical3A_90 = vector.broadcast %shift_right_logical3A_89 : i32 to vector<16xi32>
    %shift_right_logical3A_91 = arith.shrui %get3A_81, %shift_right_logical3A_90 : vector<16xi32>
    %swap3A_92 = arith.constant 64 : index
    %swap3A_93 = tpu.vector_load %arg8[%swap3A_92] {strides = array<i32>} : memref<128xi32, #tpu.memory_space<vmem>>, vector<16xi32>,
    %swap3A_94 = vector.shape_cast %swap3A_93 : vector<16xi32> to vector<16xi32>
    %swap3A_95 = vector.shape_cast %shift_right_logical3A_91 : vector<16xi32> to vector<16xi32>
    tpu.vector_store %arg8[%swap3A_92], %swap3A_95 {strides = array<i32>} : memref<128xi32, #tpu.memory_space<vmem>>, vector<16xi32>,
    %get3A_96 = arith.constant 0 : i32
    %get3A_97 = arith.index_cast %get3A_96 : i32 to index
    %get3A_98 = arith.constant 80 : index
    %get3A_99 = tpu.vector_load %arg6[%get3A_97, %get3A_98] {strides = array<i32>} : memref<80x128xi32, #tpu.memory_space<vmem>>, vector<1x16xi32>,
    %get3A_100 = vector.shape_cast %get3A_99 : vector<1x16xi32> to vector<16xi32>
    %and3A_101 = arith.constant 65535 : i32
    %and3A_102 = vector.broadcast %and3A_101 : i32 to vector<16xi32>
    %and3A_103 = arith.andi %get3A_100, %and3A_102 : vector<16xi32>
    %swap3A_104 = arith.constant 80 : index
    %swap3A_105 = tpu.vector_load %arg7[%swap3A_104] {strides = array<i32>} : memref<128xi32, #tpu.memory_space<vmem>>, vector<16xi32>,
    %swap3A_106 = vector.shape_cast %swap3A_105 : vector<16xi32> to vector<16xi32>
    %swap3A_107 = vector.shape_cast %and3A_103 : vector<16xi32> to vector<16xi32>
    tpu.vector_store %arg7[%swap3A_104], %swap3A_107 {strides = array<i32>} : memref<128xi32, #tpu.memory_space<vmem>>, vector<16xi32>,
    %shift_right_logical3A_108 = arith.constant 16 : i32
    %shift_right_logical3A_109 = vector.broadcast %shift_right_logical3A_108 : i32 to vector<16xi32>
    %shift_right_logical3A_110 = arith.shrui %get3A_100, %shift_right_logical3A_109 : vector<16xi32>
    %swap3A_111 = arith.constant 80 : index
    %swap3A_112 = tpu.vector_load %arg8[%swap3A_111] {strides = array<i32>} : memref<128xi32, #tpu.memory_space<vmem>>, vector<16xi32>,
    %swap3A_113 = vector.shape_cast %swap3A_112 : vector<16xi32> to vector<16xi32>
    %swap3A_114 = vector.shape_cast %shift_right_logical3A_110 : vector<16xi32> to vector<16xi32>
    tpu.vector_store %arg8[%swap3A_111], %swap3A_114 {strides = array<i32>} : memref<128xi32, #tpu.memory_space<vmem>>, vector<16xi32>,
    %get3A_115 = arith.constant 0 : i32
    %get3A_116 = arith.index_cast %get3A_115 : i32 to index
    %get3A_117 = arith.constant 96 : index
    %get3A_118 = tpu.vector_load %arg6[%get3A_116, %get3A_117] {strides = array<i32>} : memref<80x128xi32, #tpu.memory_space<vmem>>, vector<1x16xi32>,
    %get3A_119 = vector.shape_cast %get3A_118 : vector<1x16xi32> to vector<16xi32>
    %and3A_120 = arith.constant 65535 : i32
    %and3A_121 = vector.broadcast %and3A_120 : i32 to vector<16xi32>
    %and3A_122 = arith.andi %get3A_119, %and3A_121 : vector<16xi32>
    %swap3A_123 = arith.constant 96 : index
    %swap3A_124 = tpu.vector_load %arg7[%swap3A_123] {strides = array<i32>} : memref<128xi32, #tpu.memory_space<vmem>>, vector<16xi32>,
    %swap3A_125 = vector.shape_cast %swap3A_124 : vector<16xi32> to vector<16xi32>
    %swap3A_126 = vector.shape_cast %and3A_122 : vector<16xi32> to vector<16xi32>
    tpu.vector_store %arg7[%swap3A_123], %swap3A_126 {strides = array<i32>} : memref<128xi32, #tpu.memory_space<vmem>>, vector<16xi32>,
    %shift_right_logical3A_127 = arith.constant 16 : i32
    %shift_right_logical3A_128 = vector.broadcast %shift_right_logical3A_127 : i32 to vector<16xi32>
    %shift_right_logical3A_129 = arith.shrui %get3A_119, %shift_right_logical3A_128 : vector<16xi32>
    %swap3A_130 = arith.constant 96 : index
    %swap3A_131 = tpu.vector_load %arg8[%swap3A_130] {strides = array<i32>} : memref<128xi32, #tpu.memory_space<vmem>>, vector<16xi32>,
    %swap3A_132 = vector.shape_cast %swap3A_131 : vector<16xi32> to vector<16xi32>
    %swap3A_133 = vector.shape_cast %shift_right_logical3A_129 : vector<16xi32> to vector<16xi32>
    tpu.vector_store %arg8[%swap3A_130], %swap3A_133 {strides = array<i32>} : memref<128xi32, #tpu.memory_space<vmem>>, vector<16xi32>,
    %get3A_134 = arith.constant 0 : i32
    %get3A_135 = arith.index_cast %get3A_134 : i32 to index
    %get3A_136 = arith.constant 112 : index
    %get3A_137 = tpu.vector_load %arg6[%get3A_135, %get3A_136] {strides = array<i32>} : memref<80x128xi32, #tpu.memory_space<vmem>>, vector<1x16xi32>,
    %get3A_138 = vector.shape_cast %get3A_137 : vector<1x16xi32> to vector<16xi32>
    %and3A_139 = arith.constant 65535 : i32
    %and3A_140 = vector.broadcast %and3A_139 : i32 to vector<16xi32>
    %and3A_141 = arith.andi %get3A_138, %and3A_140 : vector<16xi32>
    %swap3A_142 = arith.constant 112 : index
    %swap3A_143 = tpu.vector_load %arg7[%swap3A_142] {strides = array<i32>} : memref<128xi32, #tpu.memory_space<vmem>>, vector<16xi32>,
    %swap3A_144 = vector.shape_cast %swap3A_143 : vector<16xi32> to vector<16xi32>
    %swap3A_145 = vector.shape_cast %and3A_141 : vector<16xi32> to vector<16xi32>
    tpu.vector_store %arg7[%swap3A_142], %swap3A_145 {strides = array<i32>} : memref<128xi32, #tpu.memory_space<vmem>>, vector<16xi32>,
    %shift_right_logical3A_146 = arith.constant 16 : i32
    %shift_right_logical3A_147 = vector.broadcast %shift_right_logical3A_146 : i32 to vector<16xi32>
    %shift_right_logical3A_148 = arith.shrui %get3A_138, %shift_right_logical3A_147 : vector<16xi32>
    %swap3A_149 = arith.constant 112 : index
    %swap3A_150 = tpu.vector_load %arg8[%swap3A_149] {strides = array<i32>} : memref<128xi32, #tpu.memory_space<vmem>>, vector<16xi32>,
    %swap3A_151 = vector.shape_cast %swap3A_150 : vector<16xi32> to vector<16xi32>
    %swap3A_152 = vector.shape_cast %shift_right_logical3A_148 : vector<16xi32> to vector<16xi32>
    tpu.vector_store %arg8[%swap3A_149], %swap3A_152 {strides = array<i32>} : memref<128xi32, #tpu.memory_space<vmem>>, vector<16xi32>,
    %dma_start3A = arith.constant 0 : i32
    %dma_start3A_153 = arith.constant 0 : i32
    %dma_start3A_154 = tpu.memref_slice %arg2[%dma_start3A, %dma_start3A_153] : memref<10000x128xf32, #tpu.memory_space<hbm>> -> memref<10000x128xf32, #tpu.memory_space<hbm>>
    tpu.enqueue_indirect_dma source(%dma_start3A_154 : memref<10000x128xf32, #tpu.memory_space<hbm>>) target(%arg11 : memref<128x128xf32, #tpu.memory_space<vmem>>) offsets(%arg7 : memref<128xi32, #tpu.memory_space<vmem>>) semaphore(%arg14 : memref<!tpu.dma_semaphore, #tpu.memory_space<semaphore_mem>>)
    %get3A_155 = arith.constant 1 : i32
    %get3A_156 = arith.index_cast %get3A_155 : i32 to index
    %get3A_157 = arith.constant 0 : index
    %get3A_158 = tpu.vector_load %arg6[%get3A_156, %get3A_157] {strides = array<i32>} : memref<80x128xi32, #tpu.memory_space<vmem>>, vector<1x16xi32>,
    %get3A_159 = vector.shape_cast %get3A_158 : vector<1x16xi32> to vector<16xi32>
    %and3A_160 = arith.constant 65535 : i32
    %and3A_161 = vector.broadcast %and3A_160 : i32 to vector<16xi32>
    %and3A_162 = arith.andi %get3A_159, %and3A_161 : vector<16xi32>
    %swap3A_163 = arith.constant 0 : index
    %swap3A_164 = tpu.vector_load %arg9[%swap3A_163] {strides = array<i32>} : memref<128xi32, #tpu.memory_space<vmem>>, vector<16xi32>,
    %swap3A_165 = vector.shape_cast %swap3A_164 : vector<16xi32> to vector<16xi32>
    %swap3A_166 = vector.shape_cast %and3A_162 : vector<16xi32> to vector<16xi32>
    tpu.vector_store %arg9[%swap3A_163], %swap3A_166 {strides = array<i32>} : memref<128xi32, #tpu.memory_space<vmem>>, vector<16xi32>,
    %shift_right_logical3A_167 = arith.constant 16 : i32
    %shift_right_logical3A_168 = vector.broadcast %shift_right_logical3A_167 : i32 to vector<16xi32>
    %shift_right_logical3A_169 = arith.shrui %get3A_159, %shift_right_logical3A_168 : vector<16xi32>
    %swap3A_170 = arith.constant 0 : index
    %swap3A_171 = tpu.vector_load %arg10[%swap3A_170] {strides = array<i32>} : memref<128xi32, #tpu.memory_space<vmem>>, vector<16xi32>,
    %swap3A_172 = vector.shape_cast %swap3A_171 : vector<16xi32> to vector<16xi32>
    %swap3A_173 = vector.shape_cast %shift_right_logical3A_169 : vector<16xi32> to vector<16xi32>
    tpu.vector_store %arg10[%swap3A_170], %swap3A_173 {strides = array<i32>} : memref<128xi32, #tpu.memory_space<vmem>>, vector<16xi32>,
    %get3A_174 = arith.constant 1 : i32
    %get3A_175 = arith.index_cast %get3A_174 : i32 to index
    %get3A_176 = arith.constant 16 : index
    %get3A_177 = tpu.vector_load %arg6[%get3A_175, %get3A_176] {strides = array<i32>} : memref<80x128xi32, #tpu.memory_space<vmem>>, vector<1x16xi32>,
    %get3A_178 = vector.shape_cast %get3A_177 : vector<1x16xi32> to vector<16xi32>
    %and3A_179 = arith.constant 65535 : i32
    %and3A_180 = vector.broadcast %and3A_179 : i32 to vector<16xi32>
    %and3A_181 = arith.andi %get3A_178, %and3A_180 : vector<16xi32>
    %swap3A_182 = arith.constant 16 : index
    %swap3A_183 = tpu.vector_load %arg9[%swap3A_182] {strides = array<i32>} : memref<128xi32, #tpu.memory_space<vmem>>, vector<16xi32>,
    %swap3A_184 = vector.shape_cast %swap3A_183 : vector<16xi32> to vector<16xi32>
    %swap3A_185 = vector.shape_cast %and3A_181 : vector<16xi32> to vector<16xi32>
    tpu.vector_store %arg9[%swap3A_182], %swap3A_185 {strides = array<i32>} : memref<128xi32, #tpu.memory_space<vmem>>, vector<16xi32>,
    %shift_right_logical3A_186 = arith.constant 16 : i32
    %shift_right_logical3A_187 = vector.broadcast %shift_right_logical3A_186 : i32 to vector<16xi32>
    %shift_right_logical3A_188 = arith.shrui %get3A_178, %shift_right_logical3A_187 : vector<16xi32>
    %swap3A_189 = arith.constant 16 : index
    %swap3A_190 = tpu.vector_load %arg10[%swap3A_189] {strides = array<i32>} : memref<128xi32, #tpu.memory_space<vmem>>, vector<16xi32>,
    %swap3A_191 = vector.shape_cast %swap3A_190 : vector<16xi32> to vector<16xi32>
    %swap3A_192 = vector.shape_cast %shift_right_logical3A_188 : vector<16xi32> to vector<16xi32>
    tpu.vector_store %arg10[%swap3A_189], %swap3A_192 {strides = array<i32>} : memref<128xi32, #tpu.memory_space<vmem>>, vector<16xi32>,
    %get3A_193 = arith.constant 1 : i32
    %get3A_194 = arith.index_cast %get3A_193 : i32 to index
    %get3A_195 = arith.constant 32 : index
    %get3A_196 = tpu.vector_load %arg6[%get3A_194, %get3A_195] {strides = array<i32>} : memref<80x128xi32, #tpu.memory_space<vmem>>, vector<1x16xi32>,
    %get3A_197 = vector.shape_cast %get3A_196 : vector<1x16xi32> to vector<16xi32>
    %and3A_198 = arith.constant 65535 : i32
    %and3A_199 = vector.broadcast %and3A_198 : i32 to vector<16xi32>
    %and3A_200 = arith.andi %get3A_197, %and3A_199 : vector<16xi32>
    %swap3A_201 = arith.constant 32 : index
    %swap3A_202 = tpu.vector_load %arg9[%swap3A_201] {strides = array<i32>} : memref<128xi32, #tpu.memory_space<vmem>>, vector<16xi32>,
    %swap3A_203 = vector.shape_cast %swap3A_202 : vector<16xi32> to vector<16xi32>
    %swap3A_204 = vector.shape_cast %and3A_200 : vector<16xi32> to vector<16xi32>
    tpu.vector_store %arg9[%swap3A_201], %swap3A_204 {strides = array<i32>} : memref<128xi32, #tpu.memory_space<vmem>>, vector<16xi32>,
    %shift_right_logical3A_205 = arith.constant 16 : i32
    %shift_right_logical3A_206 = vector.broadcast %shift_right_logical3A_205 : i32 to vector<16xi32>
    %shift_right_logical3A_207 = arith.shrui %get3A_197, %shift_right_logical3A_206 : vector<16xi32>
    %swap3A_208 = arith.constant 32 : index
    %swap3A_209 = tpu.vector_load %arg10[%swap3A_208] {strides = array<i32>} : memref<128xi32, #tpu.memory_space<vmem>>, vector<16xi32>,
    %swap3A_210 = vector.shape_cast %swap3A_209 : vector<16xi32> to vector<16xi32>
    %swap3A_211 = vector.shape_cast %shift_right_logical3A_207 : vector<16xi32> to vector<16xi32>
    tpu.vector_store %arg10[%swap3A_208], %swap3A_211 {strides = array<i32>} : memref<128xi32, #tpu.memory_space<vmem>>, vector<16xi32>,
    %get3A_212 = arith.constant 1 : i32
    %get3A_213 = arith.index_cast %get3A_212 : i32 to index
    %get3A_214 = arith.constant 48 : index
    %get3A_215 = tpu.vector_load %arg6[%get3A_213, %get3A_214] {strides = array<i32>} : memref<80x128xi32, #tpu.memory_space<vmem>>, vector<1x16xi32>,
    %get3A_216 = vector.shape_cast %get3A_215 : vector<1x16xi32> to vector<16xi32>
    %and3A_217 = arith.constant 65535 : i32
    %and3A_218 = vector.broadcast %and3A_217 : i32 to vector<16xi32>
    %and3A_219 = arith.andi %get3A_216, %and3A_218 : vector<16xi32>
    %swap3A_220 = arith.constant 48 : index
    %swap3A_221 = tpu.vector_load %arg9[%swap3A_220] {strides = array<i32>} : memref<128xi32, #tpu.memory_space<vmem>>, vector<16xi32>,
    %swap3A_222 = vector.shape_cast %swap3A_221 : vector<16xi32> to vector<16xi32>
    %swap3A_223 = vector.shape_cast %and3A_219 : vector<16xi32> to vector<16xi32>
    tpu.vector_store %arg9[%swap3A_220], %swap3A_223 {strides = array<i32>} : memref<128xi32, #tpu.memory_space<vmem>>, vector<16xi32>,
    %shift_right_logical3A_224 = arith.constant 16 : i32
    %shift_right_logical3A_225 = vector.broadcast %shift_right_logical3A_224 : i32 to vector<16xi32>
    %shift_right_logical3A_226 = arith.shrui %get3A_216, %shift_right_logical3A_225 : vector<16xi32>
    %swap3A_227 = arith.constant 48 : index
    %swap3A_228 = tpu.vector_load %arg10[%swap3A_227] {strides = array<i32>} : memref<128xi32, #tpu.memory_space<vmem>>, vector<16xi32>,
    %swap3A_229 = vector.shape_cast %swap3A_228 : vector<16xi32> to vector<16xi32>
    %swap3A_230 = vector.shape_cast %shift_right_logical3A_226 : vector<16xi32> to vector<16xi32>
    tpu.vector_store %arg10[%swap3A_227], %swap3A_230 {strides = array<i32>} : memref<128xi32, #tpu.memory_space<vmem>>, vector<16xi32>,
    %get3A_231 = arith.constant 1 : i32
    %get3A_232 = arith.index_cast %get3A_231 : i32 to index
    %get3A_233 = arith.constant 64 : index
    %get3A_234 = tpu.vector_load %arg6[%get3A_232, %get3A_233] {strides = array<i32>} : memref<80x128xi32, #tpu.memory_space<vmem>>, vector<1x16xi32>,
    %get3A_235 = vector.shape_cast %get3A_234 : vector<1x16xi32> to vector<16xi32>
    %and3A_236 = arith.constant 65535 : i32
    %and3A_237 = vector.broadcast %and3A_236 : i32 to vector<16xi32>
    %and3A_238 = arith.andi %get3A_235, %and3A_237 : vector<16xi32>
    %swap3A_239 = arith.constant 64 : index
    %swap3A_240 = tpu.vector_load %arg9[%swap3A_239] {strides = array<i32>} : memref<128xi32, #tpu.memory_space<vmem>>, vector<16xi32>,
    %swap3A_241 = vector.shape_cast %swap3A_240 : vector<16xi32> to vector<16xi32>
    %swap3A_242 = vector.shape_cast %and3A_238 : vector<16xi32> to vector<16xi32>
    tpu.vector_store %arg9[%swap3A_239], %swap3A_242 {strides = array<i32>} : memref<128xi32, #tpu.memory_space<vmem>>, vector<16xi32>,
    %shift_right_logical3A_243 = arith.constant 16 : i32
    %shift_right_logical3A_244 = vector.broadcast %shift_right_logical3A_243 : i32 to vector<16xi32>
    %shift_right_logical3A_245 = arith.shrui %get3A_235, %shift_right_logical3A_244 : vector<16xi32>
    %swap3A_246 = arith.constant 64 : index
    %swap3A_247 = tpu.vector_load %arg10[%swap3A_246] {strides = array<i32>} : memref<128xi32, #tpu.memory_space<vmem>>, vector<16xi32>,
    %swap3A_248 = vector.shape_cast %swap3A_247 : vector<16xi32> to vector<16xi32>
    %swap3A_249 = vector.shape_cast %shift_right_logical3A_245 : vector<16xi32> to vector<16xi32>
    tpu.vector_store %arg10[%swap3A_246], %swap3A_249 {strides = array<i32>} : memref<128xi32, #tpu.memory_space<vmem>>, vector<16xi32>,
    %get3A_250 = arith.constant 1 : i32
    %get3A_251 = arith.index_cast %get3A_250 : i32 to index
    %get3A_252 = arith.constant 80 : index
    %get3A_253 = tpu.vector_load %arg6[%get3A_251, %get3A_252] {strides = array<i32>} : memref<80x128xi32, #tpu.memory_space<vmem>>, vector<1x16xi32>,
    %get3A_254 = vector.shape_cast %get3A_253 : vector<1x16xi32> to vector<16xi32>
    %and3A_255 = arith.constant 65535 : i32
    %and3A_256 = vector.broadcast %and3A_255 : i32 to vector<16xi32>
    %and3A_257 = arith.andi %get3A_254, %and3A_256 : vector<16xi32>
    %swap3A_258 = arith.constant 80 : index
    %swap3A_259 = tpu.vector_load %arg9[%swap3A_258] {strides = array<i32>} : memref<128xi32, #tpu.memory_space<vmem>>, vector<16xi32>,
    %swap3A_260 = vector.shape_cast %swap3A_259 : vector<16xi32> to vector<16xi32>
    %swap3A_261 = vector.shape_cast %and3A_257 : vector<16xi32> to vector<16xi32>
    tpu.vector_store %arg9[%swap3A_258], %swap3A_261 {strides = array<i32>} : memref<128xi32, #tpu.memory_space<vmem>>, vector<16xi32>,
    %shift_right_logical3A_262 = arith.constant 16 : i32
    %shift_right_logical3A_263 = vector.broadcast %shift_right_logical3A_262 : i32 to vector<16xi32>
    %shift_right_logical3A_264 = arith.shrui %get3A_254, %shift_right_logical3A_263 : vector<16xi32>
    %swap3A_265 = arith.constant 80 : index
    %swap3A_266 = tpu.vector_load %arg10[%swap3A_265] {strides = array<i32>} : memref<128xi32, #tpu.memory_space<vmem>>, vector<16xi32>,
    %swap3A_267 = vector.shape_cast %swap3A_266 : vector<16xi32> to vector<16xi32>
    %swap3A_268 = vector.shape_cast %shift_right_logical3A_264 : vector<16xi32> to vector<16xi32>
    tpu.vector_store %arg10[%swap3A_265], %swap3A_268 {strides = array<i32>} : memref<128xi32, #tpu.memory_space<vmem>>, vector<16xi32>,
    %get3A_269 = arith.constant 1 : i32
    %get3A_270 = arith.index_cast %get3A_269 : i32 to index
    %get3A_271 = arith.constant 96 : index
    %get3A_272 = tpu.vector_load %arg6[%get3A_270, %get3A_271] {strides = array<i32>} : memref<80x128xi32, #tpu.memory_space<vmem>>, vector<1x16xi32>,
    %get3A_273 = vector.shape_cast %get3A_272 : vector<1x16xi32> to vector<16xi32>
    %and3A_274 = arith.constant 65535 : i32
    %and3A_275 = vector.broadcast %and3A_274 : i32 to vector<16xi32>
    %and3A_276 = arith.andi %get3A_273, %and3A_275 : vector<16xi32>
    %swap3A_277 = arith.constant 96 : index
    %swap3A_278 = tpu.vector_load %arg9[%swap3A_277] {strides = array<i32>} : memref<128xi32, #tpu.memory_space<vmem>>, vector<16xi32>,
    %swap3A_279 = vector.shape_cast %swap3A_278 : vector<16xi32> to vector<16xi32>
    %swap3A_280 = vector.shape_cast %and3A_276 : vector<16xi32> to vector<16xi32>
    tpu.vector_store %arg9[%swap3A_277], %swap3A_280 {strides = array<i32>} : memref<128xi32, #tpu.memory_space<vmem>>, vector<16xi32>,
    %shift_right_logical3A_281 = arith.constant 16 : i32
    %shift_right_logical3A_282 = vector.broadcast %shift_right_logical3A_281 : i32 to vector<16xi32>
    %shift_right_logical3A_283 = arith.shrui %get3A_273, %shift_right_logical3A_282 : vector<16xi32>
    %swap3A_284 = arith.constant 96 : index
    %swap3A_285 = tpu.vector_load %arg10[%swap3A_284] {strides = array<i32>} : memref<128xi32, #tpu.memory_space<vmem>>, vector<16xi32>,
    %swap3A_286 = vector.shape_cast %swap3A_285 : vector<16xi32> to vector<16xi32>
    %swap3A_287 = vector.shape_cast %shift_right_logical3A_283 : vector<16xi32> to vector<16xi32>
    tpu.vector_store %arg10[%swap3A_284], %swap3A_287 {strides = array<i32>} : memref<128xi32, #tpu.memory_space<vmem>>, vector<16xi32>,
    %get3A_288 = arith.constant 1 : i32
    %get3A_289 = arith.index_cast %get3A_288 : i32 to index
    %get3A_290 = arith.constant 112 : index
    %get3A_291 = tpu.vector_load %arg6[%get3A_289, %get3A_290] {strides = array<i32>} : memref<80x128xi32, #tpu.memory_space<vmem>>, vector<1x16xi32>,
    %get3A_292 = vector.shape_cast %get3A_291 : vector<1x16xi32> to vector<16xi32>
    %and3A_293 = arith.constant 65535 : i32
    %and3A_294 = vector.broadcast %and3A_293 : i32 to vector<16xi32>
    %and3A_295 = arith.andi %get3A_292, %and3A_294 : vector<16xi32>
    %swap3A_296 = arith.constant 112 : index
    %swap3A_297 = tpu.vector_load %arg9[%swap3A_296] {strides = array<i32>} : memref<128xi32, #tpu.memory_space<vmem>>, vector<16xi32>,
    %swap3A_298 = vector.shape_cast %swap3A_297 : vector<16xi32> to vector<16xi32>
    %swap3A_299 = vector.shape_cast %and3A_295 : vector<16xi32> to vector<16xi32>
    tpu.vector_store %arg9[%swap3A_296], %swap3A_299 {strides = array<i32>} : memref<128xi32, #tpu.memory_space<vmem>>, vector<16xi32>,
    %shift_right_logical3A_300 = arith.constant 16 : i32
    %shift_right_logical3A_301 = vector.broadcast %shift_right_logical3A_300 : i32 to vector<16xi32>
    %shift_right_logical3A_302 = arith.shrui %get3A_292, %shift_right_logical3A_301 : vector<16xi32>
    %swap3A_303 = arith.constant 112 : index
    %swap3A_304 = tpu.vector_load %arg10[%swap3A_303] {strides = array<i32>} : memref<128xi32, #tpu.memory_space<vmem>>, vector<16xi32>,
    %swap3A_305 = vector.shape_cast %swap3A_304 : vector<16xi32> to vector<16xi32>
    %swap3A_306 = vector.shape_cast %shift_right_logical3A_302 : vector<16xi32> to vector<16xi32>
    tpu.vector_store %arg10[%swap3A_303], %swap3A_306 {strides = array<i32>} : memref<128xi32, #tpu.memory_space<vmem>>, vector<16xi32>,
    %dma_start3A_307 = arith.constant 0 : i32
    %dma_start3A_308 = arith.constant 0 : i32
    %dma_start3A_309 = tpu.memref_slice %arg2[%dma_start3A_307, %dma_start3A_308] : memref<10000x128xf32, #tpu.memory_space<hbm>> -> memref<10000x128xf32, #tpu.memory_space<hbm>>
    tpu.enqueue_indirect_dma source(%dma_start3A_309 : memref<10000x128xf32, #tpu.memory_space<hbm>>) target(%arg12 : memref<128x128xf32, #tpu.memory_space<vmem>>) offsets(%arg9 : memref<128xi32, #tpu.memory_space<vmem>>) semaphore(%arg15 : memref<!tpu.dma_semaphore, #tpu.memory_space<semaphore_mem>>)
    %scan3A = arith.constant 0 : i32
    %scan3A_310 = arith.constant 0 : i32
    %scan3A_311 = arith.constant 39 : i32
    %scan3A_312 = arith.addi %scan3A_310, %scan3A_311 : i32
    %scan3A_313 = arith.constant 1 : i32
    scf.for %scan3A_325 = %scan3A_310 to %scan3A_312 step %scan3A_313  : i32 {
      %mul3A_326 = arith.constant 2 : i32
      %mul3A_327 = arith.muli %mul3A_326, %scan3A_325 : i32
      %add3A_328 = arith.constant 2 : i32
      %add3A_329 = arith.addi %mul3A_327, %add3A_328 : i32
      %dma_wait3A_330 = arith.constant 0 : i32
      %dma_wait3A_331 = arith.constant 0 : i32
      %dma_wait3A_332 = tpu.memref_slice %arg2[%dma_wait3A_330, %dma_wait3A_331] : memref<10000x128xf32, #tpu.memory_space<hbm>> -> memref<10000x128xf32, #tpu.memory_space<hbm>>
      tpu.wait_indirect_dma semaphore(%arg14 : memref<!tpu.dma_semaphore, #tpu.memory_space<semaphore_mem>>) src(%dma_wait3A_332 : memref<10000x128xf32, #tpu.memory_space<hbm>>) dst(%arg11 : memref<128x128xf32, #tpu.memory_space<vmem>>)
      "tpu.region"() ({
        %run_scoped3A = tpu.sem_alloc : memref<!tpu.dma_semaphore, #tpu.memory_space<semaphore_mem>>
        %dma_start3A_632 = arith.constant 0 : i32
        %dma_start3A_633 = arith.constant 0 : i32
        %dma_start3A_634 = tpu.memref_slice %arg13[%dma_start3A_632, %dma_start3A_633] : memref<10240x128xf32, #tpu.memory_space<vmem_shared>> -> memref<10240x128xf32, #tpu.memory_space<vmem_shared>>
        tpu.enqueue_indirect_dma source(%arg11 : memref<128x128xf32, #tpu.memory_space<vmem>>) target(%dma_start3A_634 : memref<10240x128xf32, #tpu.memory_space<vmem_shared>>) offsets(%arg8 : memref<128xi32, #tpu.memory_space<vmem>>) semaphore(%run_scoped3A : memref<!tpu.dma_semaphore, #tpu.memory_space<semaphore_mem>>) {add = true}
        %dma_wait3A_635 = arith.constant 0 : i32
        %dma_wait3A_636 = arith.constant 0 : i32
        %dma_wait3A_637 = tpu.memref_slice %arg13[%dma_wait3A_635, %dma_wait3A_636] : memref<10240x128xf32, #tpu.memory_space<vmem_shared>> -> memref<10240x128xf32, #tpu.memory_space<vmem_shared>>
        tpu.wait_indirect_dma semaphore(%run_scoped3A : memref<!tpu.dma_semaphore, #tpu.memory_space<semaphore_mem>>) src(%arg11 : memref<128x128xf32, #tpu.memory_space<vmem>>) dst(%dma_wait3A_637 : memref<10240x128xf32, #tpu.memory_space<vmem_shared>>)
        tpu.yield
      }) : () -> ()
      %get3A_333 = arith.index_cast %add3A_329 : i32 to index
      %get3A_334 = arith.constant 0 : index
      %get3A_335 = tpu.vector_load %arg6[%get3A_333, %get3A_334] {strides = array<i32>} : memref<80x128xi32, #tpu.memory_space<vmem>>, vector<1x16xi32>,
      %get3A_336 = vector.shape_cast %get3A_335 : vector<1x16xi32> to vector<16xi32>
      %and3A_337 = arith.constant 65535 : i32
      %and3A_338 = vector.broadcast %and3A_337 : i32 to vector<16xi32>
      %and3A_339 = arith.andi %get3A_336, %and3A_338 : vector<16xi32>
      %swap3A_340 = arith.constant 0 : index
      %swap3A_341 = tpu.vector_load %arg7[%swap3A_340] {strides = array<i32>} : memref<128xi32, #tpu.memory_space<vmem>>, vector<16xi32>,
      %swap3A_342 = vector.shape_cast %swap3A_341 : vector<16xi32> to vector<16xi32>
      %swap3A_343 = vector.shape_cast %and3A_339 : vector<16xi32> to vector<16xi32>
      tpu.vector_store %arg7[%swap3A_340], %swap3A_343 {strides = array<i32>} : memref<128xi32, #tpu.memory_space<vmem>>, vector<16xi32>,
      %shift_right_logical3A_344 = arith.constant 16 : i32
      %shift_right_logical3A_345 = vector.broadcast %shift_right_logical3A_344 : i32 to vector<16xi32>
      %shift_right_logical3A_346 = arith.shrui %get3A_336, %shift_right_logical3A_345 : vector<16xi32>
      %swap3A_347 = arith.constant 0 : index
      %swap3A_348 = tpu.vector_load %arg8[%swap3A_347] {strides = array<i32>} : memref<128xi32, #tpu.memory_space<vmem>>, vector<16xi32>,
      %swap3A_349 = vector.shape_cast %swap3A_348 : vector<16xi32> to vector<16xi32>
      %swap3A_350 = vector.shape_cast %shift_right_logical3A_346 : vector<16xi32> to vector<16xi32>
      tpu.vector_store %arg8[%swap3A_347], %swap3A_350 {strides = array<i32>} : memref<128xi32, #tpu.memory_space<vmem>>, vector<16xi32>,
      %get3A_351 = arith.index_cast %add3A_329 : i32 to index
      %get3A_352 = arith.constant 16 : index
      %get3A_353 = tpu.vector_load %arg6[%get3A_351, %get3A_352] {strides = array<i32>} : memref<80x128xi32, #tpu.memory_space<vmem>>, vector<1x16xi32>,
      %get3A_354 = vector.shape_cast %get3A_353 : vector<1x16xi32> to vector<16xi32>
      %and3A_355 = arith.constant 65535 : i32
      %and3A_356 = vector.broadcast %and3A_355 : i32 to vector<16xi32>
      %and3A_357 = arith.andi %get3A_354, %and3A_356 : vector<16xi32>
      %swap3A_358 = arith.constant 16 : index
      %swap3A_359 = tpu.vector_load %arg7[%swap3A_358] {strides = array<i32>} : memref<128xi32, #tpu.memory_space<vmem>>, vector<16xi32>,
      %swap3A_360 = vector.shape_cast %swap3A_359 : vector<16xi32> to vector<16xi32>
      %swap3A_361 = vector.shape_cast %and3A_357 : vector<16xi32> to vector<16xi32>
      tpu.vector_store %arg7[%swap3A_358], %swap3A_361 {strides = array<i32>} : memref<128xi32, #tpu.memory_space<vmem>>, vector<16xi32>,
      %shift_right_logical3A_362 = arith.constant 16 : i32
      %shift_right_logical3A_363 = vector.broadcast %shift_right_logical3A_362 : i32 to vector<16xi32>
      %shift_right_logical3A_364 = arith.shrui %get3A_354, %shift_right_logical3A_363 : vector<16xi32>
      %swap3A_365 = arith.constant 16 : index
      %swap3A_366 = tpu.vector_load %arg8[%swap3A_365] {strides = array<i32>} : memref<128xi32, #tpu.memory_space<vmem>>, vector<16xi32>,
      %swap3A_367 = vector.shape_cast %swap3A_366 : vector<16xi32> to vector<16xi32>
      %swap3A_368 = vector.shape_cast %shift_right_logical3A_364 : vector<16xi32> to vector<16xi32>
      tpu.vector_store %arg8[%swap3A_365], %swap3A_368 {strides = array<i32>} : memref<128xi32, #tpu.memory_space<vmem>>, vector<16xi32>,
      %get3A_369 = arith.index_cast %add3A_329 : i32 to index
      %get3A_370 = arith.constant 32 : index
      %get3A_371 = tpu.vector_load %arg6[%get3A_369, %get3A_370] {strides = array<i32>} : memref<80x128xi32, #tpu.memory_space<vmem>>, vector<1x16xi32>,
      %get3A_372 = vector.shape_cast %get3A_371 : vector<1x16xi32> to vector<16xi32>
      %and3A_373 = arith.constant 65535 : i32
      %and3A_374 = vector.broadcast %and3A_373 : i32 to vector<16xi32>
      %and3A_375 = arith.andi %get3A_372, %and3A_374 : vector<16xi32>
      %swap3A_376 = arith.constant 32 : index
      %swap3A_377 = tpu.vector_load %arg7[%swap3A_376] {strides = array<i32>} : memref<128xi32, #tpu.memory_space<vmem>>, vector<16xi32>,
      %swap3A_378 = vector.shape_cast %swap3A_377 : vector<16xi32> to vector<16xi32>
      %swap3A_379 = vector.shape_cast %and3A_375 : vector<16xi32> to vector<16xi32>
      tpu.vector_store %arg7[%swap3A_376], %swap3A_379 {strides = array<i32>} : memref<128xi32, #tpu.memory_space<vmem>>, vector<16xi32>,
      %shift_right_logical3A_380 = arith.constant 16 : i32
      %shift_right_logical3A_381 = vector.broadcast %shift_right_logical3A_380 : i32 to vector<16xi32>
      %shift_right_logical3A_382 = arith.shrui %get3A_372, %shift_right_logical3A_381 : vector<16xi32>
      %swap3A_383 = arith.constant 32 : index
      %swap3A_384 = tpu.vector_load %arg8[%swap3A_383] {strides = array<i32>} : memref<128xi32, #tpu.memory_space<vmem>>, vector<16xi32>,
      %swap3A_385 = vector.shape_cast %swap3A_384 : vector<16xi32> to vector<16xi32>
      %swap3A_386 = vector.shape_cast %shift_right_logical3A_382 : vector<16xi32> to vector<16xi32>
      tpu.vector_store %arg8[%swap3A_383], %swap3A_386 {strides = array<i32>} : memref<128xi32, #tpu.memory_space<vmem>>, vector<16xi32>,
      %get3A_387 = arith.index_cast %add3A_329 : i32 to index
      %get3A_388 = arith.constant 48 : index
      %get3A_389 = tpu.vector_load %arg6[%get3A_387, %get3A_388] {strides = array<i32>} : memref<80x128xi32, #tpu.memory_space<vmem>>, vector<1x16xi32>,
      %get3A_390 = vector.shape_cast %get3A_389 : vector<1x16xi32> to vector<16xi32>
      %and3A_391 = arith.constant 65535 : i32
      %and3A_392 = vector.broadcast %and3A_391 : i32 to vector<16xi32>
      %and3A_393 = arith.andi %get3A_390, %and3A_392 : vector<16xi32>
      %swap3A_394 = arith.constant 48 : index
      %swap3A_395 = tpu.vector_load %arg7[%swap3A_394] {strides = array<i32>} : memref<128xi32, #tpu.memory_space<vmem>>, vector<16xi32>,
      %swap3A_396 = vector.shape_cast %swap3A_395 : vector<16xi32> to vector<16xi32>
      %swap3A_397 = vector.shape_cast %and3A_393 : vector<16xi32> to vector<16xi32>
      tpu.vector_store %arg7[%swap3A_394], %swap3A_397 {strides = array<i32>} : memref<128xi32, #tpu.memory_space<vmem>>, vector<16xi32>,
      %shift_right_logical3A_398 = arith.constant 16 : i32
      %shift_right_logical3A_399 = vector.broadcast %shift_right_logical3A_398 : i32 to vector<16xi32>
      %shift_right_logical3A_400 = arith.shrui %get3A_390, %shift_right_logical3A_399 : vector<16xi32>
      %swap3A_401 = arith.constant 48 : index
      %swap3A_402 = tpu.vector_load %arg8[%swap3A_401] {strides = array<i32>} : memref<128xi32, #tpu.memory_space<vmem>>, vector<16xi32>,
      %swap3A_403 = vector.shape_cast %swap3A_402 : vector<16xi32> to vector<16xi32>
      %swap3A_404 = vector.shape_cast %shift_right_logical3A_400 : vector<16xi32> to vector<16xi32>
      tpu.vector_store %arg8[%swap3A_401], %swap3A_404 {strides = array<i32>} : memref<128xi32, #tpu.memory_space<vmem>>, vector<16xi32>,
      %get3A_405 = arith.index_cast %add3A_329 : i32 to index
      %get3A_406 = arith.constant 64 : index
      %get3A_407 = tpu.vector_load %arg6[%get3A_405, %get3A_406] {strides = array<i32>} : memref<80x128xi32, #tpu.memory_space<vmem>>, vector<1x16xi32>,
      %get3A_408 = vector.shape_cast %get3A_407 : vector<1x16xi32> to vector<16xi32>
      %and3A_409 = arith.constant 65535 : i32
      %and3A_410 = vector.broadcast %and3A_409 : i32 to vector<16xi32>
      %and3A_411 = arith.andi %get3A_408, %and3A_410 : vector<16xi32>
      %swap3A_412 = arith.constant 64 : index
      %swap3A_413 = tpu.vector_load %arg7[%swap3A_412] {strides = array<i32>} : memref<128xi32, #tpu.memory_space<vmem>>, vector<16xi32>,
      %swap3A_414 = vector.shape_cast %swap3A_413 : vector<16xi32> to vector<16xi32>
      %swap3A_415 = vector.shape_cast %and3A_411 : vector<16xi32> to vector<16xi32>
      tpu.vector_store %arg7[%swap3A_412], %swap3A_415 {strides = array<i32>} : memref<128xi32, #tpu.memory_space<vmem>>, vector<16xi32>,
      %shift_right_logical3A_416 = arith.constant 16 : i32
      %shift_right_logical3A_417 = vector.broadcast %shift_right_logical3A_416 : i32 to vector<16xi32>
      %shift_right_logical3A_418 = arith.shrui %get3A_408, %shift_right_logical3A_417 : vector<16xi32>
      %swap3A_419 = arith.constant 64 : index
      %swap3A_420 = tpu.vector_load %arg8[%swap3A_419] {strides = array<i32>} : memref<128xi32, #tpu.memory_space<vmem>>, vector<16xi32>,
      %swap3A_421 = vector.shape_cast %swap3A_420 : vector<16xi32> to vector<16xi32>
      %swap3A_422 = vector.shape_cast %shift_right_logical3A_418 : vector<16xi32> to vector<16xi32>
      tpu.vector_store %arg8[%swap3A_419], %swap3A_422 {strides = array<i32>} : memref<128xi32, #tpu.memory_space<vmem>>, vector<16xi32>,
      %get3A_423 = arith.index_cast %add3A_329 : i32 to index
      %get3A_424 = arith.constant 80 : index
      %get3A_425 = tpu.vector_load %arg6[%get3A_423, %get3A_424] {strides = array<i32>} : memref<80x128xi32, #tpu.memory_space<vmem>>, vector<1x16xi32>,
      %get3A_426 = vector.shape_cast %get3A_425 : vector<1x16xi32> to vector<16xi32>
      %and3A_427 = arith.constant 65535 : i32
      %and3A_428 = vector.broadcast %and3A_427 : i32 to vector<16xi32>
      %and3A_429 = arith.andi %get3A_426, %and3A_428 : vector<16xi32>
      %swap3A_430 = arith.constant 80 : index
      %swap3A_431 = tpu.vector_load %arg7[%swap3A_430] {strides = array<i32>} : memref<128xi32, #tpu.memory_space<vmem>>, vector<16xi32>,
      %swap3A_432 = vector.shape_cast %swap3A_431 : vector<16xi32> to vector<16xi32>
      %swap3A_433 = vector.shape_cast %and3A_429 : vector<16xi32> to vector<16xi32>
      tpu.vector_store %arg7[%swap3A_430], %swap3A_433 {strides = array<i32>} : memref<128xi32, #tpu.memory_space<vmem>>, vector<16xi32>,
      %shift_right_logical3A_434 = arith.constant 16 : i32
      %shift_right_logical3A_435 = vector.broadcast %shift_right_logical3A_434 : i32 to vector<16xi32>
      %shift_right_logical3A_436 = arith.shrui %get3A_426, %shift_right_logical3A_435 : vector<16xi32>
      %swap3A_437 = arith.constant 80 : index
      %swap3A_438 = tpu.vector_load %arg8[%swap3A_437] {strides = array<i32>} : memref<128xi32, #tpu.memory_space<vmem>>, vector<16xi32>,
      %swap3A_439 = vector.shape_cast %swap3A_438 : vector<16xi32> to vector<16xi32>
      %swap3A_440 = vector.shape_cast %shift_right_logical3A_436 : vector<16xi32> to vector<16xi32>
      tpu.vector_store %arg8[%swap3A_437], %swap3A_440 {strides = array<i32>} : memref<128xi32, #tpu.memory_space<vmem>>, vector<16xi32>,
      %get3A_441 = arith.index_cast %add3A_329 : i32 to index
      %get3A_442 = arith.constant 96 : index
      %get3A_443 = tpu.vector_load %arg6[%get3A_441, %get3A_442] {strides = array<i32>} : memref<80x128xi32, #tpu.memory_space<vmem>>, vector<1x16xi32>,
      %get3A_444 = vector.shape_cast %get3A_443 : vector<1x16xi32> to vector<16xi32>
      %and3A_445 = arith.constant 65535 : i32
      %and3A_446 = vector.broadcast %and3A_445 : i32 to vector<16xi32>
      %and3A_447 = arith.andi %get3A_444, %and3A_446 : vector<16xi32>
      %swap3A_448 = arith.constant 96 : index
      %swap3A_449 = tpu.vector_load %arg7[%swap3A_448] {strides = array<i32>} : memref<128xi32, #tpu.memory_space<vmem>>, vector<16xi32>,
      %swap3A_450 = vector.shape_cast %swap3A_449 : vector<16xi32> to vector<16xi32>
      %swap3A_451 = vector.shape_cast %and3A_447 : vector<16xi32> to vector<16xi32>
      tpu.vector_store %arg7[%swap3A_448], %swap3A_451 {strides = array<i32>} : memref<128xi32, #tpu.memory_space<vmem>>, vector<16xi32>,
      %shift_right_logical3A_452 = arith.constant 16 : i32
      %shift_right_logical3A_453 = vector.broadcast %shift_right_logical3A_452 : i32 to vector<16xi32>
      %shift_right_logical3A_454 = arith.shrui %get3A_444, %shift_right_logical3A_453 : vector<16xi32>
      %swap3A_455 = arith.constant 96 : index
      %swap3A_456 = tpu.vector_load %arg8[%swap3A_455] {strides = array<i32>} : memref<128xi32, #tpu.memory_space<vmem>>, vector<16xi32>,
      %swap3A_457 = vector.shape_cast %swap3A_456 : vector<16xi32> to vector<16xi32>
      %swap3A_458 = vector.shape_cast %shift_right_logical3A_454 : vector<16xi32> to vector<16xi32>
      tpu.vector_store %arg8[%swap3A_455], %swap3A_458 {strides = array<i32>} : memref<128xi32, #tpu.memory_space<vmem>>, vector<16xi32>,
      %get3A_459 = arith.index_cast %add3A_329 : i32 to index
      %get3A_460 = arith.constant 112 : index
      %get3A_461 = tpu.vector_load %arg6[%get3A_459, %get3A_460] {strides = array<i32>} : memref<80x128xi32, #tpu.memory_space<vmem>>, vector<1x16xi32>,
      %get3A_462 = vector.shape_cast %get3A_461 : vector<1x16xi32> to vector<16xi32>
      %and3A_463 = arith.constant 65535 : i32
      %and3A_464 = vector.broadcast %and3A_463 : i32 to vector<16xi32>
      %and3A_465 = arith.andi %get3A_462, %and3A_464 : vector<16xi32>
      %swap3A_466 = arith.constant 112 : index
      %swap3A_467 = tpu.vector_load %arg7[%swap3A_466] {strides = array<i32>} : memref<128xi32, #tpu.memory_space<vmem>>, vector<16xi32>,
      %swap3A_468 = vector.shape_cast %swap3A_467 : vector<16xi32> to vector<16xi32>
      %swap3A_469 = vector.shape_cast %and3A_465 : vector<16xi32> to vector<16xi32>
      tpu.vector_store %arg7[%swap3A_466], %swap3A_469 {strides = array<i32>} : memref<128xi32, #tpu.memory_space<vmem>>, vector<16xi32>,
      %shift_right_logical3A_470 = arith.constant 16 : i32
      %shift_right_logical3A_471 = vector.broadcast %shift_right_logical3A_470 : i32 to vector<16xi32>
      %shift_right_logical3A_472 = arith.shrui %get3A_462, %shift_right_logical3A_471 : vector<16xi32>
      %swap3A_473 = arith.constant 112 : index
      %swap3A_474 = tpu.vector_load %arg8[%swap3A_473] {strides = array<i32>} : memref<128xi32, #tpu.memory_space<vmem>>, vector<16xi32>,
      %swap3A_475 = vector.shape_cast %swap3A_474 : vector<16xi32> to vector<16xi32>
      %swap3A_476 = vector.shape_cast %shift_right_logical3A_472 : vector<16xi32> to vector<16xi32>
      tpu.vector_store %arg8[%swap3A_473], %swap3A_476 {strides = array<i32>} : memref<128xi32, #tpu.memory_space<vmem>>, vector<16xi32>,
      %dma_start3A_477 = arith.constant 0 : i32
      %dma_start3A_478 = arith.constant 0 : i32
      %dma_start3A_479 = tpu.memref_slice %arg2[%dma_start3A_477, %dma_start3A_478] : memref<10000x128xf32, #tpu.memory_space<hbm>> -> memref<10000x128xf32, #tpu.memory_space<hbm>>
      tpu.enqueue_indirect_dma source(%dma_start3A_479 : memref<10000x128xf32, #tpu.memory_space<hbm>>) target(%arg11 : memref<128x128xf32, #tpu.memory_space<vmem>>) offsets(%arg7 : memref<128xi32, #tpu.memory_space<vmem>>) semaphore(%arg14 : memref<!tpu.dma_semaphore, #tpu.memory_space<semaphore_mem>>)
      %dma_wait3A_480 = arith.constant 0 : i32
      %dma_wait3A_481 = arith.constant 0 : i32
      %dma_wait3A_482 = tpu.memref_slice %arg2[%dma_wait3A_480, %dma_wait3A_481] : memref<10000x128xf32, #tpu.memory_space<hbm>> -> memref<10000x128xf32, #tpu.memory_space<hbm>>
      tpu.wait_indirect_dma semaphore(%arg15 : memref<!tpu.dma_semaphore, #tpu.memory_space<semaphore_mem>>) src(%dma_wait3A_482 : memref<10000x128xf32, #tpu.memory_space<hbm>>) dst(%arg12 : memref<128x128xf32, #tpu.memory_space<vmem>>)
      "tpu.region"() ({
        %run_scoped3A = tpu.sem_alloc : memref<!tpu.dma_semaphore, #tpu.memory_space<semaphore_mem>>
        %dma_start3A_632 = arith.constant 0 : i32
        %dma_start3A_633 = arith.constant 0 : i32
        %dma_start3A_634 = tpu.memref_slice %arg13[%dma_start3A_632, %dma_start3A_633] : memref<10240x128xf32, #tpu.memory_space<vmem_shared>> -> memref<10240x128xf32, #tpu.memory_space<vmem_shared>>
        tpu.enqueue_indirect_dma source(%arg12 : memref<128x128xf32, #tpu.memory_space<vmem>>) target(%dma_start3A_634 : memref<10240x128xf32, #tpu.memory_space<vmem_shared>>) offsets(%arg10 : memref<128xi32, #tpu.memory_space<vmem>>) semaphore(%run_scoped3A : memref<!tpu.dma_semaphore, #tpu.memory_space<semaphore_mem>>) {add = true}
        %dma_wait3A_635 = arith.constant 0 : i32
        %dma_wait3A_636 = arith.constant 0 : i32
        %dma_wait3A_637 = tpu.memref_slice %arg13[%dma_wait3A_635, %dma_wait3A_636] : memref<10240x128xf32, #tpu.memory_space<vmem_shared>> -> memref<10240x128xf32, #tpu.memory_space<vmem_shared>>
        tpu.wait_indirect_dma semaphore(%run_scoped3A : memref<!tpu.dma_semaphore, #tpu.memory_space<semaphore_mem>>) src(%arg12 : memref<128x128xf32, #tpu.memory_space<vmem>>) dst(%dma_wait3A_637 : memref<10240x128xf32, #tpu.memory_space<vmem_shared>>)
        tpu.yield
      }) : () -> ()
      %add3A_483 = arith.constant 1 : i32
      %add3A_484 = arith.addi %add3A_329, %add3A_483 : i32
      %get3A_485 = arith.index_cast %add3A_484 : i32 to index
      %get3A_486 = arith.constant 0 : index
      %get3A_487 = tpu.vector_load %arg6[%get3A_485, %get3A_486] {strides = array<i32>} : memref<80x128xi32, #tpu.memory_space<vmem>>, vector<1x16xi32>,
      %get3A_488 = vector.shape_cast %get3A_487 : vector<1x16xi32> to vector<16xi32>
      %and3A_489 = arith.constant 65535 : i32
      %and3A_490 = vector.broadcast %and3A_489 : i32 to vector<16xi32>
      %and3A_491 = arith.andi %get3A_488, %and3A_490 : vector<16xi32>
      %swap3A_492 = arith.constant 0 : index
      %swap3A_493 = tpu.vector_load %arg9[%swap3A_492] {strides = array<i32>} : memref<128xi32, #tpu.memory_space<vmem>>, vector<16xi32>,
      %swap3A_494 = vector.shape_cast %swap3A_493 : vector<16xi32> to vector<16xi32>
      %swap3A_495 = vector.shape_cast %and3A_491 : vector<16xi32> to vector<16xi32>
      tpu.vector_store %arg9[%swap3A_492], %swap3A_495 {strides = array<i32>} : memref<128xi32, #tpu.memory_space<vmem>>, vector<16xi32>,
      %shift_right_logical3A_496 = arith.constant 16 : i32
      %shift_right_logical3A_497 = vector.broadcast %shift_right_logical3A_496 : i32 to vector<16xi32>
      %shift_right_logical3A_498 = arith.shrui %get3A_488, %shift_right_logical3A_497 : vector<16xi32>
      %swap3A_499 = arith.constant 0 : index
      %swap3A_500 = tpu.vector_load %arg10[%swap3A_499] {strides = array<i32>} : memref<128xi32, #tpu.memory_space<vmem>>, vector<16xi32>,
      %swap3A_501 = vector.shape_cast %swap3A_500 : vector<16xi32> to vector<16xi32>
      %swap3A_502 = vector.shape_cast %shift_right_logical3A_498 : vector<16xi32> to vector<16xi32>
      tpu.vector_store %arg10[%swap3A_499], %swap3A_502 {strides = array<i32>} : memref<128xi32, #tpu.memory_space<vmem>>, vector<16xi32>,
      %get3A_503 = arith.index_cast %add3A_484 : i32 to index
      %get3A_504 = arith.constant 16 : index
      %get3A_505 = tpu.vector_load %arg6[%get3A_503, %get3A_504] {strides = array<i32>} : memref<80x128xi32, #tpu.memory_space<vmem>>, vector<1x16xi32>,
      %get3A_506 = vector.shape_cast %get3A_505 : vector<1x16xi32> to vector<16xi32>
      %and3A_507 = arith.constant 65535 : i32
      %and3A_508 = vector.broadcast %and3A_507 : i32 to vector<16xi32>
      %and3A_509 = arith.andi %get3A_506, %and3A_508 : vector<16xi32>
      %swap3A_510 = arith.constant 16 : index
      %swap3A_511 = tpu.vector_load %arg9[%swap3A_510] {strides = array<i32>} : memref<128xi32, #tpu.memory_space<vmem>>, vector<16xi32>,
      %swap3A_512 = vector.shape_cast %swap3A_511 : vector<16xi32> to vector<16xi32>
      %swap3A_513 = vector.shape_cast %and3A_509 : vector<16xi32> to vector<16xi32>
      tpu.vector_store %arg9[%swap3A_510], %swap3A_513 {strides = array<i32>} : memref<128xi32, #tpu.memory_space<vmem>>, vector<16xi32>,
      %shift_right_logical3A_514 = arith.constant 16 : i32
      %shift_right_logical3A_515 = vector.broadcast %shift_right_logical3A_514 : i32 to vector<16xi32>
      %shift_right_logical3A_516 = arith.shrui %get3A_506, %shift_right_logical3A_515 : vector<16xi32>
      %swap3A_517 = arith.constant 16 : index
      %swap3A_518 = tpu.vector_load %arg10[%swap3A_517] {strides = array<i32>} : memref<128xi32, #tpu.memory_space<vmem>>, vector<16xi32>,
      %swap3A_519 = vector.shape_cast %swap3A_518 : vector<16xi32> to vector<16xi32>
      %swap3A_520 = vector.shape_cast %shift_right_logical3A_516 : vector<16xi32> to vector<16xi32>
      tpu.vector_store %arg10[%swap3A_517], %swap3A_520 {strides = array<i32>} : memref<128xi32, #tpu.memory_space<vmem>>, vector<16xi32>,
      %get3A_521 = arith.index_cast %add3A_484 : i32 to index
      %get3A_522 = arith.constant 32 : index
      %get3A_523 = tpu.vector_load %arg6[%get3A_521, %get3A_522] {strides = array<i32>} : memref<80x128xi32, #tpu.memory_space<vmem>>, vector<1x16xi32>,
      %get3A_524 = vector.shape_cast %get3A_523 : vector<1x16xi32> to vector<16xi32>
      %and3A_525 = arith.constant 65535 : i32
      %and3A_526 = vector.broadcast %and3A_525 : i32 to vector<16xi32>
      %and3A_527 = arith.andi %get3A_524, %and3A_526 : vector<16xi32>
      %swap3A_528 = arith.constant 32 : index
      %swap3A_529 = tpu.vector_load %arg9[%swap3A_528] {strides = array<i32>} : memref<128xi32, #tpu.memory_space<vmem>>, vector<16xi32>,
      %swap3A_530 = vector.shape_cast %swap3A_529 : vector<16xi32> to vector<16xi32>
      %swap3A_531 = vector.shape_cast %and3A_527 : vector<16xi32> to vector<16xi32>
      tpu.vector_store %arg9[%swap3A_528], %swap3A_531 {strides = array<i32>} : memref<128xi32, #tpu.memory_space<vmem>>, vector<16xi32>,
      %shift_right_logical3A_532 = arith.constant 16 : i32
      %shift_right_logical3A_533 = vector.broadcast %shift_right_logical3A_532 : i32 to vector<16xi32>
      %shift_right_logical3A_534 = arith.shrui %get3A_524, %shift_right_logical3A_533 : vector<16xi32>
      %swap3A_535 = arith.constant 32 : index
      %swap3A_536 = tpu.vector_load %arg10[%swap3A_535] {strides = array<i32>} : memref<128xi32, #tpu.memory_space<vmem>>, vector<16xi32>,
      %swap3A_537 = vector.shape_cast %swap3A_536 : vector<16xi32> to vector<16xi32>
      %swap3A_538 = vector.shape_cast %shift_right_logical3A_534 : vector<16xi32> to vector<16xi32>
      tpu.vector_store %arg10[%swap3A_535], %swap3A_538 {strides = array<i32>} : memref<128xi32, #tpu.memory_space<vmem>>, vector<16xi32>,
      %get3A_539 = arith.index_cast %add3A_484 : i32 to index
      %get3A_540 = arith.constant 48 : index
      %get3A_541 = tpu.vector_load %arg6[%get3A_539, %get3A_540] {strides = array<i32>} : memref<80x128xi32, #tpu.memory_space<vmem>>, vector<1x16xi32>,
      %get3A_542 = vector.shape_cast %get3A_541 : vector<1x16xi32> to vector<16xi32>
      %and3A_543 = arith.constant 65535 : i32
      %and3A_544 = vector.broadcast %and3A_543 : i32 to vector<16xi32>
      %and3A_545 = arith.andi %get3A_542, %and3A_544 : vector<16xi32>
      %swap3A_546 = arith.constant 48 : index
      %swap3A_547 = tpu.vector_load %arg9[%swap3A_546] {strides = array<i32>} : memref<128xi32, #tpu.memory_space<vmem>>, vector<16xi32>,
      %swap3A_548 = vector.shape_cast %swap3A_547 : vector<16xi32> to vector<16xi32>
      %swap3A_549 = vector.shape_cast %and3A_545 : vector<16xi32> to vector<16xi32>
      tpu.vector_store %arg9[%swap3A_546], %swap3A_549 {strides = array<i32>} : memref<128xi32, #tpu.memory_space<vmem>>, vector<16xi32>,
      %shift_right_logical3A_550 = arith.constant 16 : i32
      %shift_right_logical3A_551 = vector.broadcast %shift_right_logical3A_550 : i32 to vector<16xi32>
      %shift_right_logical3A_552 = arith.shrui %get3A_542, %shift_right_logical3A_551 : vector<16xi32>
      %swap3A_553 = arith.constant 48 : index
      %swap3A_554 = tpu.vector_load %arg10[%swap3A_553] {strides = array<i32>} : memref<128xi32, #tpu.memory_space<vmem>>, vector<16xi32>,
      %swap3A_555 = vector.shape_cast %swap3A_554 : vector<16xi32> to vector<16xi32>
      %swap3A_556 = vector.shape_cast %shift_right_logical3A_552 : vector<16xi32> to vector<16xi32>
      tpu.vector_store %arg10[%swap3A_553], %swap3A_556 {strides = array<i32>} : memref<128xi32, #tpu.memory_space<vmem>>, vector<16xi32>,
      %get3A_557 = arith.index_cast %add3A_484 : i32 to index
      %get3A_558 = arith.constant 64 : index
      %get3A_559 = tpu.vector_load %arg6[%get3A_557, %get3A_558] {strides = array<i32>} : memref<80x128xi32, #tpu.memory_space<vmem>>, vector<1x16xi32>,
      %get3A_560 = vector.shape_cast %get3A_559 : vector<1x16xi32> to vector<16xi32>
      %and3A_561 = arith.constant 65535 : i32
      %and3A_562 = vector.broadcast %and3A_561 : i32 to vector<16xi32>
      %and3A_563 = arith.andi %get3A_560, %and3A_562 : vector<16xi32>
      %swap3A_564 = arith.constant 64 : index
      %swap3A_565 = tpu.vector_load %arg9[%swap3A_564] {strides = array<i32>} : memref<128xi32, #tpu.memory_space<vmem>>, vector<16xi32>,
      %swap3A_566 = vector.shape_cast %swap3A_565 : vector<16xi32> to vector<16xi32>
      %swap3A_567 = vector.shape_cast %and3A_563 : vector<16xi32> to vector<16xi32>
      tpu.vector_store %arg9[%swap3A_564], %swap3A_567 {strides = array<i32>} : memref<128xi32, #tpu.memory_space<vmem>>, vector<16xi32>,
      %shift_right_logical3A_568 = arith.constant 16 : i32
      %shift_right_logical3A_569 = vector.broadcast %shift_right_logical3A_568 : i32 to vector<16xi32>
      %shift_right_logical3A_570 = arith.shrui %get3A_560, %shift_right_logical3A_569 : vector<16xi32>
      %swap3A_571 = arith.constant 64 : index
      %swap3A_572 = tpu.vector_load %arg10[%swap3A_571] {strides = array<i32>} : memref<128xi32, #tpu.memory_space<vmem>>, vector<16xi32>,
      %swap3A_573 = vector.shape_cast %swap3A_572 : vector<16xi32> to vector<16xi32>
      %swap3A_574 = vector.shape_cast %shift_right_logical3A_570 : vector<16xi32> to vector<16xi32>
      tpu.vector_store %arg10[%swap3A_571], %swap3A_574 {strides = array<i32>} : memref<128xi32, #tpu.memory_space<vmem>>, vector<16xi32>,
      %get3A_575 = arith.index_cast %add3A_484 : i32 to index
      %get3A_576 = arith.constant 80 : index
      %get3A_577 = tpu.vector_load %arg6[%get3A_575, %get3A_576] {strides = array<i32>} : memref<80x128xi32, #tpu.memory_space<vmem>>, vector<1x16xi32>,
      %get3A_578 = vector.shape_cast %get3A_577 : vector<1x16xi32> to vector<16xi32>
      %and3A_579 = arith.constant 65535 : i32
      %and3A_580 = vector.broadcast %and3A_579 : i32 to vector<16xi32>
      %and3A_581 = arith.andi %get3A_578, %and3A_580 : vector<16xi32>
      %swap3A_582 = arith.constant 80 : index
      %swap3A_583 = tpu.vector_load %arg9[%swap3A_582] {strides = array<i32>} : memref<128xi32, #tpu.memory_space<vmem>>, vector<16xi32>,
      %swap3A_584 = vector.shape_cast %swap3A_583 : vector<16xi32> to vector<16xi32>
      %swap3A_585 = vector.shape_cast %and3A_581 : vector<16xi32> to vector<16xi32>
      tpu.vector_store %arg9[%swap3A_582], %swap3A_585 {strides = array<i32>} : memref<128xi32, #tpu.memory_space<vmem>>, vector<16xi32>,
      %shift_right_logical3A_586 = arith.constant 16 : i32
      %shift_right_logical3A_587 = vector.broadcast %shift_right_logical3A_586 : i32 to vector<16xi32>
      %shift_right_logical3A_588 = arith.shrui %get3A_578, %shift_right_logical3A_587 : vector<16xi32>
      %swap3A_589 = arith.constant 80 : index
      %swap3A_590 = tpu.vector_load %arg10[%swap3A_589] {strides = array<i32>} : memref<128xi32, #tpu.memory_space<vmem>>, vector<16xi32>,
      %swap3A_591 = vector.shape_cast %swap3A_590 : vector<16xi32> to vector<16xi32>
      %swap3A_592 = vector.shape_cast %shift_right_logical3A_588 : vector<16xi32> to vector<16xi32>
      tpu.vector_store %arg10[%swap3A_589], %swap3A_592 {strides = array<i32>} : memref<128xi32, #tpu.memory_space<vmem>>, vector<16xi32>,
      %get3A_593 = arith.index_cast %add3A_484 : i32 to index
      %get3A_594 = arith.constant 96 : index
      %get3A_595 = tpu.vector_load %arg6[%get3A_593, %get3A_594] {strides = array<i32>} : memref<80x128xi32, #tpu.memory_space<vmem>>, vector<1x16xi32>,
      %get3A_596 = vector.shape_cast %get3A_595 : vector<1x16xi32> to vector<16xi32>
      %and3A_597 = arith.constant 65535 : i32
      %and3A_598 = vector.broadcast %and3A_597 : i32 to vector<16xi32>
      %and3A_599 = arith.andi %get3A_596, %and3A_598 : vector<16xi32>
      %swap3A_600 = arith.constant 96 : index
      %swap3A_601 = tpu.vector_load %arg9[%swap3A_600] {strides = array<i32>} : memref<128xi32, #tpu.memory_space<vmem>>, vector<16xi32>,
      %swap3A_602 = vector.shape_cast %swap3A_601 : vector<16xi32> to vector<16xi32>
      %swap3A_603 = vector.shape_cast %and3A_599 : vector<16xi32> to vector<16xi32>
      tpu.vector_store %arg9[%swap3A_600], %swap3A_603 {strides = array<i32>} : memref<128xi32, #tpu.memory_space<vmem>>, vector<16xi32>,
      %shift_right_logical3A_604 = arith.constant 16 : i32
      %shift_right_logical3A_605 = vector.broadcast %shift_right_logical3A_604 : i32 to vector<16xi32>
      %shift_right_logical3A_606 = arith.shrui %get3A_596, %shift_right_logical3A_605 : vector<16xi32>
      %swap3A_607 = arith.constant 96 : index
      %swap3A_608 = tpu.vector_load %arg10[%swap3A_607] {strides = array<i32>} : memref<128xi32, #tpu.memory_space<vmem>>, vector<16xi32>,
      %swap3A_609 = vector.shape_cast %swap3A_608 : vector<16xi32> to vector<16xi32>
      %swap3A_610 = vector.shape_cast %shift_right_logical3A_606 : vector<16xi32> to vector<16xi32>
      tpu.vector_store %arg10[%swap3A_607], %swap3A_610 {strides = array<i32>} : memref<128xi32, #tpu.memory_space<vmem>>, vector<16xi32>,
      %get3A_611 = arith.index_cast %add3A_484 : i32 to index
      %get3A_612 = arith.constant 112 : index
      %get3A_613 = tpu.vector_load %arg6[%get3A_611, %get3A_612] {strides = array<i32>} : memref<80x128xi32, #tpu.memory_space<vmem>>, vector<1x16xi32>,
      %get3A_614 = vector.shape_cast %get3A_613 : vector<1x16xi32> to vector<16xi32>
      %and3A_615 = arith.constant 65535 : i32
      %and3A_616 = vector.broadcast %and3A_615 : i32 to vector<16xi32>
      %and3A_617 = arith.andi %get3A_614, %and3A_616 : vector<16xi32>
      %swap3A_618 = arith.constant 112 : index
      %swap3A_619 = tpu.vector_load %arg9[%swap3A_618] {strides = array<i32>} : memref<128xi32, #tpu.memory_space<vmem>>, vector<16xi32>,
      %swap3A_620 = vector.shape_cast %swap3A_619 : vector<16xi32> to vector<16xi32>
      %swap3A_621 = vector.shape_cast %and3A_617 : vector<16xi32> to vector<16xi32>
      tpu.vector_store %arg9[%swap3A_618], %swap3A_621 {strides = array<i32>} : memref<128xi32, #tpu.memory_space<vmem>>, vector<16xi32>,
      %shift_right_logical3A_622 = arith.constant 16 : i32
      %shift_right_logical3A_623 = vector.broadcast %shift_right_logical3A_622 : i32 to vector<16xi32>
      %shift_right_logical3A_624 = arith.shrui %get3A_614, %shift_right_logical3A_623 : vector<16xi32>
      %swap3A_625 = arith.constant 112 : index
      %swap3A_626 = tpu.vector_load %arg10[%swap3A_625] {strides = array<i32>} : memref<128xi32, #tpu.memory_space<vmem>>, vector<16xi32>,
      %swap3A_627 = vector.shape_cast %swap3A_626 : vector<16xi32> to vector<16xi32>
      %swap3A_628 = vector.shape_cast %shift_right_logical3A_624 : vector<16xi32> to vector<16xi32>
      tpu.vector_store %arg10[%swap3A_625], %swap3A_628 {strides = array<i32>} : memref<128xi32, #tpu.memory_space<vmem>>, vector<16xi32>,
      %dma_start3A_629 = arith.constant 0 : i32
      %dma_start3A_630 = arith.constant 0 : i32
      %dma_start3A_631 = tpu.memref_slice %arg2[%dma_start3A_629, %dma_start3A_630] : memref<10000x128xf32, #tpu.memory_space<hbm>> -> memref<10000x128xf32, #tpu.memory_space<hbm>>
      tpu.enqueue_indirect_dma source(%dma_start3A_631 : memref<10000x128xf32, #tpu.memory_space<hbm>>) target(%arg12 : memref<128x128xf32, #tpu.memory_space<vmem>>) offsets(%arg9 : memref<128xi32, #tpu.memory_space<vmem>>) semaphore(%arg15 : memref<!tpu.dma_semaphore, #tpu.memory_space<semaphore_mem>>)
    }
    %scan3A_314 = arith.constant 39 : i32
    %dma_wait3A = arith.constant 0 : i32
    %dma_wait3A_315 = arith.constant 0 : i32
    %dma_wait3A_316 = tpu.memref_slice %arg2[%dma_wait3A, %dma_wait3A_315] : memref<10000x128xf32, #tpu.memory_space<hbm>> -> memref<10000x128xf32, #tpu.memory_space<hbm>>
    tpu.wait_indirect_dma semaphore(%arg14 : memref<!tpu.dma_semaphore, #tpu.memory_space<semaphore_mem>>) src(%dma_wait3A_316 : memref<10000x128xf32, #tpu.memory_space<hbm>>) dst(%arg11 : memref<128x128xf32, #tpu.memory_space<vmem>>)
    "tpu.region"() ({
      %run_scoped3A = tpu.sem_alloc : memref<!tpu.dma_semaphore, #tpu.memory_space<semaphore_mem>>
      %dma_start3A_325 = arith.constant 0 : i32
      %dma_start3A_326 = arith.constant 0 : i32
      %dma_start3A_327 = tpu.memref_slice %arg13[%dma_start3A_325, %dma_start3A_326] : memref<10240x128xf32, #tpu.memory_space<vmem_shared>> -> memref<10240x128xf32, #tpu.memory_space<vmem_shared>>
      tpu.enqueue_indirect_dma source(%arg11 : memref<128x128xf32, #tpu.memory_space<vmem>>) target(%dma_start3A_327 : memref<10240x128xf32, #tpu.memory_space<vmem_shared>>) offsets(%arg8 : memref<128xi32, #tpu.memory_space<vmem>>) semaphore(%run_scoped3A : memref<!tpu.dma_semaphore, #tpu.memory_space<semaphore_mem>>) {add = true}
      %dma_wait3A_328 = arith.constant 0 : i32
      %dma_wait3A_329 = arith.constant 0 : i32
      %dma_wait3A_330 = tpu.memref_slice %arg13[%dma_wait3A_328, %dma_wait3A_329] : memref<10240x128xf32, #tpu.memory_space<vmem_shared>> -> memref<10240x128xf32, #tpu.memory_space<vmem_shared>>
      tpu.wait_indirect_dma semaphore(%run_scoped3A : memref<!tpu.dma_semaphore, #tpu.memory_space<semaphore_mem>>) src(%arg11 : memref<128x128xf32, #tpu.memory_space<vmem>>) dst(%dma_wait3A_330 : memref<10240x128xf32, #tpu.memory_space<vmem_shared>>)
      tpu.yield
    }) : () -> ()
    %dma_wait3A_317 = arith.constant 0 : i32
    %dma_wait3A_318 = arith.constant 0 : i32
    %dma_wait3A_319 = tpu.memref_slice %arg2[%dma_wait3A_317, %dma_wait3A_318] : memref<10000x128xf32, #tpu.memory_space<hbm>> -> memref<10000x128xf32, #tpu.memory_space<hbm>>
    tpu.wait_indirect_dma semaphore(%arg15 : memref<!tpu.dma_semaphore, #tpu.memory_space<semaphore_mem>>) src(%dma_wait3A_319 : memref<10000x128xf32, #tpu.memory_space<hbm>>) dst(%arg12 : memref<128x128xf32, #tpu.memory_space<vmem>>)
    "tpu.region"() ({
      %run_scoped3A = tpu.sem_alloc : memref<!tpu.dma_semaphore, #tpu.memory_space<semaphore_mem>>
      %dma_start3A_325 = arith.constant 0 : i32
      %dma_start3A_326 = arith.constant 0 : i32
      %dma_start3A_327 = tpu.memref_slice %arg13[%dma_start3A_325, %dma_start3A_326] : memref<10240x128xf32, #tpu.memory_space<vmem_shared>> -> memref<10240x128xf32, #tpu.memory_space<vmem_shared>>
      tpu.enqueue_indirect_dma source(%arg12 : memref<128x128xf32, #tpu.memory_space<vmem>>) target(%dma_start3A_327 : memref<10240x128xf32, #tpu.memory_space<vmem_shared>>) offsets(%arg10 : memref<128xi32, #tpu.memory_space<vmem>>) semaphore(%run_scoped3A : memref<!tpu.dma_semaphore, #tpu.memory_space<semaphore_mem>>) {add = true}
      %dma_wait3A_328 = arith.constant 0 : i32
      %dma_wait3A_329 = arith.constant 0 : i32
      %dma_wait3A_330 = tpu.memref_slice %arg13[%dma_wait3A_328, %dma_wait3A_329] : memref<10240x128xf32, #tpu.memory_space<vmem_shared>> -> memref<10240x128xf32, #tpu.memory_space<vmem_shared>>
      tpu.wait_indirect_dma semaphore(%run_scoped3A : memref<!tpu.dma_semaphore, #tpu.memory_space<semaphore_mem>>) src(%arg12 : memref<128x128xf32, #tpu.memory_space<vmem>>) dst(%dma_wait3A_330 : memref<10240x128xf32, #tpu.memory_space<vmem_shared>>)
      tpu.yield
    }) : () -> ()
    %barrier3A_320 = arith.constant 0 : index
    tpu.barrier barrier_id(%barrier3A_320)
    %mul3A_321 = arith.constant 640 : i32
    %mul3A_322 = arith.muli %arg1, %mul3A_321 : i32
    %mul3A_323 = arith.constant 640 : i32
    %mul3A_324 = arith.muli %arg1, %mul3A_323 : i32
    "tpu.region"() ({
      %run_scoped3A = tpu.sem_alloc : memref<!tpu.dma_semaphore, #tpu.memory_space<semaphore_mem>>
      %dma_start3A_325 = arith.constant 0 : i32
      %dma_start3A_326 = arith.constant 0 : i32
      %dma_start3A_327 = tpu.memref_slice %arg5[%arg0, %dma_start3A_325, %dma_start3A_326] : memref<2x10240x128xf32, #tpu.memory_space<hbm>> -> memref<1x10240x128xf32, #tpu.memory_space<hbm>>
      %dma_start3A_328 = tpu.memref_squeeze %dma_start3A_327 : memref<1x10240x128xf32, #tpu.memory_space<hbm>> -> memref<10240x128xf32, #tpu.memory_space<hbm>>
      %dma_start3A_329 = arith.constant 0 : i32
      %dma_start3A_330 = tpu.memref_slice %dma_start3A_328[%mul3A_324, %dma_start3A_329] : memref<10240x128xf32, #tpu.memory_space<hbm>> -> memref<640x128xf32, #tpu.memory_space<hbm>>
      %dma_start3A_331 = arith.constant 0 : i32
      %dma_start3A_332 = tpu.memref_slice %arg13[%mul3A_322, %dma_start3A_331] : memref<10240x128xf32, #tpu.memory_space<vmem_shared>> -> memref<640x128xf32, #tpu.memory_space<vmem_shared>>
      tpu.enqueue_dma source(%dma_start3A_332 : memref<640x128xf32, #tpu.memory_space<vmem_shared>>) target(%dma_start3A_330 : memref<640x128xf32, #tpu.memory_space<hbm>>) target_semaphore(%run_scoped3A : memref<!tpu.dma_semaphore, #tpu.memory_space<semaphore_mem>>)
      %dma_wait3A_333 = arith.constant 0 : i32
      %dma_wait3A_334 = arith.constant 0 : i32
      %dma_wait3A_335 = tpu.memref_slice %arg5[%arg0, %dma_wait3A_333, %dma_wait3A_334] : memref<2x10240x128xf32, #tpu.memory_space<hbm>> -> memref<1x10240x128xf32, #tpu.memory_space<hbm>>
      %dma_wait3A_336 = tpu.memref_squeeze %dma_wait3A_335 : memref<1x10240x128xf32, #tpu.memory_space<hbm>> -> memref<10240x128xf32, #tpu.memory_space<hbm>>
      %dma_wait3A_337 = arith.constant 0 : i32
      %dma_wait3A_338 = tpu.memref_slice %dma_wait3A_336[%mul3A_324, %dma_wait3A_337] : memref<10240x128xf32, #tpu.memory_space<hbm>> -> memref<640x128xf32, #tpu.memory_space<hbm>>
      %dma_wait3A_339 = arith.constant 0 : i32
      %dma_wait3A_340 = tpu.memref_slice %arg13[%mul3A_322, %dma_wait3A_339] : memref<10240x128xf32, #tpu.memory_space<vmem_shared>> -> memref<640x128xf32, #tpu.memory_space<vmem_shared>>
      tpu.wait_dma2 semaphore(%run_scoped3A : memref<!tpu.dma_semaphore, #tpu.memory_space<semaphore_mem>>) src(%dma_wait3A_340 : memref<640x128xf32, #tpu.memory_space<vmem_shared>>) dst(%dma_wait3A_338 : memref<640x128xf32, #tpu.memory_space<hbm>>)
      tpu.yield
    }) : () -> ()
    return
  }
}

#map = affine_map<(d0, d1) -> (0, 0)>
#map1 = affine_map<(d0, d1) -> (0, 0, 0)>
module attributes {stable_mosaic.version = 14 : i64} {
  func.func @_edge_body(%arg0: i32, %arg1: i32, %arg2: memref<10000x128xf32, #tpu.memory_space<hbm>>, %arg3: memref<32x80x128xi32, #tpu.memory_space<hbm>>, %arg4: memref<10240x128xf32, #tpu.memory_space<hbm>>, %arg5: memref<2x10240x128xf32, #tpu.memory_space<hbm>>, %arg6: memref<80x128xi32, #tpu.memory_space<vmem>>, %arg7: memref<128xi32, #tpu.memory_space<vmem>>, %arg8: memref<128xi32, #tpu.memory_space<vmem>>, %arg9: memref<128xi32, #tpu.memory_space<vmem>>, %arg10: memref<128xi32, #tpu.memory_space<vmem>>, %arg11: memref<128x128xf32, #tpu.memory_space<vmem>>, %arg12: memref<128x128xf32, #tpu.memory_space<vmem>>, %arg13: memref<10240x128xf32, #tpu.memory_space<vmem_shared>>, %arg14: memref<!tpu.dma_semaphore, #tpu.memory_space<semaphore_mem>>, %arg15: memref<!tpu.dma_semaphore, #tpu.memory_space<semaphore_mem>>) attributes {dimension_semantics = [#tpu.dimension_semantics<core_parallel>, #tpu.dimension_semantics<subcore_parallel>], iteration_bounds = array<i64: 2, 16>, scalar_prefetch = 0 : i64, scratch_operands = 10 : i64, tpu.core_type = #tpu.core_type<sc_vector_subcore>, window_params = [{transform_indices = #map}, {transform_indices = #map1}, {transform_indices = #map}, {transform_indices = #map1}]} {
    %mul3A = arith.constant 2 : i32
    %mul3A_0 = arith.muli %arg1, %mul3A : i32
    %add3A = arith.addi %mul3A_0, %arg0 : i32
    "tpu.region"() ({
      %run_scoped3A = tpu.sem_alloc : memref<!tpu.dma_semaphore, #tpu.memory_space<semaphore_mem>>
      %dma_start3A_325 = arith.constant 0 : i32
      %dma_start3A_326 = arith.constant 0 : i32
      %dma_start3A_327 = tpu.memref_slice %arg3[%add3A, %dma_start3A_325, %dma_start3A_326] : memref<32x80x128xi32, #tpu.memory_space<hbm>> -> memref<1x80x128xi32, #tpu.memory_space<hbm>>
      %dma_start3A_328 = tpu.memref_squeeze %dma_start3A_327 : memref<1x80x128xi32, #tpu.memory_space<hbm>> -> memref<80x128xi32, #tpu.memory_space<hbm>>
      %dma_start3A_329 = arith.constant 0 : i32
      %dma_start3A_330 = arith.constant 0 : i32
      %dma_start3A_331 = tpu.memref_slice %arg3[%add3A, %dma_start3A_329, %dma_start3A_330] : memref<32x80x128xi32, #tpu.memory_space<hbm>> -> memref<1x80x128xi32, #tpu.memory_space<hbm>>
      %dma_start3A_332 = tpu.memref_squeeze %dma_start3A_331 : memref<1x80x128xi32, #tpu.memory_space<hbm>> -> memref<80x128xi32, #tpu.memory_space<hbm>>
      tpu.enqueue_dma source(%dma_start3A_332 : memref<80x128xi32, #tpu.memory_space<hbm>>) target(%arg6 : memref<80x128xi32, #tpu.memory_space<vmem>>) target_semaphore(%run_scoped3A : memref<!tpu.dma_semaphore, #tpu.memory_space<semaphore_mem>>)
      %dma_wait3A_333 = arith.constant 0 : i32
      %dma_wait3A_334 = arith.constant 0 : i32
      %dma_wait3A_335 = tpu.memref_slice %arg3[%add3A, %dma_wait3A_333, %dma_wait3A_334] : memref<32x80x128xi32, #tpu.memory_space<hbm>> -> memref<1x80x128xi32, #tpu.memory_space<hbm>>
      %dma_wait3A_336 = tpu.memref_squeeze %dma_wait3A_335 : memref<1x80x128xi32, #tpu.memory_space<hbm>> -> memref<80x128xi32, #tpu.memory_space<hbm>>
      %dma_wait3A_337 = arith.constant 0 : i32
      %dma_wait3A_338 = arith.constant 0 : i32
      %dma_wait3A_339 = tpu.memref_slice %arg3[%add3A, %dma_wait3A_337, %dma_wait3A_338] : memref<32x80x128xi32, #tpu.memory_space<hbm>> -> memref<1x80x128xi32, #tpu.memory_space<hbm>>
      %dma_wait3A_340 = tpu.memref_squeeze %dma_wait3A_339 : memref<1x80x128xi32, #tpu.memory_space<hbm>> -> memref<80x128xi32, #tpu.memory_space<hbm>>
      tpu.wait_dma2 semaphore(%run_scoped3A : memref<!tpu.dma_semaphore, #tpu.memory_space<semaphore_mem>>) src(%dma_wait3A_340 : memref<80x128xi32, #tpu.memory_space<hbm>>) dst(%arg6 : memref<80x128xi32, #tpu.memory_space<vmem>>)
      tpu.yield
    }) : () -> ()
    %mul3A_1 = arith.constant 640 : i32
    %mul3A_2 = arith.muli %arg1, %mul3A_1 : i32
    %mul3A_3 = arith.constant 640 : i32
    %mul3A_4 = arith.muli %arg1, %mul3A_3 : i32
    "tpu.region"() ({
      %run_scoped3A = tpu.sem_alloc : memref<!tpu.dma_semaphore, #tpu.memory_space<semaphore_mem>>
      %dma_start3A_325 = arith.constant 0 : i32
      %dma_start3A_326 = tpu.memref_slice %arg13[%mul3A_4, %dma_start3A_325] : memref<10240x128xf32, #tpu.memory_space<vmem_shared>> -> memref<640x128xf32, #tpu.memory_space<vmem_shared>>
      %dma_start3A_327 = arith.constant 0 : i32
      %dma_start3A_328 = tpu.memref_slice %arg4[%mul3A_2, %dma_start3A_327] : memref<10240x128xf32, #tpu.memory_space<hbm>> -> memref<640x128xf32, #tpu.memory_space<hbm>>
      tpu.enqueue_dma source(%dma_start3A_328 : memref<640x128xf32, #tpu.memory_space<hbm>>) target(%dma_start3A_326 : memref<640x128xf32, #tpu.memory_space<vmem_shared>>) target_semaphore(%run_scoped3A : memref<!tpu.dma_semaphore, #tpu.memory_space<semaphore_mem>>)
      %dma_wait3A_329 = arith.constant 0 : i32
      %dma_wait3A_330 = tpu.memref_slice %arg13[%mul3A_4, %dma_wait3A_329] : memref<10240x128xf32, #tpu.memory_space<vmem_shared>> -> memref<640x128xf32, #tpu.memory_space<vmem_shared>>
      %dma_wait3A_331 = arith.constant 0 : i32
      %dma_wait3A_332 = tpu.memref_slice %arg4[%mul3A_2, %dma_wait3A_331] : memref<10240x128xf32, #tpu.memory_space<hbm>> -> memref<640x128xf32, #tpu.memory_space<hbm>>
      tpu.wait_dma2 semaphore(%run_scoped3A : memref<!tpu.dma_semaphore, #tpu.memory_space<semaphore_mem>>) src(%dma_wait3A_332 : memref<640x128xf32, #tpu.memory_space<hbm>>) dst(%dma_wait3A_330 : memref<640x128xf32, #tpu.memory_space<vmem_shared>>)
      tpu.yield
    }) : () -> ()
    %barrier3A = arith.constant 0 : index
    tpu.barrier barrier_id(%barrier3A)
    %get3A = arith.constant 0 : i32
    %get3A_5 = arith.index_cast %get3A : i32 to index
    %get3A_6 = arith.constant 0 : index
    %get3A_7 = tpu.vector_load %arg6[%get3A_5, %get3A_6] {strides = array<i32>} : memref<80x128xi32, #tpu.memory_space<vmem>>, vector<1x16xi32>,
    %get3A_8 = vector.shape_cast %get3A_7 : vector<1x16xi32> to vector<16xi32>
    %and3A = arith.constant 65535 : i32
    %and3A_9 = vector.broadcast %and3A : i32 to vector<16xi32>
    %and3A_10 = arith.andi %get3A_8, %and3A_9 : vector<16xi32>
    %swap3A = arith.constant 0 : index
    %swap3A_11 = tpu.vector_load %arg7[%swap3A] {strides = array<i32>} : memref<128xi32, #tpu.memory_space<vmem>>, vector<16xi32>,
    %swap3A_12 = vector.shape_cast %swap3A_11 : vector<16xi32> to vector<16xi32>
    %swap3A_13 = vector.shape_cast %and3A_10 : vector<16xi32> to vector<16xi32>
    tpu.vector_store %arg7[%swap3A], %swap3A_13 {strides = array<i32>} : memref<128xi32, #tpu.memory_space<vmem>>, vector<16xi32>,
    %shift_right_logical3A = arith.constant 16 : i32
    %shift_right_logical3A_14 = vector.broadcast %shift_right_logical3A : i32 to vector<16xi32>
    %shift_right_logical3A_15 = arith.shrui %get3A_8, %shift_right_logical3A_14 : vector<16xi32>
    %swap3A_16 = arith.constant 0 : index
    %swap3A_17 = tpu.vector_load %arg8[%swap3A_16] {strides = array<i32>} : memref<128xi32, #tpu.memory_space<vmem>>, vector<16xi32>,
    %swap3A_18 = vector.shape_cast %swap3A_17 : vector<16xi32> to vector<16xi32>
    %swap3A_19 = vector.shape_cast %shift_right_logical3A_15 : vector<16xi32> to vector<16xi32>
    tpu.vector_store %arg8[%swap3A_16], %swap3A_19 {strides = array<i32>} : memref<128xi32, #tpu.memory_space<vmem>>, vector<16xi32>,
    %get3A_20 = arith.constant 0 : i32
    %get3A_21 = arith.index_cast %get3A_20 : i32 to index
    %get3A_22 = arith.constant 16 : index
    %get3A_23 = tpu.vector_load %arg6[%get3A_21, %get3A_22] {strides = array<i32>} : memref<80x128xi32, #tpu.memory_space<vmem>>, vector<1x16xi32>,
    %get3A_24 = vector.shape_cast %get3A_23 : vector<1x16xi32> to vector<16xi32>
    %and3A_25 = arith.constant 65535 : i32
    %and3A_26 = vector.broadcast %and3A_25 : i32 to vector<16xi32>
    %and3A_27 = arith.andi %get3A_24, %and3A_26 : vector<16xi32>
    %swap3A_28 = arith.constant 16 : index
    %swap3A_29 = tpu.vector_load %arg7[%swap3A_28] {strides = array<i32>} : memref<128xi32, #tpu.memory_space<vmem>>, vector<16xi32>,
    %swap3A_30 = vector.shape_cast %swap3A_29 : vector<16xi32> to vector<16xi32>
    %swap3A_31 = vector.shape_cast %and3A_27 : vector<16xi32> to vector<16xi32>
    tpu.vector_store %arg7[%swap3A_28], %swap3A_31 {strides = array<i32>} : memref<128xi32, #tpu.memory_space<vmem>>, vector<16xi32>,
    %shift_right_logical3A_32 = arith.constant 16 : i32
    %shift_right_logical3A_33 = vector.broadcast %shift_right_logical3A_32 : i32 to vector<16xi32>
    %shift_right_logical3A_34 = arith.shrui %get3A_24, %shift_right_logical3A_33 : vector<16xi32>
    %swap3A_35 = arith.constant 16 : index
    %swap3A_36 = tpu.vector_load %arg8[%swap3A_35] {strides = array<i32>} : memref<128xi32, #tpu.memory_space<vmem>>, vector<16xi32>,
    %swap3A_37 = vector.shape_cast %swap3A_36 : vector<16xi32> to vector<16xi32>
    %swap3A_38 = vector.shape_cast %shift_right_logical3A_34 : vector<16xi32> to vector<16xi32>
    tpu.vector_store %arg8[%swap3A_35], %swap3A_38 {strides = array<i32>} : memref<128xi32, #tpu.memory_space<vmem>>, vector<16xi32>,
    %get3A_39 = arith.constant 0 : i32
    %get3A_40 = arith.index_cast %get3A_39 : i32 to index
    %get3A_41 = arith.constant 32 : index
    %get3A_42 = tpu.vector_load %arg6[%get3A_40, %get3A_41] {strides = array<i32>} : memref<80x128xi32, #tpu.memory_space<vmem>>, vector<1x16xi32>,
    %get3A_43 = vector.shape_cast %get3A_42 : vector<1x16xi32> to vector<16xi32>
    %and3A_44 = arith.constant 65535 : i32
    %and3A_45 = vector.broadcast %and3A_44 : i32 to vector<16xi32>
    %and3A_46 = arith.andi %get3A_43, %and3A_45 : vector<16xi32>
    %swap3A_47 = arith.constant 32 : index
    %swap3A_48 = tpu.vector_load %arg7[%swap3A_47] {strides = array<i32>} : memref<128xi32, #tpu.memory_space<vmem>>, vector<16xi32>,
    %swap3A_49 = vector.shape_cast %swap3A_48 : vector<16xi32> to vector<16xi32>
    %swap3A_50 = vector.shape_cast %and3A_46 : vector<16xi32> to vector<16xi32>
    tpu.vector_store %arg7[%swap3A_47], %swap3A_50 {strides = array<i32>} : memref<128xi32, #tpu.memory_space<vmem>>, vector<16xi32>,
    %shift_right_logical3A_51 = arith.constant 16 : i32
    %shift_right_logical3A_52 = vector.broadcast %shift_right_logical3A_51 : i32 to vector<16xi32>
    %shift_right_logical3A_53 = arith.shrui %get3A_43, %shift_right_logical3A_52 : vector<16xi32>
    %swap3A_54 = arith.constant 32 : index
    %swap3A_55 = tpu.vector_load %arg8[%swap3A_54] {strides = array<i32>} : memref<128xi32, #tpu.memory_space<vmem>>, vector<16xi32>,
    %swap3A_56 = vector.shape_cast %swap3A_55 : vector<16xi32> to vector<16xi32>
    %swap3A_57 = vector.shape_cast %shift_right_logical3A_53 : vector<16xi32> to vector<16xi32>
    tpu.vector_store %arg8[%swap3A_54], %swap3A_57 {strides = array<i32>} : memref<128xi32, #tpu.memory_space<vmem>>, vector<16xi32>,
    %get3A_58 = arith.constant 0 : i32
    %get3A_59 = arith.index_cast %get3A_58 : i32 to index
    %get3A_60 = arith.constant 48 : index
    %get3A_61 = tpu.vector_load %arg6[%get3A_59, %get3A_60] {strides = array<i32>} : memref<80x128xi32, #tpu.memory_space<vmem>>, vector<1x16xi32>,
    %get3A_62 = vector.shape_cast %get3A_61 : vector<1x16xi32> to vector<16xi32>
    %and3A_63 = arith.constant 65535 : i32
    %and3A_64 = vector.broadcast %and3A_63 : i32 to vector<16xi32>
    %and3A_65 = arith.andi %get3A_62, %and3A_64 : vector<16xi32>
    %swap3A_66 = arith.constant 48 : index
    %swap3A_67 = tpu.vector_load %arg7[%swap3A_66] {strides = array<i32>} : memref<128xi32, #tpu.memory_space<vmem>>, vector<16xi32>,
    %swap3A_68 = vector.shape_cast %swap3A_67 : vector<16xi32> to vector<16xi32>
    %swap3A_69 = vector.shape_cast %and3A_65 : vector<16xi32> to vector<16xi32>
    tpu.vector_store %arg7[%swap3A_66], %swap3A_69 {strides = array<i32>} : memref<128xi32, #tpu.memory_space<vmem>>, vector<16xi32>,
    %shift_right_logical3A_70 = arith.constant 16 : i32
    %shift_right_logical3A_71 = vector.broadcast %shift_right_logical3A_70 : i32 to vector<16xi32>
    %shift_right_logical3A_72 = arith.shrui %get3A_62, %shift_right_logical3A_71 : vector<16xi32>
    %swap3A_73 = arith.constant 48 : index
    %swap3A_74 = tpu.vector_load %arg8[%swap3A_73] {strides = array<i32>} : memref<128xi32, #tpu.memory_space<vmem>>, vector<16xi32>,
    %swap3A_75 = vector.shape_cast %swap3A_74 : vector<16xi32> to vector<16xi32>
    %swap3A_76 = vector.shape_cast %shift_right_logical3A_72 : vector<16xi32> to vector<16xi32>
    tpu.vector_store %arg8[%swap3A_73], %swap3A_76 {strides = array<i32>} : memref<128xi32, #tpu.memory_space<vmem>>, vector<16xi32>,
    %get3A_77 = arith.constant 0 : i32
    %get3A_78 = arith.index_cast %get3A_77 : i32 to index
    %get3A_79 = arith.constant 64 : index
    %get3A_80 = tpu.vector_load %arg6[%get3A_78, %get3A_79] {strides = array<i32>} : memref<80x128xi32, #tpu.memory_space<vmem>>, vector<1x16xi32>,
    %get3A_81 = vector.shape_cast %get3A_80 : vector<1x16xi32> to vector<16xi32>
    %and3A_82 = arith.constant 65535 : i32
    %and3A_83 = vector.broadcast %and3A_82 : i32 to vector<16xi32>
    %and3A_84 = arith.andi %get3A_81, %and3A_83 : vector<16xi32>
    %swap3A_85 = arith.constant 64 : index
    %swap3A_86 = tpu.vector_load %arg7[%swap3A_85] {strides = array<i32>} : memref<128xi32, #tpu.memory_space<vmem>>, vector<16xi32>,
    %swap3A_87 = vector.shape_cast %swap3A_86 : vector<16xi32> to vector<16xi32>
    %swap3A_88 = vector.shape_cast %and3A_84 : vector<16xi32> to vector<16xi32>
    tpu.vector_store %arg7[%swap3A_85], %swap3A_88 {strides = array<i32>} : memref<128xi32, #tpu.memory_space<vmem>>, vector<16xi32>,
    %shift_right_logical3A_89 = arith.constant 16 : i32
    %shift_right_logical3A_90 = vector.broadcast %shift_right_logical3A_89 : i32 to vector<16xi32>
    %shift_right_logical3A_91 = arith.shrui %get3A_81, %shift_right_logical3A_90 : vector<16xi32>
    %swap3A_92 = arith.constant 64 : index
    %swap3A_93 = tpu.vector_load %arg8[%swap3A_92] {strides = array<i32>} : memref<128xi32, #tpu.memory_space<vmem>>, vector<16xi32>,
    %swap3A_94 = vector.shape_cast %swap3A_93 : vector<16xi32> to vector<16xi32>
    %swap3A_95 = vector.shape_cast %shift_right_logical3A_91 : vector<16xi32> to vector<16xi32>
    tpu.vector_store %arg8[%swap3A_92], %swap3A_95 {strides = array<i32>} : memref<128xi32, #tpu.memory_space<vmem>>, vector<16xi32>,
    %get3A_96 = arith.constant 0 : i32
    %get3A_97 = arith.index_cast %get3A_96 : i32 to index
    %get3A_98 = arith.constant 80 : index
    %get3A_99 = tpu.vector_load %arg6[%get3A_97, %get3A_98] {strides = array<i32>} : memref<80x128xi32, #tpu.memory_space<vmem>>, vector<1x16xi32>,
    %get3A_100 = vector.shape_cast %get3A_99 : vector<1x16xi32> to vector<16xi32>
    %and3A_101 = arith.constant 65535 : i32
    %and3A_102 = vector.broadcast %and3A_101 : i32 to vector<16xi32>
    %and3A_103 = arith.andi %get3A_100, %and3A_102 : vector<16xi32>
    %swap3A_104 = arith.constant 80 : index
    %swap3A_105 = tpu.vector_load %arg7[%swap3A_104] {strides = array<i32>} : memref<128xi32, #tpu.memory_space<vmem>>, vector<16xi32>,
    %swap3A_106 = vector.shape_cast %swap3A_105 : vector<16xi32> to vector<16xi32>
    %swap3A_107 = vector.shape_cast %and3A_103 : vector<16xi32> to vector<16xi32>
    tpu.vector_store %arg7[%swap3A_104], %swap3A_107 {strides = array<i32>} : memref<128xi32, #tpu.memory_space<vmem>>, vector<16xi32>,
    %shift_right_logical3A_108 = arith.constant 16 : i32
    %shift_right_logical3A_109 = vector.broadcast %shift_right_logical3A_108 : i32 to vector<16xi32>
    %shift_right_logical3A_110 = arith.shrui %get3A_100, %shift_right_logical3A_109 : vector<16xi32>
    %swap3A_111 = arith.constant 80 : index
    %swap3A_112 = tpu.vector_load %arg8[%swap3A_111] {strides = array<i32>} : memref<128xi32, #tpu.memory_space<vmem>>, vector<16xi32>,
    %swap3A_113 = vector.shape_cast %swap3A_112 : vector<16xi32> to vector<16xi32>
    %swap3A_114 = vector.shape_cast %shift_right_logical3A_110 : vector<16xi32> to vector<16xi32>
    tpu.vector_store %arg8[%swap3A_111], %swap3A_114 {strides = array<i32>} : memref<128xi32, #tpu.memory_space<vmem>>, vector<16xi32>,
    %get3A_115 = arith.constant 0 : i32
    %get3A_116 = arith.index_cast %get3A_115 : i32 to index
    %get3A_117 = arith.constant 96 : index
    %get3A_118 = tpu.vector_load %arg6[%get3A_116, %get3A_117] {strides = array<i32>} : memref<80x128xi32, #tpu.memory_space<vmem>>, vector<1x16xi32>,
    %get3A_119 = vector.shape_cast %get3A_118 : vector<1x16xi32> to vector<16xi32>
    %and3A_120 = arith.constant 65535 : i32
    %and3A_121 = vector.broadcast %and3A_120 : i32 to vector<16xi32>
    %and3A_122 = arith.andi %get3A_119, %and3A_121 : vector<16xi32>
    %swap3A_123 = arith.constant 96 : index
    %swap3A_124 = tpu.vector_load %arg7[%swap3A_123] {strides = array<i32>} : memref<128xi32, #tpu.memory_space<vmem>>, vector<16xi32>,
    %swap3A_125 = vector.shape_cast %swap3A_124 : vector<16xi32> to vector<16xi32>
    %swap3A_126 = vector.shape_cast %and3A_122 : vector<16xi32> to vector<16xi32>
    tpu.vector_store %arg7[%swap3A_123], %swap3A_126 {strides = array<i32>} : memref<128xi32, #tpu.memory_space<vmem>>, vector<16xi32>,
    %shift_right_logical3A_127 = arith.constant 16 : i32
    %shift_right_logical3A_128 = vector.broadcast %shift_right_logical3A_127 : i32 to vector<16xi32>
    %shift_right_logical3A_129 = arith.shrui %get3A_119, %shift_right_logical3A_128 : vector<16xi32>
    %swap3A_130 = arith.constant 96 : index
    %swap3A_131 = tpu.vector_load %arg8[%swap3A_130] {strides = array<i32>} : memref<128xi32, #tpu.memory_space<vmem>>, vector<16xi32>,
    %swap3A_132 = vector.shape_cast %swap3A_131 : vector<16xi32> to vector<16xi32>
    %swap3A_133 = vector.shape_cast %shift_right_logical3A_129 : vector<16xi32> to vector<16xi32>
    tpu.vector_store %arg8[%swap3A_130], %swap3A_133 {strides = array<i32>} : memref<128xi32, #tpu.memory_space<vmem>>, vector<16xi32>,
    %get3A_134 = arith.constant 0 : i32
    %get3A_135 = arith.index_cast %get3A_134 : i32 to index
    %get3A_136 = arith.constant 112 : index
    %get3A_137 = tpu.vector_load %arg6[%get3A_135, %get3A_136] {strides = array<i32>} : memref<80x128xi32, #tpu.memory_space<vmem>>, vector<1x16xi32>,
    %get3A_138 = vector.shape_cast %get3A_137 : vector<1x16xi32> to vector<16xi32>
    %and3A_139 = arith.constant 65535 : i32
    %and3A_140 = vector.broadcast %and3A_139 : i32 to vector<16xi32>
    %and3A_141 = arith.andi %get3A_138, %and3A_140 : vector<16xi32>
    %swap3A_142 = arith.constant 112 : index
    %swap3A_143 = tpu.vector_load %arg7[%swap3A_142] {strides = array<i32>} : memref<128xi32, #tpu.memory_space<vmem>>, vector<16xi32>,
    %swap3A_144 = vector.shape_cast %swap3A_143 : vector<16xi32> to vector<16xi32>
    %swap3A_145 = vector.shape_cast %and3A_141 : vector<16xi32> to vector<16xi32>
    tpu.vector_store %arg7[%swap3A_142], %swap3A_145 {strides = array<i32>} : memref<128xi32, #tpu.memory_space<vmem>>, vector<16xi32>,
    %shift_right_logical3A_146 = arith.constant 16 : i32
    %shift_right_logical3A_147 = vector.broadcast %shift_right_logical3A_146 : i32 to vector<16xi32>
    %shift_right_logical3A_148 = arith.shrui %get3A_138, %shift_right_logical3A_147 : vector<16xi32>
    %swap3A_149 = arith.constant 112 : index
    %swap3A_150 = tpu.vector_load %arg8[%swap3A_149] {strides = array<i32>} : memref<128xi32, #tpu.memory_space<vmem>>, vector<16xi32>,
    %swap3A_151 = vector.shape_cast %swap3A_150 : vector<16xi32> to vector<16xi32>
    %swap3A_152 = vector.shape_cast %shift_right_logical3A_148 : vector<16xi32> to vector<16xi32>
    tpu.vector_store %arg8[%swap3A_149], %swap3A_152 {strides = array<i32>} : memref<128xi32, #tpu.memory_space<vmem>>, vector<16xi32>,
    %dma_start3A = arith.constant 0 : i32
    %dma_start3A_153 = arith.constant 0 : i32
    %dma_start3A_154 = tpu.memref_slice %arg2[%dma_start3A, %dma_start3A_153] : memref<10000x128xf32, #tpu.memory_space<hbm>> -> memref<10000x128xf32, #tpu.memory_space<hbm>>
    tpu.enqueue_indirect_dma source(%dma_start3A_154 : memref<10000x128xf32, #tpu.memory_space<hbm>>) target(%arg11 : memref<128x128xf32, #tpu.memory_space<vmem>>) offsets(%arg7 : memref<128xi32, #tpu.memory_space<vmem>>) semaphore(%arg14 : memref<!tpu.dma_semaphore, #tpu.memory_space<semaphore_mem>>)
    %get3A_155 = arith.constant 1 : i32
    %get3A_156 = arith.index_cast %get3A_155 : i32 to index
    %get3A_157 = arith.constant 0 : index
    %get3A_158 = tpu.vector_load %arg6[%get3A_156, %get3A_157] {strides = array<i32>} : memref<80x128xi32, #tpu.memory_space<vmem>>, vector<1x16xi32>,
    %get3A_159 = vector.shape_cast %get3A_158 : vector<1x16xi32> to vector<16xi32>
    %and3A_160 = arith.constant 65535 : i32
    %and3A_161 = vector.broadcast %and3A_160 : i32 to vector<16xi32>
    %and3A_162 = arith.andi %get3A_159, %and3A_161 : vector<16xi32>
    %swap3A_163 = arith.constant 0 : index
    %swap3A_164 = tpu.vector_load %arg9[%swap3A_163] {strides = array<i32>} : memref<128xi32, #tpu.memory_space<vmem>>, vector<16xi32>,
    %swap3A_165 = vector.shape_cast %swap3A_164 : vector<16xi32> to vector<16xi32>
    %swap3A_166 = vector.shape_cast %and3A_162 : vector<16xi32> to vector<16xi32>
    tpu.vector_store %arg9[%swap3A_163], %swap3A_166 {strides = array<i32>} : memref<128xi32, #tpu.memory_space<vmem>>, vector<16xi32>,
    %shift_right_logical3A_167 = arith.constant 16 : i32
    %shift_right_logical3A_168 = vector.broadcast %shift_right_logical3A_167 : i32 to vector<16xi32>
    %shift_right_logical3A_169 = arith.shrui %get3A_159, %shift_right_logical3A_168 : vector<16xi32>
    %swap3A_170 = arith.constant 0 : index
    %swap3A_171 = tpu.vector_load %arg10[%swap3A_170] {strides = array<i32>} : memref<128xi32, #tpu.memory_space<vmem>>, vector<16xi32>,
    %swap3A_172 = vector.shape_cast %swap3A_171 : vector<16xi32> to vector<16xi32>
    %swap3A_173 = vector.shape_cast %shift_right_logical3A_169 : vector<16xi32> to vector<16xi32>
    tpu.vector_store %arg10[%swap3A_170], %swap3A_173 {strides = array<i32>} : memref<128xi32, #tpu.memory_space<vmem>>, vector<16xi32>,
    %get3A_174 = arith.constant 1 : i32
    %get3A_175 = arith.index_cast %get3A_174 : i32 to index
    %get3A_176 = arith.constant 16 : index
    %get3A_177 = tpu.vector_load %arg6[%get3A_175, %get3A_176] {strides = array<i32>} : memref<80x128xi32, #tpu.memory_space<vmem>>, vector<1x16xi32>,
    %get3A_178 = vector.shape_cast %get3A_177 : vector<1x16xi32> to vector<16xi32>
    %and3A_179 = arith.constant 65535 : i32
    %and3A_180 = vector.broadcast %and3A_179 : i32 to vector<16xi32>
    %and3A_181 = arith.andi %get3A_178, %and3A_180 : vector<16xi32>
    %swap3A_182 = arith.constant 16 : index
    %swap3A_183 = tpu.vector_load %arg9[%swap3A_182] {strides = array<i32>} : memref<128xi32, #tpu.memory_space<vmem>>, vector<16xi32>,
    %swap3A_184 = vector.shape_cast %swap3A_183 : vector<16xi32> to vector<16xi32>
    %swap3A_185 = vector.shape_cast %and3A_181 : vector<16xi32> to vector<16xi32>
    tpu.vector_store %arg9[%swap3A_182], %swap3A_185 {strides = array<i32>} : memref<128xi32, #tpu.memory_space<vmem>>, vector<16xi32>,
    %shift_right_logical3A_186 = arith.constant 16 : i32
    %shift_right_logical3A_187 = vector.broadcast %shift_right_logical3A_186 : i32 to vector<16xi32>
    %shift_right_logical3A_188 = arith.shrui %get3A_178, %shift_right_logical3A_187 : vector<16xi32>
    %swap3A_189 = arith.constant 16 : index
    %swap3A_190 = tpu.vector_load %arg10[%swap3A_189] {strides = array<i32>} : memref<128xi32, #tpu.memory_space<vmem>>, vector<16xi32>,
    %swap3A_191 = vector.shape_cast %swap3A_190 : vector<16xi32> to vector<16xi32>
    %swap3A_192 = vector.shape_cast %shift_right_logical3A_188 : vector<16xi32> to vector<16xi32>
    tpu.vector_store %arg10[%swap3A_189], %swap3A_192 {strides = array<i32>} : memref<128xi32, #tpu.memory_space<vmem>>, vector<16xi32>,
    %get3A_193 = arith.constant 1 : i32
    %get3A_194 = arith.index_cast %get3A_193 : i32 to index
    %get3A_195 = arith.constant 32 : index
    %get3A_196 = tpu.vector_load %arg6[%get3A_194, %get3A_195] {strides = array<i32>} : memref<80x128xi32, #tpu.memory_space<vmem>>, vector<1x16xi32>,
    %get3A_197 = vector.shape_cast %get3A_196 : vector<1x16xi32> to vector<16xi32>
    %and3A_198 = arith.constant 65535 : i32
    %and3A_199 = vector.broadcast %and3A_198 : i32 to vector<16xi32>
    %and3A_200 = arith.andi %get3A_197, %and3A_199 : vector<16xi32>
    %swap3A_201 = arith.constant 32 : index
    %swap3A_202 = tpu.vector_load %arg9[%swap3A_201] {strides = array<i32>} : memref<128xi32, #tpu.memory_space<vmem>>, vector<16xi32>,
    %swap3A_203 = vector.shape_cast %swap3A_202 : vector<16xi32> to vector<16xi32>
    %swap3A_204 = vector.shape_cast %and3A_200 : vector<16xi32> to vector<16xi32>
    tpu.vector_store %arg9[%swap3A_201], %swap3A_204 {strides = array<i32>} : memref<128xi32, #tpu.memory_space<vmem>>, vector<16xi32>,
    %shift_right_logical3A_205 = arith.constant 16 : i32
    %shift_right_logical3A_206 = vector.broadcast %shift_right_logical3A_205 : i32 to vector<16xi32>
    %shift_right_logical3A_207 = arith.shrui %get3A_197, %shift_right_logical3A_206 : vector<16xi32>
    %swap3A_208 = arith.constant 32 : index
    %swap3A_209 = tpu.vector_load %arg10[%swap3A_208] {strides = array<i32>} : memref<128xi32, #tpu.memory_space<vmem>>, vector<16xi32>,
    %swap3A_210 = vector.shape_cast %swap3A_209 : vector<16xi32> to vector<16xi32>
    %swap3A_211 = vector.shape_cast %shift_right_logical3A_207 : vector<16xi32> to vector<16xi32>
    tpu.vector_store %arg10[%swap3A_208], %swap3A_211 {strides = array<i32>} : memref<128xi32, #tpu.memory_space<vmem>>, vector<16xi32>,
    %get3A_212 = arith.constant 1 : i32
    %get3A_213 = arith.index_cast %get3A_212 : i32 to index
    %get3A_214 = arith.constant 48 : index
    %get3A_215 = tpu.vector_load %arg6[%get3A_213, %get3A_214] {strides = array<i32>} : memref<80x128xi32, #tpu.memory_space<vmem>>, vector<1x16xi32>,
    %get3A_216 = vector.shape_cast %get3A_215 : vector<1x16xi32> to vector<16xi32>
    %and3A_217 = arith.constant 65535 : i32
    %and3A_218 = vector.broadcast %and3A_217 : i32 to vector<16xi32>
    %and3A_219 = arith.andi %get3A_216, %and3A_218 : vector<16xi32>
    %swap3A_220 = arith.constant 48 : index
    %swap3A_221 = tpu.vector_load %arg9[%swap3A_220] {strides = array<i32>} : memref<128xi32, #tpu.memory_space<vmem>>, vector<16xi32>,
    %swap3A_222 = vector.shape_cast %swap3A_221 : vector<16xi32> to vector<16xi32>
    %swap3A_223 = vector.shape_cast %and3A_219 : vector<16xi32> to vector<16xi32>
    tpu.vector_store %arg9[%swap3A_220], %swap3A_223 {strides = array<i32>} : memref<128xi32, #tpu.memory_space<vmem>>, vector<16xi32>,
    %shift_right_logical3A_224 = arith.constant 16 : i32
    %shift_right_logical3A_225 = vector.broadcast %shift_right_logical3A_224 : i32 to vector<16xi32>
    %shift_right_logical3A_226 = arith.shrui %get3A_216, %shift_right_logical3A_225 : vector<16xi32>
    %swap3A_227 = arith.constant 48 : index
    %swap3A_228 = tpu.vector_load %arg10[%swap3A_227] {strides = array<i32>} : memref<128xi32, #tpu.memory_space<vmem>>, vector<16xi32>,
    %swap3A_229 = vector.shape_cast %swap3A_228 : vector<16xi32> to vector<16xi32>
    %swap3A_230 = vector.shape_cast %shift_right_logical3A_226 : vector<16xi32> to vector<16xi32>
    tpu.vector_store %arg10[%swap3A_227], %swap3A_230 {strides = array<i32>} : memref<128xi32, #tpu.memory_space<vmem>>, vector<16xi32>,
    %get3A_231 = arith.constant 1 : i32
    %get3A_232 = arith.index_cast %get3A_231 : i32 to index
    %get3A_233 = arith.constant 64 : index
    %get3A_234 = tpu.vector_load %arg6[%get3A_232, %get3A_233] {strides = array<i32>} : memref<80x128xi32, #tpu.memory_space<vmem>>, vector<1x16xi32>,
    %get3A_235 = vector.shape_cast %get3A_234 : vector<1x16xi32> to vector<16xi32>
    %and3A_236 = arith.constant 65535 : i32
    %and3A_237 = vector.broadcast %and3A_236 : i32 to vector<16xi32>
    %and3A_238 = arith.andi %get3A_235, %and3A_237 : vector<16xi32>
    %swap3A_239 = arith.constant 64 : index
    %swap3A_240 = tpu.vector_load %arg9[%swap3A_239] {strides = array<i32>} : memref<128xi32, #tpu.memory_space<vmem>>, vector<16xi32>,
    %swap3A_241 = vector.shape_cast %swap3A_240 : vector<16xi32> to vector<16xi32>
    %swap3A_242 = vector.shape_cast %and3A_238 : vector<16xi32> to vector<16xi32>
    tpu.vector_store %arg9[%swap3A_239], %swap3A_242 {strides = array<i32>} : memref<128xi32, #tpu.memory_space<vmem>>, vector<16xi32>,
    %shift_right_logical3A_243 = arith.constant 16 : i32
    %shift_right_logical3A_244 = vector.broadcast %shift_right_logical3A_243 : i32 to vector<16xi32>
    %shift_right_logical3A_245 = arith.shrui %get3A_235, %shift_right_logical3A_244 : vector<16xi32>
    %swap3A_246 = arith.constant 64 : index
    %swap3A_247 = tpu.vector_load %arg10[%swap3A_246] {strides = array<i32>} : memref<128xi32, #tpu.memory_space<vmem>>, vector<16xi32>,
    %swap3A_248 = vector.shape_cast %swap3A_247 : vector<16xi32> to vector<16xi32>
    %swap3A_249 = vector.shape_cast %shift_right_logical3A_245 : vector<16xi32> to vector<16xi32>
    tpu.vector_store %arg10[%swap3A_246], %swap3A_249 {strides = array<i32>} : memref<128xi32, #tpu.memory_space<vmem>>, vector<16xi32>,
    %get3A_250 = arith.constant 1 : i32
    %get3A_251 = arith.index_cast %get3A_250 : i32 to index
    %get3A_252 = arith.constant 80 : index
    %get3A_253 = tpu.vector_load %arg6[%get3A_251, %get3A_252] {strides = array<i32>} : memref<80x128xi32, #tpu.memory_space<vmem>>, vector<1x16xi32>,
    %get3A_254 = vector.shape_cast %get3A_253 : vector<1x16xi32> to vector<16xi32>
    %and3A_255 = arith.constant 65535 : i32
    %and3A_256 = vector.broadcast %and3A_255 : i32 to vector<16xi32>
    %and3A_257 = arith.andi %get3A_254, %and3A_256 : vector<16xi32>
    %swap3A_258 = arith.constant 80 : index
    %swap3A_259 = tpu.vector_load %arg9[%swap3A_258] {strides = array<i32>} : memref<128xi32, #tpu.memory_space<vmem>>, vector<16xi32>,
    %swap3A_260 = vector.shape_cast %swap3A_259 : vector<16xi32> to vector<16xi32>
    %swap3A_261 = vector.shape_cast %and3A_257 : vector<16xi32> to vector<16xi32>
    tpu.vector_store %arg9[%swap3A_258], %swap3A_261 {strides = array<i32>} : memref<128xi32, #tpu.memory_space<vmem>>, vector<16xi32>,
    %shift_right_logical3A_262 = arith.constant 16 : i32
    %shift_right_logical3A_263 = vector.broadcast %shift_right_logical3A_262 : i32 to vector<16xi32>
    %shift_right_logical3A_264 = arith.shrui %get3A_254, %shift_right_logical3A_263 : vector<16xi32>
    %swap3A_265 = arith.constant 80 : index
    %swap3A_266 = tpu.vector_load %arg10[%swap3A_265] {strides = array<i32>} : memref<128xi32, #tpu.memory_space<vmem>>, vector<16xi32>,
    %swap3A_267 = vector.shape_cast %swap3A_266 : vector<16xi32> to vector<16xi32>
    %swap3A_268 = vector.shape_cast %shift_right_logical3A_264 : vector<16xi32> to vector<16xi32>
    tpu.vector_store %arg10[%swap3A_265], %swap3A_268 {strides = array<i32>} : memref<128xi32, #tpu.memory_space<vmem>>, vector<16xi32>,
    %get3A_269 = arith.constant 1 : i32
    %get3A_270 = arith.index_cast %get3A_269 : i32 to index
    %get3A_271 = arith.constant 96 : index
    %get3A_272 = tpu.vector_load %arg6[%get3A_270, %get3A_271] {strides = array<i32>} : memref<80x128xi32, #tpu.memory_space<vmem>>, vector<1x16xi32>,
    %get3A_273 = vector.shape_cast %get3A_272 : vector<1x16xi32> to vector<16xi32>
    %and3A_274 = arith.constant 65535 : i32
    %and3A_275 = vector.broadcast %and3A_274 : i32 to vector<16xi32>
    %and3A_276 = arith.andi %get3A_273, %and3A_275 : vector<16xi32>
    %swap3A_277 = arith.constant 96 : index
    %swap3A_278 = tpu.vector_load %arg9[%swap3A_277] {strides = array<i32>} : memref<128xi32, #tpu.memory_space<vmem>>, vector<16xi32>,
    %swap3A_279 = vector.shape_cast %swap3A_278 : vector<16xi32> to vector<16xi32>
    %swap3A_280 = vector.shape_cast %and3A_276 : vector<16xi32> to vector<16xi32>
    tpu.vector_store %arg9[%swap3A_277], %swap3A_280 {strides = array<i32>} : memref<128xi32, #tpu.memory_space<vmem>>, vector<16xi32>,
    %shift_right_logical3A_281 = arith.constant 16 : i32
    %shift_right_logical3A_282 = vector.broadcast %shift_right_logical3A_281 : i32 to vector<16xi32>
    %shift_right_logical3A_283 = arith.shrui %get3A_273, %shift_right_logical3A_282 : vector<16xi32>
    %swap3A_284 = arith.constant 96 : index
    %swap3A_285 = tpu.vector_load %arg10[%swap3A_284] {strides = array<i32>} : memref<128xi32, #tpu.memory_space<vmem>>, vector<16xi32>,
    %swap3A_286 = vector.shape_cast %swap3A_285 : vector<16xi32> to vector<16xi32>
    %swap3A_287 = vector.shape_cast %shift_right_logical3A_283 : vector<16xi32> to vector<16xi32>
    tpu.vector_store %arg10[%swap3A_284], %swap3A_287 {strides = array<i32>} : memref<128xi32, #tpu.memory_space<vmem>>, vector<16xi32>,
    %get3A_288 = arith.constant 1 : i32
    %get3A_289 = arith.index_cast %get3A_288 : i32 to index
    %get3A_290 = arith.constant 112 : index
    %get3A_291 = tpu.vector_load %arg6[%get3A_289, %get3A_290] {strides = array<i32>} : memref<80x128xi32, #tpu.memory_space<vmem>>, vector<1x16xi32>,
    %get3A_292 = vector.shape_cast %get3A_291 : vector<1x16xi32> to vector<16xi32>
    %and3A_293 = arith.constant 65535 : i32
    %and3A_294 = vector.broadcast %and3A_293 : i32 to vector<16xi32>
    %and3A_295 = arith.andi %get3A_292, %and3A_294 : vector<16xi32>
    %swap3A_296 = arith.constant 112 : index
    %swap3A_297 = tpu.vector_load %arg9[%swap3A_296] {strides = array<i32>} : memref<128xi32, #tpu.memory_space<vmem>>, vector<16xi32>,
    %swap3A_298 = vector.shape_cast %swap3A_297 : vector<16xi32> to vector<16xi32>
    %swap3A_299 = vector.shape_cast %and3A_295 : vector<16xi32> to vector<16xi32>
    tpu.vector_store %arg9[%swap3A_296], %swap3A_299 {strides = array<i32>} : memref<128xi32, #tpu.memory_space<vmem>>, vector<16xi32>,
    %shift_right_logical3A_300 = arith.constant 16 : i32
    %shift_right_logical3A_301 = vector.broadcast %shift_right_logical3A_300 : i32 to vector<16xi32>
    %shift_right_logical3A_302 = arith.shrui %get3A_292, %shift_right_logical3A_301 : vector<16xi32>
    %swap3A_303 = arith.constant 112 : index
    %swap3A_304 = tpu.vector_load %arg10[%swap3A_303] {strides = array<i32>} : memref<128xi32, #tpu.memory_space<vmem>>, vector<16xi32>,
    %swap3A_305 = vector.shape_cast %swap3A_304 : vector<16xi32> to vector<16xi32>
    %swap3A_306 = vector.shape_cast %shift_right_logical3A_302 : vector<16xi32> to vector<16xi32>
    tpu.vector_store %arg10[%swap3A_303], %swap3A_306 {strides = array<i32>} : memref<128xi32, #tpu.memory_space<vmem>>, vector<16xi32>,
    %dma_start3A_307 = arith.constant 0 : i32
    %dma_start3A_308 = arith.constant 0 : i32
    %dma_start3A_309 = tpu.memref_slice %arg2[%dma_start3A_307, %dma_start3A_308] : memref<10000x128xf32, #tpu.memory_space<hbm>> -> memref<10000x128xf32, #tpu.memory_space<hbm>>
    tpu.enqueue_indirect_dma source(%dma_start3A_309 : memref<10000x128xf32, #tpu.memory_space<hbm>>) target(%arg12 : memref<128x128xf32, #tpu.memory_space<vmem>>) offsets(%arg9 : memref<128xi32, #tpu.memory_space<vmem>>) semaphore(%arg15 : memref<!tpu.dma_semaphore, #tpu.memory_space<semaphore_mem>>)
    %scan3A = arith.constant 0 : i32
    %scan3A_310 = arith.constant 0 : i32
    %scan3A_311 = arith.constant 39 : i32
    %scan3A_312 = arith.addi %scan3A_310, %scan3A_311 : i32
    %scan3A_313 = arith.constant 1 : i32
    scf.for %scan3A_325 = %scan3A_310 to %scan3A_312 step %scan3A_313  : i32 {
      %mul3A_326 = arith.constant 2 : i32
      %mul3A_327 = arith.muli %mul3A_326, %scan3A_325 : i32
      %add3A_328 = arith.constant 2 : i32
      %add3A_329 = arith.addi %mul3A_327, %add3A_328 : i32
      %dma_wait3A_330 = arith.constant 0 : i32
      %dma_wait3A_331 = arith.constant 0 : i32
      %dma_wait3A_332 = tpu.memref_slice %arg2[%dma_wait3A_330, %dma_wait3A_331] : memref<10000x128xf32, #tpu.memory_space<hbm>> -> memref<10000x128xf32, #tpu.memory_space<hbm>>
      tpu.wait_indirect_dma semaphore(%arg14 : memref<!tpu.dma_semaphore, #tpu.memory_space<semaphore_mem>>) src(%dma_wait3A_332 : memref<10000x128xf32, #tpu.memory_space<hbm>>) dst(%arg11 : memref<128x128xf32, #tpu.memory_space<vmem>>)
      "tpu.region"() ({
        %run_scoped3A = tpu.sem_alloc : memref<!tpu.dma_semaphore, #tpu.memory_space<semaphore_mem>>
        %dma_start3A_632 = arith.constant 0 : i32
        %dma_start3A_633 = arith.constant 0 : i32
        %dma_start3A_634 = tpu.memref_slice %arg13[%dma_start3A_632, %dma_start3A_633] : memref<10240x128xf32, #tpu.memory_space<vmem_shared>> -> memref<10240x128xf32, #tpu.memory_space<vmem_shared>>
        tpu.enqueue_indirect_dma source(%arg11 : memref<128x128xf32, #tpu.memory_space<vmem>>) target(%dma_start3A_634 : memref<10240x128xf32, #tpu.memory_space<vmem_shared>>) offsets(%arg8 : memref<128xi32, #tpu.memory_space<vmem>>) semaphore(%run_scoped3A : memref<!tpu.dma_semaphore, #tpu.memory_space<semaphore_mem>>) {add = true}
        %dma_wait3A_635 = arith.constant 0 : i32
        %dma_wait3A_636 = arith.constant 0 : i32
        %dma_wait3A_637 = tpu.memref_slice %arg13[%dma_wait3A_635, %dma_wait3A_636] : memref<10240x128xf32, #tpu.memory_space<vmem_shared>> -> memref<10240x128xf32, #tpu.memory_space<vmem_shared>>
        tpu.wait_indirect_dma semaphore(%run_scoped3A : memref<!tpu.dma_semaphore, #tpu.memory_space<semaphore_mem>>) src(%arg11 : memref<128x128xf32, #tpu.memory_space<vmem>>) dst(%dma_wait3A_637 : memref<10240x128xf32, #tpu.memory_space<vmem_shared>>)
        tpu.yield
      }) : () -> ()
      %get3A_333 = arith.index_cast %add3A_329 : i32 to index
      %get3A_334 = arith.constant 0 : index
      %get3A_335 = tpu.vector_load %arg6[%get3A_333, %get3A_334] {strides = array<i32>} : memref<80x128xi32, #tpu.memory_space<vmem>>, vector<1x16xi32>,
      %get3A_336 = vector.shape_cast %get3A_335 : vector<1x16xi32> to vector<16xi32>
      %and3A_337 = arith.constant 65535 : i32
      %and3A_338 = vector.broadcast %and3A_337 : i32 to vector<16xi32>
      %and3A_339 = arith.andi %get3A_336, %and3A_338 : vector<16xi32>
      %swap3A_340 = arith.constant 0 : index
      %swap3A_341 = tpu.vector_load %arg7[%swap3A_340] {strides = array<i32>} : memref<128xi32, #tpu.memory_space<vmem>>, vector<16xi32>,
      %swap3A_342 = vector.shape_cast %swap3A_341 : vector<16xi32> to vector<16xi32>
      %swap3A_343 = vector.shape_cast %and3A_339 : vector<16xi32> to vector<16xi32>
      tpu.vector_store %arg7[%swap3A_340], %swap3A_343 {strides = array<i32>} : memref<128xi32, #tpu.memory_space<vmem>>, vector<16xi32>,
      %shift_right_logical3A_344 = arith.constant 16 : i32
      %shift_right_logical3A_345 = vector.broadcast %shift_right_logical3A_344 : i32 to vector<16xi32>
      %shift_right_logical3A_346 = arith.shrui %get3A_336, %shift_right_logical3A_345 : vector<16xi32>
      %swap3A_347 = arith.constant 0 : index
      %swap3A_348 = tpu.vector_load %arg8[%swap3A_347] {strides = array<i32>} : memref<128xi32, #tpu.memory_space<vmem>>, vector<16xi32>,
      %swap3A_349 = vector.shape_cast %swap3A_348 : vector<16xi32> to vector<16xi32>
      %swap3A_350 = vector.shape_cast %shift_right_logical3A_346 : vector<16xi32> to vector<16xi32>
      tpu.vector_store %arg8[%swap3A_347], %swap3A_350 {strides = array<i32>} : memref<128xi32, #tpu.memory_space<vmem>>, vector<16xi32>,
      %get3A_351 = arith.index_cast %add3A_329 : i32 to index
      %get3A_352 = arith.constant 16 : index
      %get3A_353 = tpu.vector_load %arg6[%get3A_351, %get3A_352] {strides = array<i32>} : memref<80x128xi32, #tpu.memory_space<vmem>>, vector<1x16xi32>,
      %get3A_354 = vector.shape_cast %get3A_353 : vector<1x16xi32> to vector<16xi32>
      %and3A_355 = arith.constant 65535 : i32
      %and3A_356 = vector.broadcast %and3A_355 : i32 to vector<16xi32>
      %and3A_357 = arith.andi %get3A_354, %and3A_356 : vector<16xi32>
      %swap3A_358 = arith.constant 16 : index
      %swap3A_359 = tpu.vector_load %arg7[%swap3A_358] {strides = array<i32>} : memref<128xi32, #tpu.memory_space<vmem>>, vector<16xi32>,
      %swap3A_360 = vector.shape_cast %swap3A_359 : vector<16xi32> to vector<16xi32>
      %swap3A_361 = vector.shape_cast %and3A_357 : vector<16xi32> to vector<16xi32>
      tpu.vector_store %arg7[%swap3A_358], %swap3A_361 {strides = array<i32>} : memref<128xi32, #tpu.memory_space<vmem>>, vector<16xi32>,
      %shift_right_logical3A_362 = arith.constant 16 : i32
      %shift_right_logical3A_363 = vector.broadcast %shift_right_logical3A_362 : i32 to vector<16xi32>
      %shift_right_logical3A_364 = arith.shrui %get3A_354, %shift_right_logical3A_363 : vector<16xi32>
      %swap3A_365 = arith.constant 16 : index
      %swap3A_366 = tpu.vector_load %arg8[%swap3A_365] {strides = array<i32>} : memref<128xi32, #tpu.memory_space<vmem>>, vector<16xi32>,
      %swap3A_367 = vector.shape_cast %swap3A_366 : vector<16xi32> to vector<16xi32>
      %swap3A_368 = vector.shape_cast %shift_right_logical3A_364 : vector<16xi32> to vector<16xi32>
      tpu.vector_store %arg8[%swap3A_365], %swap3A_368 {strides = array<i32>} : memref<128xi32, #tpu.memory_space<vmem>>, vector<16xi32>,
      %get3A_369 = arith.index_cast %add3A_329 : i32 to index
      %get3A_370 = arith.constant 32 : index
      %get3A_371 = tpu.vector_load %arg6[%get3A_369, %get3A_370] {strides = array<i32>} : memref<80x128xi32, #tpu.memory_space<vmem>>, vector<1x16xi32>,
      %get3A_372 = vector.shape_cast %get3A_371 : vector<1x16xi32> to vector<16xi32>
      %and3A_373 = arith.constant 65535 : i32
      %and3A_374 = vector.broadcast %and3A_373 : i32 to vector<16xi32>
      %and3A_375 = arith.andi %get3A_372, %and3A_374 : vector<16xi32>
      %swap3A_376 = arith.constant 32 : index
      %swap3A_377 = tpu.vector_load %arg7[%swap3A_376] {strides = array<i32>} : memref<128xi32, #tpu.memory_space<vmem>>, vector<16xi32>,
      %swap3A_378 = vector.shape_cast %swap3A_377 : vector<16xi32> to vector<16xi32>
      %swap3A_379 = vector.shape_cast %and3A_375 : vector<16xi32> to vector<16xi32>
      tpu.vector_store %arg7[%swap3A_376], %swap3A_379 {strides = array<i32>} : memref<128xi32, #tpu.memory_space<vmem>>, vector<16xi32>,
      %shift_right_logical3A_380 = arith.constant 16 : i32
      %shift_right_logical3A_381 = vector.broadcast %shift_right_logical3A_380 : i32 to vector<16xi32>
      %shift_right_logical3A_382 = arith.shrui %get3A_372, %shift_right_logical3A_381 : vector<16xi32>
      %swap3A_383 = arith.constant 32 : index
      %swap3A_384 = tpu.vector_load %arg8[%swap3A_383] {strides = array<i32>} : memref<128xi32, #tpu.memory_space<vmem>>, vector<16xi32>,
      %swap3A_385 = vector.shape_cast %swap3A_384 : vector<16xi32> to vector<16xi32>
      %swap3A_386 = vector.shape_cast %shift_right_logical3A_382 : vector<16xi32> to vector<16xi32>
      tpu.vector_store %arg8[%swap3A_383], %swap3A_386 {strides = array<i32>} : memref<128xi32, #tpu.memory_space<vmem>>, vector<16xi32>,
      %get3A_387 = arith.index_cast %add3A_329 : i32 to index
      %get3A_388 = arith.constant 48 : index
      %get3A_389 = tpu.vector_load %arg6[%get3A_387, %get3A_388] {strides = array<i32>} : memref<80x128xi32, #tpu.memory_space<vmem>>, vector<1x16xi32>,
      %get3A_390 = vector.shape_cast %get3A_389 : vector<1x16xi32> to vector<16xi32>
      %and3A_391 = arith.constant 65535 : i32
      %and3A_392 = vector.broadcast %and3A_391 : i32 to vector<16xi32>
      %and3A_393 = arith.andi %get3A_390, %and3A_392 : vector<16xi32>
      %swap3A_394 = arith.constant 48 : index
      %swap3A_395 = tpu.vector_load %arg7[%swap3A_394] {strides = array<i32>} : memref<128xi32, #tpu.memory_space<vmem>>, vector<16xi32>,
      %swap3A_396 = vector.shape_cast %swap3A_395 : vector<16xi32> to vector<16xi32>
      %swap3A_397 = vector.shape_cast %and3A_393 : vector<16xi32> to vector<16xi32>
      tpu.vector_store %arg7[%swap3A_394], %swap3A_397 {strides = array<i32>} : memref<128xi32, #tpu.memory_space<vmem>>, vector<16xi32>,
      %shift_right_logical3A_398 = arith.constant 16 : i32
      %shift_right_logical3A_399 = vector.broadcast %shift_right_logical3A_398 : i32 to vector<16xi32>
      %shift_right_logical3A_400 = arith.shrui %get3A_390, %shift_right_logical3A_399 : vector<16xi32>
      %swap3A_401 = arith.constant 48 : index
      %swap3A_402 = tpu.vector_load %arg8[%swap3A_401] {strides = array<i32>} : memref<128xi32, #tpu.memory_space<vmem>>, vector<16xi32>,
      %swap3A_403 = vector.shape_cast %swap3A_402 : vector<16xi32> to vector<16xi32>
      %swap3A_404 = vector.shape_cast %shift_right_logical3A_400 : vector<16xi32> to vector<16xi32>
      tpu.vector_store %arg8[%swap3A_401], %swap3A_404 {strides = array<i32>} : memref<128xi32, #tpu.memory_space<vmem>>, vector<16xi32>,
      %get3A_405 = arith.index_cast %add3A_329 : i32 to index
      %get3A_406 = arith.constant 64 : index
      %get3A_407 = tpu.vector_load %arg6[%get3A_405, %get3A_406] {strides = array<i32>} : memref<80x128xi32, #tpu.memory_space<vmem>>, vector<1x16xi32>,
      %get3A_408 = vector.shape_cast %get3A_407 : vector<1x16xi32> to vector<16xi32>
      %and3A_409 = arith.constant 65535 : i32
      %and3A_410 = vector.broadcast %and3A_409 : i32 to vector<16xi32>
      %and3A_411 = arith.andi %get3A_408, %and3A_410 : vector<16xi32>
      %swap3A_412 = arith.constant 64 : index
      %swap3A_413 = tpu.vector_load %arg7[%swap3A_412] {strides = array<i32>} : memref<128xi32, #tpu.memory_space<vmem>>, vector<16xi32>,
      %swap3A_414 = vector.shape_cast %swap3A_413 : vector<16xi32> to vector<16xi32>
      %swap3A_415 = vector.shape_cast %and3A_411 : vector<16xi32> to vector<16xi32>
      tpu.vector_store %arg7[%swap3A_412], %swap3A_415 {strides = array<i32>} : memref<128xi32, #tpu.memory_space<vmem>>, vector<16xi32>,
      %shift_right_logical3A_416 = arith.constant 16 : i32
      %shift_right_logical3A_417 = vector.broadcast %shift_right_logical3A_416 : i32 to vector<16xi32>
      %shift_right_logical3A_418 = arith.shrui %get3A_408, %shift_right_logical3A_417 : vector<16xi32>
      %swap3A_419 = arith.constant 64 : index
      %swap3A_420 = tpu.vector_load %arg8[%swap3A_419] {strides = array<i32>} : memref<128xi32, #tpu.memory_space<vmem>>, vector<16xi32>,
      %swap3A_421 = vector.shape_cast %swap3A_420 : vector<16xi32> to vector<16xi32>
      %swap3A_422 = vector.shape_cast %shift_right_logical3A_418 : vector<16xi32> to vector<16xi32>
      tpu.vector_store %arg8[%swap3A_419], %swap3A_422 {strides = array<i32>} : memref<128xi32, #tpu.memory_space<vmem>>, vector<16xi32>,
      %get3A_423 = arith.index_cast %add3A_329 : i32 to index
      %get3A_424 = arith.constant 80 : index
      %get3A_425 = tpu.vector_load %arg6[%get3A_423, %get3A_424] {strides = array<i32>} : memref<80x128xi32, #tpu.memory_space<vmem>>, vector<1x16xi32>,
      %get3A_426 = vector.shape_cast %get3A_425 : vector<1x16xi32> to vector<16xi32>
      %and3A_427 = arith.constant 65535 : i32
      %and3A_428 = vector.broadcast %and3A_427 : i32 to vector<16xi32>
      %and3A_429 = arith.andi %get3A_426, %and3A_428 : vector<16xi32>
      %swap3A_430 = arith.constant 80 : index
      %swap3A_431 = tpu.vector_load %arg7[%swap3A_430] {strides = array<i32>} : memref<128xi32, #tpu.memory_space<vmem>>, vector<16xi32>,
      %swap3A_432 = vector.shape_cast %swap3A_431 : vector<16xi32> to vector<16xi32>
      %swap3A_433 = vector.shape_cast %and3A_429 : vector<16xi32> to vector<16xi32>
      tpu.vector_store %arg7[%swap3A_430], %swap3A_433 {strides = array<i32>} : memref<128xi32, #tpu.memory_space<vmem>>, vector<16xi32>,
      %shift_right_logical3A_434 = arith.constant 16 : i32
      %shift_right_logical3A_435 = vector.broadcast %shift_right_logical3A_434 : i32 to vector<16xi32>
      %shift_right_logical3A_436 = arith.shrui %get3A_426, %shift_right_logical3A_435 : vector<16xi32>
      %swap3A_437 = arith.constant 80 : index
      %swap3A_438 = tpu.vector_load %arg8[%swap3A_437] {strides = array<i32>} : memref<128xi32, #tpu.memory_space<vmem>>, vector<16xi32>,
      %swap3A_439 = vector.shape_cast %swap3A_438 : vector<16xi32> to vector<16xi32>
      %swap3A_440 = vector.shape_cast %shift_right_logical3A_436 : vector<16xi32> to vector<16xi32>
      tpu.vector_store %arg8[%swap3A_437], %swap3A_440 {strides = array<i32>} : memref<128xi32, #tpu.memory_space<vmem>>, vector<16xi32>,
      %get3A_441 = arith.index_cast %add3A_329 : i32 to index
      %get3A_442 = arith.constant 96 : index
      %get3A_443 = tpu.vector_load %arg6[%get3A_441, %get3A_442] {strides = array<i32>} : memref<80x128xi32, #tpu.memory_space<vmem>>, vector<1x16xi32>,
      %get3A_444 = vector.shape_cast %get3A_443 : vector<1x16xi32> to vector<16xi32>
      %and3A_445 = arith.constant 65535 : i32
      %and3A_446 = vector.broadcast %and3A_445 : i32 to vector<16xi32>
      %and3A_447 = arith.andi %get3A_444, %and3A_446 : vector<16xi32>
      %swap3A_448 = arith.constant 96 : index
      %swap3A_449 = tpu.vector_load %arg7[%swap3A_448] {strides = array<i32>} : memref<128xi32, #tpu.memory_space<vmem>>, vector<16xi32>,
      %swap3A_450 = vector.shape_cast %swap3A_449 : vector<16xi32> to vector<16xi32>
      %swap3A_451 = vector.shape_cast %and3A_447 : vector<16xi32> to vector<16xi32>
      tpu.vector_store %arg7[%swap3A_448], %swap3A_451 {strides = array<i32>} : memref<128xi32, #tpu.memory_space<vmem>>, vector<16xi32>,
      %shift_right_logical3A_452 = arith.constant 16 : i32
      %shift_right_logical3A_453 = vector.broadcast %shift_right_logical3A_452 : i32 to vector<16xi32>
      %shift_right_logical3A_454 = arith.shrui %get3A_444, %shift_right_logical3A_453 : vector<16xi32>
      %swap3A_455 = arith.constant 96 : index
      %swap3A_456 = tpu.vector_load %arg8[%swap3A_455] {strides = array<i32>} : memref<128xi32, #tpu.memory_space<vmem>>, vector<16xi32>,
      %swap3A_457 = vector.shape_cast %swap3A_456 : vector<16xi32> to vector<16xi32>
      %swap3A_458 = vector.shape_cast %shift_right_logical3A_454 : vector<16xi32> to vector<16xi32>
      tpu.vector_store %arg8[%swap3A_455], %swap3A_458 {strides = array<i32>} : memref<128xi32, #tpu.memory_space<vmem>>, vector<16xi32>,
      %get3A_459 = arith.index_cast %add3A_329 : i32 to index
      %get3A_460 = arith.constant 112 : index
      %get3A_461 = tpu.vector_load %arg6[%get3A_459, %get3A_460] {strides = array<i32>} : memref<80x128xi32, #tpu.memory_space<vmem>>, vector<1x16xi32>,
      %get3A_462 = vector.shape_cast %get3A_461 : vector<1x16xi32> to vector<16xi32>
      %and3A_463 = arith.constant 65535 : i32
      %and3A_464 = vector.broadcast %and3A_463 : i32 to vector<16xi32>
      %and3A_465 = arith.andi %get3A_462, %and3A_464 : vector<16xi32>
      %swap3A_466 = arith.constant 112 : index
      %swap3A_467 = tpu.vector_load %arg7[%swap3A_466] {strides = array<i32>} : memref<128xi32, #tpu.memory_space<vmem>>, vector<16xi32>,
      %swap3A_468 = vector.shape_cast %swap3A_467 : vector<16xi32> to vector<16xi32>
      %swap3A_469 = vector.shape_cast %and3A_465 : vector<16xi32> to vector<16xi32>
      tpu.vector_store %arg7[%swap3A_466], %swap3A_469 {strides = array<i32>} : memref<128xi32, #tpu.memory_space<vmem>>, vector<16xi32>,
      %shift_right_logical3A_470 = arith.constant 16 : i32
      %shift_right_logical3A_471 = vector.broadcast %shift_right_logical3A_470 : i32 to vector<16xi32>
      %shift_right_logical3A_472 = arith.shrui %get3A_462, %shift_right_logical3A_471 : vector<16xi32>
      %swap3A_473 = arith.constant 112 : index
      %swap3A_474 = tpu.vector_load %arg8[%swap3A_473] {strides = array<i32>} : memref<128xi32, #tpu.memory_space<vmem>>, vector<16xi32>,
      %swap3A_475 = vector.shape_cast %swap3A_474 : vector<16xi32> to vector<16xi32>
      %swap3A_476 = vector.shape_cast %shift_right_logical3A_472 : vector<16xi32> to vector<16xi32>
      tpu.vector_store %arg8[%swap3A_473], %swap3A_476 {strides = array<i32>} : memref<128xi32, #tpu.memory_space<vmem>>, vector<16xi32>,
      %dma_start3A_477 = arith.constant 0 : i32
      %dma_start3A_478 = arith.constant 0 : i32
      %dma_start3A_479 = tpu.memref_slice %arg2[%dma_start3A_477, %dma_start3A_478] : memref<10000x128xf32, #tpu.memory_space<hbm>> -> memref<10000x128xf32, #tpu.memory_space<hbm>>
      tpu.enqueue_indirect_dma source(%dma_start3A_479 : memref<10000x128xf32, #tpu.memory_space<hbm>>) target(%arg11 : memref<128x128xf32, #tpu.memory_space<vmem>>) offsets(%arg7 : memref<128xi32, #tpu.memory_space<vmem>>) semaphore(%arg14 : memref<!tpu.dma_semaphore, #tpu.memory_space<semaphore_mem>>)
      %dma_wait3A_480 = arith.constant 0 : i32
      %dma_wait3A_481 = arith.constant 0 : i32
      %dma_wait3A_482 = tpu.memref_slice %arg2[%dma_wait3A_480, %dma_wait3A_481] : memref<10000x128xf32, #tpu.memory_space<hbm>> -> memref<10000x128xf32, #tpu.memory_space<hbm>>
      tpu.wait_indirect_dma semaphore(%arg15 : memref<!tpu.dma_semaphore, #tpu.memory_space<semaphore_mem>>) src(%dma_wait3A_482 : memref<10000x128xf32, #tpu.memory_space<hbm>>) dst(%arg12 : memref<128x128xf32, #tpu.memory_space<vmem>>)
      "tpu.region"() ({
        %run_scoped3A = tpu.sem_alloc : memref<!tpu.dma_semaphore, #tpu.memory_space<semaphore_mem>>
        %dma_start3A_632 = arith.constant 0 : i32
        %dma_start3A_633 = arith.constant 0 : i32
        %dma_start3A_634 = tpu.memref_slice %arg13[%dma_start3A_632, %dma_start3A_633] : memref<10240x128xf32, #tpu.memory_space<vmem_shared>> -> memref<10240x128xf32, #tpu.memory_space<vmem_shared>>
        tpu.enqueue_indirect_dma source(%arg12 : memref<128x128xf32, #tpu.memory_space<vmem>>) target(%dma_start3A_634 : memref<10240x128xf32, #tpu.memory_space<vmem_shared>>) offsets(%arg10 : memref<128xi32, #tpu.memory_space<vmem>>) semaphore(%run_scoped3A : memref<!tpu.dma_semaphore, #tpu.memory_space<semaphore_mem>>) {add = true}
        %dma_wait3A_635 = arith.constant 0 : i32
        %dma_wait3A_636 = arith.constant 0 : i32
        %dma_wait3A_637 = tpu.memref_slice %arg13[%dma_wait3A_635, %dma_wait3A_636] : memref<10240x128xf32, #tpu.memory_space<vmem_shared>> -> memref<10240x128xf32, #tpu.memory_space<vmem_shared>>
        tpu.wait_indirect_dma semaphore(%run_scoped3A : memref<!tpu.dma_semaphore, #tpu.memory_space<semaphore_mem>>) src(%arg12 : memref<128x128xf32, #tpu.memory_space<vmem>>) dst(%dma_wait3A_637 : memref<10240x128xf32, #tpu.memory_space<vmem_shared>>)
        tpu.yield
      }) : () -> ()
      %add3A_483 = arith.constant 1 : i32
      %add3A_484 = arith.addi %add3A_329, %add3A_483 : i32
      %get3A_485 = arith.index_cast %add3A_484 : i32 to index
      %get3A_486 = arith.constant 0 : index
      %get3A_487 = tpu.vector_load %arg6[%get3A_485, %get3A_486] {strides = array<i32>} : memref<80x128xi32, #tpu.memory_space<vmem>>, vector<1x16xi32>,
      %get3A_488 = vector.shape_cast %get3A_487 : vector<1x16xi32> to vector<16xi32>
      %and3A_489 = arith.constant 65535 : i32
      %and3A_490 = vector.broadcast %and3A_489 : i32 to vector<16xi32>
      %and3A_491 = arith.andi %get3A_488, %and3A_490 : vector<16xi32>
      %swap3A_492 = arith.constant 0 : index
      %swap3A_493 = tpu.vector_load %arg9[%swap3A_492] {strides = array<i32>} : memref<128xi32, #tpu.memory_space<vmem>>, vector<16xi32>,
      %swap3A_494 = vector.shape_cast %swap3A_493 : vector<16xi32> to vector<16xi32>
      %swap3A_495 = vector.shape_cast %and3A_491 : vector<16xi32> to vector<16xi32>
      tpu.vector_store %arg9[%swap3A_492], %swap3A_495 {strides = array<i32>} : memref<128xi32, #tpu.memory_space<vmem>>, vector<16xi32>,
      %shift_right_logical3A_496 = arith.constant 16 : i32
      %shift_right_logical3A_497 = vector.broadcast %shift_right_logical3A_496 : i32 to vector<16xi32>
      %shift_right_logical3A_498 = arith.shrui %get3A_488, %shift_right_logical3A_497 : vector<16xi32>
      %swap3A_499 = arith.constant 0 : index
      %swap3A_500 = tpu.vector_load %arg10[%swap3A_499] {strides = array<i32>} : memref<128xi32, #tpu.memory_space<vmem>>, vector<16xi32>,
      %swap3A_501 = vector.shape_cast %swap3A_500 : vector<16xi32> to vector<16xi32>
      %swap3A_502 = vector.shape_cast %shift_right_logical3A_498 : vector<16xi32> to vector<16xi32>
      tpu.vector_store %arg10[%swap3A_499], %swap3A_502 {strides = array<i32>} : memref<128xi32, #tpu.memory_space<vmem>>, vector<16xi32>,
      %get3A_503 = arith.index_cast %add3A_484 : i32 to index
      %get3A_504 = arith.constant 16 : index
      %get3A_505 = tpu.vector_load %arg6[%get3A_503, %get3A_504] {strides = array<i32>} : memref<80x128xi32, #tpu.memory_space<vmem>>, vector<1x16xi32>,
      %get3A_506 = vector.shape_cast %get3A_505 : vector<1x16xi32> to vector<16xi32>
      %and3A_507 = arith.constant 65535 : i32
      %and3A_508 = vector.broadcast %and3A_507 : i32 to vector<16xi32>
      %and3A_509 = arith.andi %get3A_506, %and3A_508 : vector<16xi32>
      %swap3A_510 = arith.constant 16 : index
      %swap3A_511 = tpu.vector_load %arg9[%swap3A_510] {strides = array<i32>} : memref<128xi32, #tpu.memory_space<vmem>>, vector<16xi32>,
      %swap3A_512 = vector.shape_cast %swap3A_511 : vector<16xi32> to vector<16xi32>
      %swap3A_513 = vector.shape_cast %and3A_509 : vector<16xi32> to vector<16xi32>
      tpu.vector_store %arg9[%swap3A_510], %swap3A_513 {strides = array<i32>} : memref<128xi32, #tpu.memory_space<vmem>>, vector<16xi32>,
      %shift_right_logical3A_514 = arith.constant 16 : i32
      %shift_right_logical3A_515 = vector.broadcast %shift_right_logical3A_514 : i32 to vector<16xi32>
      %shift_right_logical3A_516 = arith.shrui %get3A_506, %shift_right_logical3A_515 : vector<16xi32>
      %swap3A_517 = arith.constant 16 : index
      %swap3A_518 = tpu.vector_load %arg10[%swap3A_517] {strides = array<i32>} : memref<128xi32, #tpu.memory_space<vmem>>, vector<16xi32>,
      %swap3A_519 = vector.shape_cast %swap3A_518 : vector<16xi32> to vector<16xi32>
      %swap3A_520 = vector.shape_cast %shift_right_logical3A_516 : vector<16xi32> to vector<16xi32>
      tpu.vector_store %arg10[%swap3A_517], %swap3A_520 {strides = array<i32>} : memref<128xi32, #tpu.memory_space<vmem>>, vector<16xi32>,
      %get3A_521 = arith.index_cast %add3A_484 : i32 to index
      %get3A_522 = arith.constant 32 : index
      %get3A_523 = tpu.vector_load %arg6[%get3A_521, %get3A_522] {strides = array<i32>} : memref<80x128xi32, #tpu.memory_space<vmem>>, vector<1x16xi32>,
      %get3A_524 = vector.shape_cast %get3A_523 : vector<1x16xi32> to vector<16xi32>
      %and3A_525 = arith.constant 65535 : i32
      %and3A_526 = vector.broadcast %and3A_525 : i32 to vector<16xi32>
      %and3A_527 = arith.andi %get3A_524, %and3A_526 : vector<16xi32>
      %swap3A_528 = arith.constant 32 : index
      %swap3A_529 = tpu.vector_load %arg9[%swap3A_528] {strides = array<i32>} : memref<128xi32, #tpu.memory_space<vmem>>, vector<16xi32>,
      %swap3A_530 = vector.shape_cast %swap3A_529 : vector<16xi32> to vector<16xi32>
      %swap3A_531 = vector.shape_cast %and3A_527 : vector<16xi32> to vector<16xi32>
      tpu.vector_store %arg9[%swap3A_528], %swap3A_531 {strides = array<i32>} : memref<128xi32, #tpu.memory_space<vmem>>, vector<16xi32>,
      %shift_right_logical3A_532 = arith.constant 16 : i32
      %shift_right_logical3A_533 = vector.broadcast %shift_right_logical3A_532 : i32 to vector<16xi32>
      %shift_right_logical3A_534 = arith.shrui %get3A_524, %shift_right_logical3A_533 : vector<16xi32>
      %swap3A_535 = arith.constant 32 : index
      %swap3A_536 = tpu.vector_load %arg10[%swap3A_535] {strides = array<i32>} : memref<128xi32, #tpu.memory_space<vmem>>, vector<16xi32>,
      %swap3A_537 = vector.shape_cast %swap3A_536 : vector<16xi32> to vector<16xi32>
      %swap3A_538 = vector.shape_cast %shift_right_logical3A_534 : vector<16xi32> to vector<16xi32>
      tpu.vector_store %arg10[%swap3A_535], %swap3A_538 {strides = array<i32>} : memref<128xi32, #tpu.memory_space<vmem>>, vector<16xi32>,
      %get3A_539 = arith.index_cast %add3A_484 : i32 to index
      %get3A_540 = arith.constant 48 : index
      %get3A_541 = tpu.vector_load %arg6[%get3A_539, %get3A_540] {strides = array<i32>} : memref<80x128xi32, #tpu.memory_space<vmem>>, vector<1x16xi32>,
      %get3A_542 = vector.shape_cast %get3A_541 : vector<1x16xi32> to vector<16xi32>
      %and3A_543 = arith.constant 65535 : i32
      %and3A_544 = vector.broadcast %and3A_543 : i32 to vector<16xi32>
      %and3A_545 = arith.andi %get3A_542, %and3A_544 : vector<16xi32>
      %swap3A_546 = arith.constant 48 : index
      %swap3A_547 = tpu.vector_load %arg9[%swap3A_546] {strides = array<i32>} : memref<128xi32, #tpu.memory_space<vmem>>, vector<16xi32>,
      %swap3A_548 = vector.shape_cast %swap3A_547 : vector<16xi32> to vector<16xi32>
      %swap3A_549 = vector.shape_cast %and3A_545 : vector<16xi32> to vector<16xi32>
      tpu.vector_store %arg9[%swap3A_546], %swap3A_549 {strides = array<i32>} : memref<128xi32, #tpu.memory_space<vmem>>, vector<16xi32>,
      %shift_right_logical3A_550 = arith.constant 16 : i32
      %shift_right_logical3A_551 = vector.broadcast %shift_right_logical3A_550 : i32 to vector<16xi32>
      %shift_right_logical3A_552 = arith.shrui %get3A_542, %shift_right_logical3A_551 : vector<16xi32>
      %swap3A_553 = arith.constant 48 : index
      %swap3A_554 = tpu.vector_load %arg10[%swap3A_553] {strides = array<i32>} : memref<128xi32, #tpu.memory_space<vmem>>, vector<16xi32>,
      %swap3A_555 = vector.shape_cast %swap3A_554 : vector<16xi32> to vector<16xi32>
      %swap3A_556 = vector.shape_cast %shift_right_logical3A_552 : vector<16xi32> to vector<16xi32>
      tpu.vector_store %arg10[%swap3A_553], %swap3A_556 {strides = array<i32>} : memref<128xi32, #tpu.memory_space<vmem>>, vector<16xi32>,
      %get3A_557 = arith.index_cast %add3A_484 : i32 to index
      %get3A_558 = arith.constant 64 : index
      %get3A_559 = tpu.vector_load %arg6[%get3A_557, %get3A_558] {strides = array<i32>} : memref<80x128xi32, #tpu.memory_space<vmem>>, vector<1x16xi32>,
      %get3A_560 = vector.shape_cast %get3A_559 : vector<1x16xi32> to vector<16xi32>
      %and3A_561 = arith.constant 65535 : i32
      %and3A_562 = vector.broadcast %and3A_561 : i32 to vector<16xi32>
      %and3A_563 = arith.andi %get3A_560, %and3A_562 : vector<16xi32>
      %swap3A_564 = arith.constant 64 : index
      %swap3A_565 = tpu.vector_load %arg9[%swap3A_564] {strides = array<i32>} : memref<128xi32, #tpu.memory_space<vmem>>, vector<16xi32>,
      %swap3A_566 = vector.shape_cast %swap3A_565 : vector<16xi32> to vector<16xi32>
      %swap3A_567 = vector.shape_cast %and3A_563 : vector<16xi32> to vector<16xi32>
      tpu.vector_store %arg9[%swap3A_564], %swap3A_567 {strides = array<i32>} : memref<128xi32, #tpu.memory_space<vmem>>, vector<16xi32>,
      %shift_right_logical3A_568 = arith.constant 16 : i32
      %shift_right_logical3A_569 = vector.broadcast %shift_right_logical3A_568 : i32 to vector<16xi32>
      %shift_right_logical3A_570 = arith.shrui %get3A_560, %shift_right_logical3A_569 : vector<16xi32>
      %swap3A_571 = arith.constant 64 : index
      %swap3A_572 = tpu.vector_load %arg10[%swap3A_571] {strides = array<i32>} : memref<128xi32, #tpu.memory_space<vmem>>, vector<16xi32>,
      %swap3A_573 = vector.shape_cast %swap3A_572 : vector<16xi32> to vector<16xi32>
      %swap3A_574 = vector.shape_cast %shift_right_logical3A_570 : vector<16xi32> to vector<16xi32>
      tpu.vector_store %arg10[%swap3A_571], %swap3A_574 {strides = array<i32>} : memref<128xi32, #tpu.memory_space<vmem>>, vector<16xi32>,
      %get3A_575 = arith.index_cast %add3A_484 : i32 to index
      %get3A_576 = arith.constant 80 : index
      %get3A_577 = tpu.vector_load %arg6[%get3A_575, %get3A_576] {strides = array<i32>} : memref<80x128xi32, #tpu.memory_space<vmem>>, vector<1x16xi32>,
      %get3A_578 = vector.shape_cast %get3A_577 : vector<1x16xi32> to vector<16xi32>
      %and3A_579 = arith.constant 65535 : i32
      %and3A_580 = vector.broadcast %and3A_579 : i32 to vector<16xi32>
      %and3A_581 = arith.andi %get3A_578, %and3A_580 : vector<16xi32>
      %swap3A_582 = arith.constant 80 : index
      %swap3A_583 = tpu.vector_load %arg9[%swap3A_582] {strides = array<i32>} : memref<128xi32, #tpu.memory_space<vmem>>, vector<16xi32>,
      %swap3A_584 = vector.shape_cast %swap3A_583 : vector<16xi32> to vector<16xi32>
      %swap3A_585 = vector.shape_cast %and3A_581 : vector<16xi32> to vector<16xi32>
      tpu.vector_store %arg9[%swap3A_582], %swap3A_585 {strides = array<i32>} : memref<128xi32, #tpu.memory_space<vmem>>, vector<16xi32>,
      %shift_right_logical3A_586 = arith.constant 16 : i32
      %shift_right_logical3A_587 = vector.broadcast %shift_right_logical3A_586 : i32 to vector<16xi32>
      %shift_right_logical3A_588 = arith.shrui %get3A_578, %shift_right_logical3A_587 : vector<16xi32>
      %swap3A_589 = arith.constant 80 : index
      %swap3A_590 = tpu.vector_load %arg10[%swap3A_589] {strides = array<i32>} : memref<128xi32, #tpu.memory_space<vmem>>, vector<16xi32>,
      %swap3A_591 = vector.shape_cast %swap3A_590 : vector<16xi32> to vector<16xi32>
      %swap3A_592 = vector.shape_cast %shift_right_logical3A_588 : vector<16xi32> to vector<16xi32>
      tpu.vector_store %arg10[%swap3A_589], %swap3A_592 {strides = array<i32>} : memref<128xi32, #tpu.memory_space<vmem>>, vector<16xi32>,
      %get3A_593 = arith.index_cast %add3A_484 : i32 to index
      %get3A_594 = arith.constant 96 : index
      %get3A_595 = tpu.vector_load %arg6[%get3A_593, %get3A_594] {strides = array<i32>} : memref<80x128xi32, #tpu.memory_space<vmem>>, vector<1x16xi32>,
      %get3A_596 = vector.shape_cast %get3A_595 : vector<1x16xi32> to vector<16xi32>
      %and3A_597 = arith.constant 65535 : i32
      %and3A_598 = vector.broadcast %and3A_597 : i32 to vector<16xi32>
      %and3A_599 = arith.andi %get3A_596, %and3A_598 : vector<16xi32>
      %swap3A_600 = arith.constant 96 : index
      %swap3A_601 = tpu.vector_load %arg9[%swap3A_600] {strides = array<i32>} : memref<128xi32, #tpu.memory_space<vmem>>, vector<16xi32>,
      %swap3A_602 = vector.shape_cast %swap3A_601 : vector<16xi32> to vector<16xi32>
      %swap3A_603 = vector.shape_cast %and3A_599 : vector<16xi32> to vector<16xi32>
      tpu.vector_store %arg9[%swap3A_600], %swap3A_603 {strides = array<i32>} : memref<128xi32, #tpu.memory_space<vmem>>, vector<16xi32>,
      %shift_right_logical3A_604 = arith.constant 16 : i32
      %shift_right_logical3A_605 = vector.broadcast %shift_right_logical3A_604 : i32 to vector<16xi32>
      %shift_right_logical3A_606 = arith.shrui %get3A_596, %shift_right_logical3A_605 : vector<16xi32>
      %swap3A_607 = arith.constant 96 : index
      %swap3A_608 = tpu.vector_load %arg10[%swap3A_607] {strides = array<i32>} : memref<128xi32, #tpu.memory_space<vmem>>, vector<16xi32>,
      %swap3A_609 = vector.shape_cast %swap3A_608 : vector<16xi32> to vector<16xi32>
      %swap3A_610 = vector.shape_cast %shift_right_logical3A_606 : vector<16xi32> to vector<16xi32>
      tpu.vector_store %arg10[%swap3A_607], %swap3A_610 {strides = array<i32>} : memref<128xi32, #tpu.memory_space<vmem>>, vector<16xi32>,
      %get3A_611 = arith.index_cast %add3A_484 : i32 to index
      %get3A_612 = arith.constant 112 : index
      %get3A_613 = tpu.vector_load %arg6[%get3A_611, %get3A_612] {strides = array<i32>} : memref<80x128xi32, #tpu.memory_space<vmem>>, vector<1x16xi32>,
      %get3A_614 = vector.shape_cast %get3A_613 : vector<1x16xi32> to vector<16xi32>
      %and3A_615 = arith.constant 65535 : i32
      %and3A_616 = vector.broadcast %and3A_615 : i32 to vector<16xi32>
      %and3A_617 = arith.andi %get3A_614, %and3A_616 : vector<16xi32>
      %swap3A_618 = arith.constant 112 : index
      %swap3A_619 = tpu.vector_load %arg9[%swap3A_618] {strides = array<i32>} : memref<128xi32, #tpu.memory_space<vmem>>, vector<16xi32>,
      %swap3A_620 = vector.shape_cast %swap3A_619 : vector<16xi32> to vector<16xi32>
      %swap3A_621 = vector.shape_cast %and3A_617 : vector<16xi32> to vector<16xi32>
      tpu.vector_store %arg9[%swap3A_618], %swap3A_621 {strides = array<i32>} : memref<128xi32, #tpu.memory_space<vmem>>, vector<16xi32>,
      %shift_right_logical3A_622 = arith.constant 16 : i32
      %shift_right_logical3A_623 = vector.broadcast %shift_right_logical3A_622 : i32 to vector<16xi32>
      %shift_right_logical3A_624 = arith.shrui %get3A_614, %shift_right_logical3A_623 : vector<16xi32>
      %swap3A_625 = arith.constant 112 : index
      %swap3A_626 = tpu.vector_load %arg10[%swap3A_625] {strides = array<i32>} : memref<128xi32, #tpu.memory_space<vmem>>, vector<16xi32>,
      %swap3A_627 = vector.shape_cast %swap3A_626 : vector<16xi32> to vector<16xi32>
      %swap3A_628 = vector.shape_cast %shift_right_logical3A_624 : vector<16xi32> to vector<16xi32>
      tpu.vector_store %arg10[%swap3A_625], %swap3A_628 {strides = array<i32>} : memref<128xi32, #tpu.memory_space<vmem>>, vector<16xi32>,
      %dma_start3A_629 = arith.constant 0 : i32
      %dma_start3A_630 = arith.constant 0 : i32
      %dma_start3A_631 = tpu.memref_slice %arg2[%dma_start3A_629, %dma_start3A_630] : memref<10000x128xf32, #tpu.memory_space<hbm>> -> memref<10000x128xf32, #tpu.memory_space<hbm>>
      tpu.enqueue_indirect_dma source(%dma_start3A_631 : memref<10000x128xf32, #tpu.memory_space<hbm>>) target(%arg12 : memref<128x128xf32, #tpu.memory_space<vmem>>) offsets(%arg9 : memref<128xi32, #tpu.memory_space<vmem>>) semaphore(%arg15 : memref<!tpu.dma_semaphore, #tpu.memory_space<semaphore_mem>>)
    }
    %scan3A_314 = arith.constant 39 : i32
    %dma_wait3A = arith.constant 0 : i32
    %dma_wait3A_315 = arith.constant 0 : i32
    %dma_wait3A_316 = tpu.memref_slice %arg2[%dma_wait3A, %dma_wait3A_315] : memref<10000x128xf32, #tpu.memory_space<hbm>> -> memref<10000x128xf32, #tpu.memory_space<hbm>>
    tpu.wait_indirect_dma semaphore(%arg14 : memref<!tpu.dma_semaphore, #tpu.memory_space<semaphore_mem>>) src(%dma_wait3A_316 : memref<10000x128xf32, #tpu.memory_space<hbm>>) dst(%arg11 : memref<128x128xf32, #tpu.memory_space<vmem>>)
    "tpu.region"() ({
      %run_scoped3A = tpu.sem_alloc : memref<!tpu.dma_semaphore, #tpu.memory_space<semaphore_mem>>
      %dma_start3A_325 = arith.constant 0 : i32
      %dma_start3A_326 = arith.constant 0 : i32
      %dma_start3A_327 = tpu.memref_slice %arg13[%dma_start3A_325, %dma_start3A_326] : memref<10240x128xf32, #tpu.memory_space<vmem_shared>> -> memref<10240x128xf32, #tpu.memory_space<vmem_shared>>
      tpu.enqueue_indirect_dma source(%arg11 : memref<128x128xf32, #tpu.memory_space<vmem>>) target(%dma_start3A_327 : memref<10240x128xf32, #tpu.memory_space<vmem_shared>>) offsets(%arg8 : memref<128xi32, #tpu.memory_space<vmem>>) semaphore(%run_scoped3A : memref<!tpu.dma_semaphore, #tpu.memory_space<semaphore_mem>>) {add = true}
      %dma_wait3A_328 = arith.constant 0 : i32
      %dma_wait3A_329 = arith.constant 0 : i32
      %dma_wait3A_330 = tpu.memref_slice %arg13[%dma_wait3A_328, %dma_wait3A_329] : memref<10240x128xf32, #tpu.memory_space<vmem_shared>> -> memref<10240x128xf32, #tpu.memory_space<vmem_shared>>
      tpu.wait_indirect_dma semaphore(%run_scoped3A : memref<!tpu.dma_semaphore, #tpu.memory_space<semaphore_mem>>) src(%arg11 : memref<128x128xf32, #tpu.memory_space<vmem>>) dst(%dma_wait3A_330 : memref<10240x128xf32, #tpu.memory_space<vmem_shared>>)
      tpu.yield
    }) : () -> ()
    %dma_wait3A_317 = arith.constant 0 : i32
    %dma_wait3A_318 = arith.constant 0 : i32
    %dma_wait3A_319 = tpu.memref_slice %arg2[%dma_wait3A_317, %dma_wait3A_318] : memref<10000x128xf32, #tpu.memory_space<hbm>> -> memref<10000x128xf32, #tpu.memory_space<hbm>>
    tpu.wait_indirect_dma semaphore(%arg15 : memref<!tpu.dma_semaphore, #tpu.memory_space<semaphore_mem>>) src(%dma_wait3A_319 : memref<10000x128xf32, #tpu.memory_space<hbm>>) dst(%arg12 : memref<128x128xf32, #tpu.memory_space<vmem>>)
    "tpu.region"() ({
      %run_scoped3A = tpu.sem_alloc : memref<!tpu.dma_semaphore, #tpu.memory_space<semaphore_mem>>
      %dma_start3A_325 = arith.constant 0 : i32
      %dma_start3A_326 = arith.constant 0 : i32
      %dma_start3A_327 = tpu.memref_slice %arg13[%dma_start3A_325, %dma_start3A_326] : memref<10240x128xf32, #tpu.memory_space<vmem_shared>> -> memref<10240x128xf32, #tpu.memory_space<vmem_shared>>
      tpu.enqueue_indirect_dma source(%arg12 : memref<128x128xf32, #tpu.memory_space<vmem>>) target(%dma_start3A_327 : memref<10240x128xf32, #tpu.memory_space<vmem_shared>>) offsets(%arg10 : memref<128xi32, #tpu.memory_space<vmem>>) semaphore(%run_scoped3A : memref<!tpu.dma_semaphore, #tpu.memory_space<semaphore_mem>>) {add = true}
      %dma_wait3A_328 = arith.constant 0 : i32
      %dma_wait3A_329 = arith.constant 0 : i32
      %dma_wait3A_330 = tpu.memref_slice %arg13[%dma_wait3A_328, %dma_wait3A_329] : memref<10240x128xf32, #tpu.memory_space<vmem_shared>> -> memref<10240x128xf32, #tpu.memory_space<vmem_shared>>
      tpu.wait_indirect_dma semaphore(%run_scoped3A : memref<!tpu.dma_semaphore, #tpu.memory_space<semaphore_mem>>) src(%arg12 : memref<128x128xf32, #tpu.memory_space<vmem>>) dst(%dma_wait3A_330 : memref<10240x128xf32, #tpu.memory_space<vmem_shared>>)
      tpu.yield
    }) : () -> ()
    %barrier3A_320 = arith.constant 0 : index
    tpu.barrier barrier_id(%barrier3A_320)
    %mul3A_321 = arith.constant 640 : i32
    %mul3A_322 = arith.muli %arg1, %mul3A_321 : i32
    %mul3A_323 = arith.constant 640 : i32
    %mul3A_324 = arith.muli %arg1, %mul3A_323 : i32
    "tpu.region"() ({
      %run_scoped3A = tpu.sem_alloc : memref<!tpu.dma_semaphore, #tpu.memory_space<semaphore_mem>>
      %dma_start3A_325 = arith.constant 0 : i32
      %dma_start3A_326 = arith.constant 0 : i32
      %dma_start3A_327 = tpu.memref_slice %arg5[%arg0, %dma_start3A_325, %dma_start3A_326] : memref<2x10240x128xf32, #tpu.memory_space<hbm>> -> memref<1x10240x128xf32, #tpu.memory_space<hbm>>
      %dma_start3A_328 = tpu.memref_squeeze %dma_start3A_327 : memref<1x10240x128xf32, #tpu.memory_space<hbm>> -> memref<10240x128xf32, #tpu.memory_space<hbm>>
      %dma_start3A_329 = arith.constant 0 : i32
      %dma_start3A_330 = tpu.memref_slice %dma_start3A_328[%mul3A_324, %dma_start3A_329] : memref<10240x128xf32, #tpu.memory_space<hbm>> -> memref<640x128xf32, #tpu.memory_space<hbm>>
      %dma_start3A_331 = arith.constant 0 : i32
      %dma_start3A_332 = tpu.memref_slice %arg13[%mul3A_322, %dma_start3A_331] : memref<10240x128xf32, #tpu.memory_space<vmem_shared>> -> memref<640x128xf32, #tpu.memory_space<vmem_shared>>
      tpu.enqueue_dma source(%dma_start3A_332 : memref<640x128xf32, #tpu.memory_space<vmem_shared>>) target(%dma_start3A_330 : memref<640x128xf32, #tpu.memory_space<hbm>>) target_semaphore(%run_scoped3A : memref<!tpu.dma_semaphore, #tpu.memory_space<semaphore_mem>>)
      %dma_wait3A_333 = arith.constant 0 : i32
      %dma_wait3A_334 = arith.constant 0 : i32
      %dma_wait3A_335 = tpu.memref_slice %arg5[%arg0, %dma_wait3A_333, %dma_wait3A_334] : memref<2x10240x128xf32, #tpu.memory_space<hbm>> -> memref<1x10240x128xf32, #tpu.memory_space<hbm>>
      %dma_wait3A_336 = tpu.memref_squeeze %dma_wait3A_335 : memref<1x10240x128xf32, #tpu.memory_space<hbm>> -> memref<10240x128xf32, #tpu.memory_space<hbm>>
      %dma_wait3A_337 = arith.constant 0 : i32
      %dma_wait3A_338 = tpu.memref_slice %dma_wait3A_336[%mul3A_324, %dma_wait3A_337] : memref<10240x128xf32, #tpu.memory_space<hbm>> -> memref<640x128xf32, #tpu.memory_space<hbm>>
      %dma_wait3A_339 = arith.constant 0 : i32
      %dma_wait3A_340 = tpu.memref_slice %arg13[%mul3A_322, %dma_wait3A_339] : memref<10240x128xf32, #tpu.memory_space<vmem_shared>> -> memref<640x128xf32, #tpu.memory_space<vmem_shared>>
      tpu.wait_dma2 semaphore(%run_scoped3A : memref<!tpu.dma_semaphore, #tpu.memory_space<semaphore_mem>>) src(%dma_wait3A_340 : memref<640x128xf32, #tpu.memory_space<vmem_shared>>) dst(%dma_wait3A_338 : memref<640x128xf32, #tpu.memory_space<hbm>>)
      tpu.yield
    }) : () -> ()
    return
  }
}

module attributes {stable_mosaic.version = 14 : i64} {
  func.func @_prep_body(%arg0: i32, %arg1: memref<1000x2xf32, #tpu.memory_space<vmem>>, %arg2: memref<1000x128xf32, #tpu.memory_space<vmem>>, %arg3: memref<128x128xf32, #tpu.memory_space<vmem>>, %arg4: memref<1000x128xf32, #tpu.memory_space<vmem>>, %arg5: memref<1000x128xf32, #tpu.memory_space<vmem>>) attributes {dimension_semantics = [#tpu.dimension_semantics<arbitrary>], iteration_bounds = array<i64: 10>, scalar_prefetch = 0 : i64, scratch_operands = 0 : i64, tpu.core_type = #tpu.core_type<tc>, window_params = [{transform_indices = @transform_0, window_bounds = array<i64: 1000, 2>}, {transform_indices = @transform_1, window_bounds = array<i64: 1000, 128>}, {pipeline_mode = #tpu.pipeline_mode<synchronous>, transform_indices = @transform_2, window_bounds = array<i64: 128, 128>}, {transform_indices = @transform_3, window_bounds = array<i64: 1000, 128>}, {transform_indices = @transform_4, window_bounds = array<i64: 1000, 128>}]} {
    %get3A = arith.constant 0 : index
    %get3A_0 = arith.constant 0 : index
    %get3A_1 = vector.load %arg1[%get3A, %get3A_0] : memref<1000x2xf32, #tpu.memory_space<vmem>>, vector<1000x1xf32>
    %get3A_2 = vector.shape_cast %get3A_1 : vector<1000x1xf32> to vector<1000xf32>
    %get3A_3 = arith.constant 0 : index
    %get3A_4 = arith.constant 1 : index
    %get3A_5 = vector.load %arg1[%get3A_3, %get3A_4] : memref<1000x2xf32, #tpu.memory_space<vmem>>, vector<1000x1xf32>
    %get3A_6 = vector.shape_cast %get3A_5 : vector<1000x1xf32> to vector<1000xf32>
    %add3A = arith.addf %get3A_2, %get3A_6 : vector<1000xf32>
    %add3A_7 = arith.constant 1.000000e+00 : f32
    %add3A_8 = vector.broadcast %add3A_7 : f32 to vector<1000xf32>
    %add3A_9 = arith.addf %add3A, %add3A_8 : vector<1000xf32>
    %rsqrt3A = math.rsqrt %add3A_9 : vector<1000xf32>
    %get3A_10 = arith.constant 0 : index
    %get3A_11 = arith.constant 0 : index
    %get3A_12 = vector.load %arg2[%get3A_10, %get3A_11] : memref<1000x128xf32, #tpu.memory_space<vmem>>, vector<1000x128xf32>
    %get3A_13 = arith.constant 0 : index
    %get3A_14 = arith.constant 0 : index
    %get3A_15 = vector.load %arg3[%get3A_13, %get3A_14] : memref<128x128xf32, #tpu.memory_space<vmem>>, vector<128x128xf32>
    %dot_general3A = arith.constant dense<0.000000e+00> : vector<1000x128xf32>
    %dot_general3A_16 = tpu.matmul %get3A_12, %get3A_15, %dot_general3A {dimension_numbers = #tpu.dot_dimension_numbers<[1], [0], [0], [1], [0, 0, 1, 1], [], []>, transpose_lhs_hint = false} : vector<1000x128xf32>, vector<128x128xf32>, vector<1000x128xf32> -> vector<1000x128xf32>
    %broadcast_in_dim3A = vector.shape_cast %rsqrt3A : vector<1000xf32> to vector<1000x1xf32>
    %mul3A = vector.broadcast %broadcast_in_dim3A : vector<1000x1xf32> to vector<1000x128xf32>
    %mul3A_17 = arith.mulf %dot_general3A_16, %mul3A : vector<1000x128xf32>
    %swap3A = arith.constant 0 : index
    %swap3A_18 = arith.constant 0 : index
    %swap3A_19 = vector.load %arg4[%swap3A, %swap3A_18] : memref<1000x128xf32, #tpu.memory_space<vmem>>, vector<1000x128xf32>
    tpu.vector_store %arg4[%swap3A, %swap3A_18], %mul3A_17 {strides = array<i32>} : memref<1000x128xf32, #tpu.memory_space<vmem>>, vector<1000x128xf32>,
    %broadcast_in_dim3A_20 = vector.shape_cast %rsqrt3A : vector<1000xf32> to vector<1000x1xf32>
    %broadcast_in_dim3A_21 = vector.shape_cast %broadcast_in_dim3A_20 : vector<1000x1xf32> to vector<1000x1xf32>
    %broadcast_in_dim3A_22 = vector.broadcast %broadcast_in_dim3A_21 : vector<1000x1xf32> to vector<1000x128xf32>
    %swap3A_23 = arith.constant 0 : index
    %swap3A_24 = arith.constant 0 : index
    %swap3A_25 = vector.load %arg5[%swap3A_23, %swap3A_24] : memref<1000x128xf32, #tpu.memory_space<vmem>>, vector<1000x128xf32>
    tpu.vector_store %arg5[%swap3A_23, %swap3A_24], %broadcast_in_dim3A_22 {strides = array<i32>} : memref<1000x128xf32, #tpu.memory_space<vmem>>, vector<1000x128xf32>,
    return
  }
  func.func @transform_0(%arg0: i32) -> (i32, i32) {
    %c0_i32 = arith.constant 0 : i32
    %c0_i32_0 = arith.constant 0 : i32
    return %arg0, %c0_i32 : i32, i32
  }
  func.func @transform_1(%arg0: i32) -> (i32, i32) {
    %c0_i32 = arith.constant 0 : i32
    %c0_i32_0 = arith.constant 0 : i32
    return %arg0, %c0_i32 : i32, i32
  }
  func.func @transform_2(%arg0: i32) -> (i32, i32) {
    %c0_i32 = arith.constant 0 : i32
    %c0_i32_0 = arith.constant 0 : i32
    %c0_i32_1 = arith.constant 0 : i32
    return %c0_i32, %c0_i32_0 : i32, i32
  }
  func.func @transform_3(%arg0: i32) -> (i32, i32) {
    %c0_i32 = arith.constant 0 : i32
    %c0_i32_0 = arith.constant 0 : i32
    return %arg0, %c0_i32 : i32, i32
  }
  func.func @transform_4(%arg0: i32) -> (i32, i32) {
    %c0_i32 = arith.constant 0 : i32
    %c0_i32_0 = arith.constant 0 : i32
    return %arg0, %c0_i32 : i32, i32
  }
}

module attributes {stable_mosaic.version = 14 : i64} {
  func.func @_fin_body(%arg0: i32, %arg1: memref<2x1000x128xf32, #tpu.memory_space<vmem>>, %arg2: memref<1000x128xf32, #tpu.memory_space<vmem>>, %arg3: memref<1000x128xf32, #tpu.memory_space<vmem>>, %arg4: memref<1x128xf32, #tpu.memory_space<vmem>>, %arg5: memref<1000x128xf32, #tpu.memory_space<vmem>>) attributes {dimension_semantics = [#tpu.dimension_semantics<arbitrary>], iteration_bounds = array<i64: 10>, scalar_prefetch = 0 : i64, scratch_operands = 0 : i64, tpu.core_type = #tpu.core_type<tc>, window_params = [{transform_indices = @transform_0, window_bounds = array<i64: 2, 1000, 128>}, {transform_indices = @transform_1, window_bounds = array<i64: 1000, 128>}, {transform_indices = @transform_2, window_bounds = array<i64: 1000, 128>}, {pipeline_mode = #tpu.pipeline_mode<synchronous>, transform_indices = @transform_3, window_bounds = array<i64: 1, 128>}, {transform_indices = @transform_4, window_bounds = array<i64: 1000, 128>}]} {
    %get3A = arith.constant 0 : index
    %get3A_0 = arith.constant 0 : index
    %get3A_1 = arith.constant 0 : index
    %get3A_2 = vector.load %arg1[%get3A, %get3A_0, %get3A_1] : memref<2x1000x128xf32, #tpu.memory_space<vmem>>, vector<1x1000x128xf32>
    %get3A_3 = vector.shape_cast %get3A_2 : vector<1x1000x128xf32> to vector<1000x128xf32>
    %get3A_4 = arith.constant 1 : index
    %get3A_5 = arith.constant 0 : index
    %get3A_6 = arith.constant 0 : index
    %get3A_7 = vector.load %arg1[%get3A_4, %get3A_5, %get3A_6] : memref<2x1000x128xf32, #tpu.memory_space<vmem>>, vector<1x1000x128xf32>
    %get3A_8 = vector.shape_cast %get3A_7 : vector<1x1000x128xf32> to vector<1000x128xf32>
    %add3A = arith.addf %get3A_3, %get3A_8 : vector<1000x128xf32>
    %get3A_9 = arith.constant 0 : index
    %get3A_10 = arith.constant 0 : index
    %get3A_11 = vector.load %arg2[%get3A_9, %get3A_10] : memref<1000x128xf32, #tpu.memory_space<vmem>>, vector<1000x128xf32>
    %add3A_12 = arith.addf %add3A, %get3A_11 : vector<1000x128xf32>
    %get3A_13 = arith.constant 0 : index
    %get3A_14 = arith.constant 0 : index
    %get3A_15 = vector.load %arg3[%get3A_13, %get3A_14] : memref<1000x128xf32, #tpu.memory_space<vmem>>, vector<1000x128xf32>
    %mul3A = arith.mulf %get3A_15, %add3A_12 : vector<1000x128xf32>
    %get3A_16 = arith.constant 0 : index
    %get3A_17 = arith.constant 0 : index
    %get3A_18 = vector.load %arg4[%get3A_16, %get3A_17] : memref<1x128xf32, #tpu.memory_space<vmem>>, vector<1x128xf32>
    %add3A_19 = vector.broadcast %get3A_18 : vector<1x128xf32> to vector<1000x128xf32>
    %add3A_20 = arith.addf %mul3A, %add3A_19 : vector<1000x128xf32>
    %max3A = arith.constant 0.000000e+00 : f32
    %max3A_21 = vector.broadcast %max3A : f32 to vector<1000x128xf32>
    %max3A_22 = arith.maximumf %add3A_20, %max3A_21 : vector<1000x128xf32>
    %swap3A = arith.constant 0 : index
    %swap3A_23 = arith.constant 0 : index
    %swap3A_24 = vector.load %arg5[%swap3A, %swap3A_23] : memref<1000x128xf32, #tpu.memory_space<vmem>>, vector<1000x128xf32>
    tpu.vector_store %arg5[%swap3A, %swap3A_23], %max3A_22 {strides = array<i32>} : memref<1000x128xf32, #tpu.memory_space<vmem>>, vector<1000x128xf32>,
    return
  }
  func.func @transform_0(%arg0: i32) -> (i32, i32, i32) {
    %c0_i32 = arith.constant 0 : i32
    %c0_i32_0 = arith.constant 0 : i32
    %c0_i32_1 = arith.constant 0 : i32
    return %c0_i32, %arg0, %c0_i32_0 : i32, i32, i32
  }
  func.func @transform_1(%arg0: i32) -> (i32, i32) {
    %c0_i32 = arith.constant 0 : i32
    %c0_i32_0 = arith.constant 0 : i32
    return %arg0, %c0_i32 : i32, i32
  }
  func.func @transform_2(%arg0: i32) -> (i32, i32) {
    %c0_i32 = arith.constant 0 : i32
    %c0_i32_0 = arith.constant 0 : i32
    return %arg0, %c0_i32 : i32, i32
  }
  func.func @transform_3(%arg0: i32) -> (i32, i32) {
    %c0_i32 = arith.constant 0 : i32
    %c0_i32_0 = arith.constant 0 : i32
    %c0_i32_1 = arith.constant 0 : i32
    return %c0_i32, %c0_i32_0 : i32, i32
  }
  func.func @transform_4(%arg0: i32) -> (i32, i32) {
    %c0_i32 = arith.constant 0 : i32
    %c0_i32_0 = arith.constant 0 : i32
    return %arg0, %c0_i32 : i32, i32
  }
}

module attributes {stable_mosaic.version = 14 : i64} {
  func.func @_mid_body(%arg0: i32, %arg1: memref<2x1000x128xf32, #tpu.memory_space<vmem>>, %arg2: memref<1000x128xf32, #tpu.memory_space<vmem>>, %arg3: memref<1000x128xf32, #tpu.memory_space<vmem>>, %arg4: memref<1x128xf32, #tpu.memory_space<vmem>>, %arg5: memref<128x128xf32, #tpu.memory_space<vmem>>, %arg6: memref<1000x128xf32, #tpu.memory_space<vmem>>) attributes {dimension_semantics = [#tpu.dimension_semantics<arbitrary>], iteration_bounds = array<i64: 10>, scalar_prefetch = 0 : i64, scratch_operands = 0 : i64, tpu.core_type = #tpu.core_type<tc>, window_params = [{transform_indices = @transform_0, window_bounds = array<i64: 2, 1000, 128>}, {transform_indices = @transform_1, window_bounds = array<i64: 1000, 128>}, {transform_indices = @transform_2, window_bounds = array<i64: 1000, 128>}, {pipeline_mode = #tpu.pipeline_mode<synchronous>, transform_indices = @transform_3, window_bounds = array<i64: 1, 128>}, {pipeline_mode = #tpu.pipeline_mode<synchronous>, transform_indices = @transform_4, window_bounds = array<i64: 128, 128>}, {transform_indices = @transform_5, window_bounds = array<i64: 1000, 128>}]} {
    %get3A = arith.constant 0 : index
    %get3A_0 = arith.constant 0 : index
    %get3A_1 = arith.constant 0 : index
    %get3A_2 = vector.load %arg1[%get3A, %get3A_0, %get3A_1] : memref<2x1000x128xf32, #tpu.memory_space<vmem>>, vector<1x1000x128xf32>
    %get3A_3 = vector.shape_cast %get3A_2 : vector<1x1000x128xf32> to vector<1000x128xf32>
    %get3A_4 = arith.constant 1 : index
    %get3A_5 = arith.constant 0 : index
    %get3A_6 = arith.constant 0 : index
    %get3A_7 = vector.load %arg1[%get3A_4, %get3A_5, %get3A_6] : memref<2x1000x128xf32, #tpu.memory_space<vmem>>, vector<1x1000x128xf32>
    %get3A_8 = vector.shape_cast %get3A_7 : vector<1x1000x128xf32> to vector<1000x128xf32>
    %add3A = arith.addf %get3A_3, %get3A_8 : vector<1000x128xf32>
    %get3A_9 = arith.constant 0 : index
    %get3A_10 = arith.constant 0 : index
    %get3A_11 = vector.load %arg2[%get3A_9, %get3A_10] : memref<1000x128xf32, #tpu.memory_space<vmem>>, vector<1000x128xf32>
    %add3A_12 = arith.addf %add3A, %get3A_11 : vector<1000x128xf32>
    %get3A_13 = arith.constant 0 : index
    %get3A_14 = arith.constant 0 : index
    %get3A_15 = vector.load %arg3[%get3A_13, %get3A_14] : memref<1000x128xf32, #tpu.memory_space<vmem>>, vector<1000x128xf32>
    %mul3A = arith.mulf %get3A_15, %add3A_12 : vector<1000x128xf32>
    %get3A_16 = arith.constant 0 : index
    %get3A_17 = arith.constant 0 : index
    %get3A_18 = vector.load %arg4[%get3A_16, %get3A_17] : memref<1x128xf32, #tpu.memory_space<vmem>>, vector<1x128xf32>
    %add3A_19 = vector.broadcast %get3A_18 : vector<1x128xf32> to vector<1000x128xf32>
    %add3A_20 = arith.addf %mul3A, %add3A_19 : vector<1000x128xf32>
    %max3A = arith.constant 0.000000e+00 : f32
    %max3A_21 = vector.broadcast %max3A : f32 to vector<1000x128xf32>
    %max3A_22 = arith.maximumf %add3A_20, %max3A_21 : vector<1000x128xf32>
    %get3A_23 = arith.constant 0 : index
    %get3A_24 = arith.constant 0 : index
    %get3A_25 = vector.load %arg5[%get3A_23, %get3A_24] : memref<128x128xf32, #tpu.memory_space<vmem>>, vector<128x128xf32>
    %dot_general3A = arith.constant dense<0.000000e+00> : vector<1000x128xf32>
    %dot_general3A_26 = tpu.matmul %max3A_22, %get3A_25, %dot_general3A {dimension_numbers = #tpu.dot_dimension_numbers<[1], [0], [0], [1], [0, 0, 1, 1], [], []>, transpose_lhs_hint = false} : vector<1000x128xf32>, vector<128x128xf32>, vector<1000x128xf32> -> vector<1000x128xf32>
    %get3A_27 = arith.constant 0 : index
    %get3A_28 = arith.constant 0 : index
    %get3A_29 = vector.load %arg3[%get3A_27, %get3A_28] : memref<1000x128xf32, #tpu.memory_space<vmem>>, vector<1000x128xf32>
    %mul3A_30 = arith.mulf %dot_general3A_26, %get3A_29 : vector<1000x128xf32>
    %swap3A = arith.constant 0 : index
    %swap3A_31 = arith.constant 0 : index
    %swap3A_32 = vector.load %arg6[%swap3A, %swap3A_31] : memref<1000x128xf32, #tpu.memory_space<vmem>>, vector<1000x128xf32>
    tpu.vector_store %arg6[%swap3A, %swap3A_31], %mul3A_30 {strides = array<i32>} : memref<1000x128xf32, #tpu.memory_space<vmem>>, vector<1000x128xf32>,
    return
  }
  func.func @transform_0(%arg0: i32) -> (i32, i32, i32) {
    %c0_i32 = arith.constant 0 : i32
    %c0_i32_0 = arith.constant 0 : i32
    %c0_i32_1 = arith.constant 0 : i32
    return %c0_i32, %arg0, %c0_i32_0 : i32, i32, i32
  }
  func.func @transform_1(%arg0: i32) -> (i32, i32) {
    %c0_i32 = arith.constant 0 : i32
    %c0_i32_0 = arith.constant 0 : i32
    return %arg0, %c0_i32 : i32, i32
  }
  func.func @transform_2(%arg0: i32) -> (i32, i32) {
    %c0_i32 = arith.constant 0 : i32
    %c0_i32_0 = arith.constant 0 : i32
    return %arg0, %c0_i32 : i32, i32
  }
  func.func @transform_3(%arg0: i32) -> (i32, i32) {
    %c0_i32 = arith.constant 0 : i32
    %c0_i32_0 = arith.constant 0 : i32
    %c0_i32_1 = arith.constant 0 : i32
    return %c0_i32, %c0_i32_0 : i32, i32
  }
  func.func @transform_4(%arg0: i32) -> (i32, i32) {
    %c0_i32 = arith.constant 0 : i32
    %c0_i32_0 = arith.constant 0 : i32
    %c0_i32_1 = arith.constant 0 : i32
    return %c0_i32, %c0_i32_0 : i32, i32
  }
  func.func @transform_5(%arg0: i32) -> (i32, i32) {
    %c0_i32 = arith.constant 0 : i32
    %c0_i32_0 = arith.constant 0 : i32
    return %arg0, %c0_i32 : i32, i32
  }
}

</mosaic_0001>

<sc_bundles>
// kernel: kernel.11.cloned.1.call-start
scs
__scs_entry_jumppad:
0x0: {  	(pc) =	sbr.rel $0x88, $3  }
0x1: {  	(tag) =	ssettag $0x0;
	lr =	simm.s32 $0x1  }
0x2: {  	[smem:$0x3F9B] =	sst lr;
	_ =	strace $0xD0000000  }
0x3: {  	_ = 	snop  }
0x4: {  	_ = 	snop  }
0x5: {  	_ = 	snop  }
0x6: {  	_ = 	snop  }
0x7: {  	_ = 	snop  }
__scs_overlays_trampoline_lowered:
0x8: {  	[smem:$0x3FAA] =	sst s0  }
0x9: {  	[smem:$0x3FAB] =	sst s1  }
0xa: {  	[smem:$0x3FAC] =	sst s2  }
0xb: {  	[smem:$0x3FAD] =	sst s3  }
0xc: {  	[smem:$0x3FAE] =	sst s4  }
0xd: {  	[smem:$0x3FAF] =	sst s5  }
0xe: {  	[smem:$0x3FB0] =	sst s6  }
0xf: {  	[smem:$0x3FB1] =	sst s7  }
0x10: {  	[smem:$0x3FB2] =	sst s8  }
0x11: {  	[smem:$0x3FB3] =	sst s9;
	s0 =	simm.s32 @!p0 $0x0  }
0x12: {  	s1 =	sld [smem:$0x3F99];
	s0 =	simm.s32 @p0 $0x1  }
0x13: {  	[smem:$0x3FB4] =	sst s0;
	s0 =	simm.s32 @!p1 $0x0  }
0x14: {  	s2 =	sld [smem:$0x3F98];
	s0 =	simm.s32 @p1 $0x1  }
0x15: {  	[smem:$0x3FB5] =	sst s0;
	s0 =	simm.s32 @!p2 $0x0  }
0x16: {  	s3 =	sld [smem:$0x3FDB];
	s0 =	simm.s32 @p2 $0x1  }
0x17: {  	s4 =	simm.s32 $0x1BF5;
	[smem:$0x3FB7] =	sst s0  }
0x18: {  	s0 =	sld [smem:$0x3F9A];
	_ =	swait.ge [sflag:s4], $0x0  }
0x19: {  	s7 =	sld [smem:$0x3F9B]  }
0x1a: {  	s8 =	sadd.s32 $0xFFFFE003, lr  }
0x1b: {  	s9 =	sadd.s32 $0xFFFFFEF7, lr;
	s5 =	simm.s32 $0xFFFFFFFF;
	p2 =	slt.u32 s8, $0xFFFFF086  }
0x1c: {  	p1 =	slt.u32 s9, $0xF7A;
	s5 =	simm.s32 @!p2 $0x0  }
0x1d: {  	s5 =	simm.s32 @p1 $0x1;
	p0 =	seq.s32 s7, s2  }
0x1e: {  	s7 =	smul.u32 @!p0 $0xF7A, s2;
	p2 =	seq.s32 @!p0 s5, $0x0  }
0x1f: {  	s9 =	smul.u32 $0xF7A, s1;
	s8 =	simm.s32 @!p0 $0x1BF5;
	p2 =	por !p2, p0  }
0x20: {  	[sflag:s8] =	ssyncset.s32 @!p0 $0xFFFFF086;
	s6 =	sadd.s32 @!p0 s3, s7;
	s7 =	simm.s32 @!p0 $0x108  }
0x21: {  	s3 =	sadd.s32 s3, s9;
	s6 =	sadd.s32 @!p0 $0x88, s6;
	s7 =	simm.s32 @p2 $0x1082  }
0x22: {  	[simem:s7], [sflag:s8] =	dma.local @!p0 [hbm:s6], $0xF7A  }
0x23: {  	s9 =	sor.u32 $0xD0000000, s2;
	s6 =	simm.s32 $0x108;
	_ =	swait.ge @!p0 [sflag:s8], $0x0  }
0x24: {  	s3 =	sadd.s32 $0x88, s3;
	s6 =	simm.s32 @!p1 $0x1082;
	[sflag:s4] =	ssyncset.s32 $0xFFFFF086  }
0x25: {  	[simem:s6], [sflag:s4] =	dma.local [hbm:s3], $0xF7A  }
0x26: {  	[smem:$0x3F9B] =	sst s1;
	(tag) =	ssettag s2;
	_ =	strace s9  }
0x27: {  	s1 =	sld [smem:$0x3FAB]  }
0x28: {  	s2 =	sld [smem:$0x3FAC]  }
0x29: {  	s4 =	sld [smem:$0x3FAE]  }
0x2a: {  	p0 =	seq.s32 s5, $0x0;
	s5 =	sld [smem:$0x3FAF]  }
0x2b: {  	s6 =	sld [smem:$0x3FB0]  }
0x2c: {  	s7 =	sld [smem:$0x3FB1]  }
0x2d: {  	s3 =	simm.s32 $0x108;
	s8 =	sld [smem:$0x3FB2]  }
0x2e: {  	s3 =	simm.s32 @!p0 $0x1082;
	s9 =	sld [smem:$0x3FB3]  }
0x2f: {  	lr =	sadd.s32 s0, s3;
	s0 =	sld [smem:$0x3FAA]  }
0x30: {  	s3 =	sld [smem:$0x3FAD]  }
0x31: {  	[smem:$0x3FB6] =	sst s10  }
0x32: {  	s10 =	sld [smem:$0x3FB4];
	_ =	sdelay $0x3  }
0x33: {  	p0 =	seq.s32 s10, $0x1;
	s10 =	sld [smem:$0x3FB6];
	_ =	sdelay $0x3  }
0x34: {  	[smem:$0x3FB6] =	sst s10  }
0x35: {  	s10 =	sld [smem:$0x3FB5];
	_ =	sdelay $0x3  }
0x36: {  	p1 =	seq.s32 s10, $0x1;
	s10 =	sld [smem:$0x3FB6];
	_ =	sdelay $0x3  }
0x37: {  	[smem:$0x3FB6] =	sst s10  }
0x38: {  	s10 =	sld [smem:$0x3FB7]  }
0x39: {  	_ = 	snop;
	(pc) =	sbr.ind lr, $3  }
0x3a: {  	_ = 	snop  }
0x3b: {  	_ = 	snop  }
0x3c: {  	p2 =	seq.s32 s10, $0x1;
	s10 =	sld [smem:$0x3FB6]  }
0x3d: {  	_ =	shalt  }
0x3e: {  	_ =	shalt  }
0x3f: {  	_ =	shalt  }
0x40: {  	_ =	shalt  }
0x41: {  	_ =	shalt  }
0x42: {  	_ =	shalt  }
0x43: {  	_ =	shalt  }
0x44: {  	_ =	shalt  }
0x45: {  	_ =	shalt  }
0x46: {  	_ =	shalt  }
0x47: {  	_ =	shalt  }
0x48: {  	_ =	shalt  }
0x49: {  	_ =	shalt  }
0x4a: {  	_ =	shalt  }
0x4b: {  	_ =	shalt  }
0x4c: {  	_ =	shalt  }
0x4d: {  	_ =	shalt  }
0x4e: {  	_ =	shalt  }
0x4f: {  	_ =	shalt  }
0x50: {  	_ =	shalt  }
0x51: {  	_ =	shalt  }
0x52: {  	_ =	shalt  }
0x53: {  	_ =	shalt  }
0x54: {  	_ =	shalt  }
0x55: {  	_ =	shalt  }
0x56: {  	_ =	shalt  }
0x57: {  	_ =	shalt  }
0x58: {  	_ =	shalt  }
0x59: {  	_ =	shalt  }
0x5a: {  	_ =	shalt  }
0x5b: {  	_ =	shalt  }
0x5c: {  	_ =	shalt  }
0x5d: {  	_ =	shalt  }
0x5e: {  	_ =	shalt  }
0x5f: {  	_ =	shalt  }
0x60: {  	_ =	shalt  }
0x61: {  	_ =	shalt  }
0x62: {  	_ =	shalt  }
0x63: {  	_ =	shalt  }
0x64: {  	_ =	shalt  }
0x65: {  	_ =	shalt  }
0x66: {  	_ =	shalt  }
0x67: {  	_ =	shalt  }
0x68: {  	_ =	shalt  }
0x69: {  	_ =	shalt  }
0x6a: {  	_ =	shalt  }
0x6b: {  	_ =	shalt  }
0x6c: {  	_ =	shalt  }
0x6d: {  	_ =	shalt  }
0x6e: {  	_ =	shalt  }
0x6f: {  	_ =	shalt  }
0x70: {  	_ =	shalt  }
0x71: {  	_ =	shalt  }
0x72: {  	_ =	shalt  }
0x73: {  	_ =	shalt  }
0x74: {  	_ =	shalt  }
0x75: {  	_ =	shalt  }
0x76: {  	_ =	shalt  }
0x77: {  	_ =	shalt  }
0x78: {  	_ =	shalt  }
0x79: {  	_ =	shalt  }
0x7a: {  	_ =	shalt  }
0x7b: {  	_ =	shalt  }
0x7c: {  	_ =	shalt  }
0x7d: {  	_ =	shalt  }
0x7e: {  	_ =	shalt  }
0x7f: {  	_ =	shalt  }
0x80: {  	_ =	shalt  }
0x81: {  	_ =	shalt  }
0x82: {  	_ =	shalt  }
0x83: {  	_ =	shalt  }
0x84: {  	_ =	shalt  }
0x85: {  	_ =	shalt  }
0x86: {  	_ =	shalt  }
0x87: {  	_ =	shalt  }
.Lfunc_end0:
.L_simem_size_0:
called_computation.1_lowered:
.L_overlay_start_0:
0x88: {  	s2 =	sld [smem:$0x3FD9]  }
0x89: {  	s3 =	sld [smem:$0x3FFE];
	_ =	sdelay $0x1  }
0x8a: {  	s1 =	srdreg.scid  }
0x8b: {  	s0 =	sand.u32 $0x1, s1  }
0x8c: {  	s17 =	sshll.u32 s0, $0xA;
	s2 =	sadd.s32 s3, s2  }
0x8d: {  	s2 =	sadd.s32 s2, s17  }
0x8e: {  	[smem:$0x3FC2] =	sst s2  }
0x8f: {  	_ = 	snop  }
0x90: {  	s2 =	sld [smem:$0x3FD0];
	(tm) =	ssettm $0x1  }
0x91: {  	s18 =	sld [smem:$0x3FFB];
	_ =	sdelay $0x3  }
0x92: {  	_ =	strace s18  }
0x93: {  	s3 =	sld [smem:$0x3FFC];
	_ =	sdelay $0x3  }
0x94: {  	_ =	strace s3  }
0x95: {  	s3 =	sld [smem:$0x3FFD];
	_ =	sdelay $0x3  }
0x96: {  	_ =	strace s3  }
0x97: {  	_ =	strace $0x8FFFFFFF  }
0x98: {  	s19 =	sld [smem:$0x3FDB];
	_ =	sdelay $0x1  }
0x99: {  	s4 =	simm.s32 $_scs_section_size  }
0x9a: {  	s5 =	simm.s32 $_size__tile_overlayer_lowered;
	s6 =	simm.s32 $_tile_overlayer_lowered  }
0x9b: {  	s22 =	simm.s32 $0x1BFF;
	s21 =	sshll.u32 s6, $0x1;
	s3 =	sadd.s32 s4, s19  }
0x9c: {  	s7 =	simm.s32 $0x0;
	s20 =	sshll.u32 s5, $0x1;
	s5 =	sadd.s32 s21, s3  }
0x9d: {  	[timem:s7], [sflag:s22] =	dma.local [hbm:s5], s20  }
0x9e: {  	_ =	swait.ge [sflag:s22], s20  }
0x9f: {  	s4 =	ssub.s32 $0x0, s20;
	[sflag:s22] =	ssyncset.done $0x0  }
0xa0: {  	[sflag:s22] =	ssyncadd.s32 s4;
	_ =	sdelay $0x1  }
0xa1: {  	s23 =	simm.s32 $0x1B8B  }
0xa2: {  	_ =	swait.ge [sflag:s23], $0x1  }
0xa3: {  	[sflag:s23] =	ssyncset.done $0x0  }
0xa4: {  	s25 =	simm.s32 $0x1B8E;
	s24 =	sld [smem:$0x3FFE];
	[sflag:s23] =	ssyncadd.s32 $0xFFFFFFFF  }
0xa5: {  	s26 =	simm.s32 $execute0_lowered;
	[smem:$0x3FD2] =	sst s25  }
0xa6: {  	s5 =	sshll.u32 s26, $0x1;
	_ =	strace $0x80000049;
	[dreg:$0x1] =	wrdreg $0xFFFFFFFF  }
0xa7: {  	s28 =	simm.s32 $_size_execute0_lowered;
	s3 =	sadd.s32 s3, s5;
	[dreg:$0x0] =	wrdreg $0x0  }
0xa8: {  	s5 =	sshll.u32 s28, $0x1;
	[dreg:$0x2] =	wrdreg s3  }
0xa9: {  	[dreg:$0x3] =	wrdreg s5  }
0xaa: {  	[dreg:$0x4] =	wrdreg $0xC0  }
0xab: {  	_ =	task [dreg:s7], $0x5FFFF  }
0xac: {  	[dreg:$0x1] =	wrdreg $0xFFFFFFFF  }
0xad: {  	[dreg:$0x0] =	wrdreg $0x60  }
0xae: {  	[dreg:$0x2] =	wrdreg s2  }
0xaf: {  	[dreg:$0x3] =	wrdreg s24  }
0xb0: {  	[dreg:$0x4] =	wrdreg $0xAA000  }
0xb1: {  	[dreg:$0x5] =	wrdreg $0x9  }
0xb2: {  	_ =	task.clear_ibuf [dreg:s7], $0x6FFFF;
	_ =	strace $0x90000049  }
0xb3: {  	s29 =	simm.s32 $0x9;
	_ =	strace $0x8000004B  }
0xb4: {  	_ =	swait.ge [sflag:s29], $0x1  }
0xb5: {  	[sflag:s29] =	ssyncadd.s32 $0xFFFFFFFF  }
0xb6: {  	_ =	strace $0x9000004B  }
0xb7: {  	_ =	sfence  }
0xb8: {  	s30 =	sld [smem:$0x0];
	_ =	sdelay $0x2  }
0xb9: {  	s31 =	sshll.u32 s1, $0xD;
	s1 =	sshrl.u32 s1, $0x2  }
0xba: {  	s3 =	sand.u32 $0x4000, s31;
	s1 =	sadd.s32 s1, s30  }
0xbb: {  	s0 =	sor.u32 s3, s0;
	s1 =	sshll.u32 s1, $0x11  }
0xbc: {  	s0 =	sor.u32 s1, s0  }
0xbd: {  	s0 =	sadd.s32 $0x8F2B, s0  }
0xbe: {  	[sflag:s0] =	ssyncadd.remote.s32 $0x1  }
0xbf: {  	_ =	sfence.sel $0xFFFF  }
0xc0: {  	[dreg:$0x0] =	wrdreg $0xFFFFFFFF;
	(pc) =	sbr.abs _section_cstart, $3  }
0xc1: {  	[dreg:$0x1] =	wrdreg $0xFFFFFFFF  }
0xc2: {  	_ =	task.clear_ibuf [dreg:s7], $0x2FFFF;
	_ =	strace $0x9FFFFFFF  }
0xc3: {  	(tm) =	ssettm $0x7FFFFFFF  }
tec
execute0_lowered:
.L_overlay_start_1:
0x0: {  	(tag) =	ssettag $0x1  }
0x1: {  	s2 =	srdreg.scid;
	s1 =	rddreg [dreg:$0x0]  }
0x2: {  	s0 =	stileid.u32;
	s6 =	rddreg [dreg:$0x1]  }
0x3: {  	s3 =	rddreg [dreg:$0x2];
	s4 =	simm.s32 $0x0;
	s13 =	simm.s32 $0x2A00  }
0x4: {  	s14 =	simm.s32 $0x2900;
	s15 =	simm.s32 $0x6A00;
	s16 =	simm.s32 $0x1  }
0x5: {  	s17 =	simm.s32 $0x2880;
	s18 =	simm.s32 $0x2;
	s19 =	simm.s32 $0x2980  }
0x6: {  	s5 =	sand.u32 $0x1, s2;
	s29 =	sshll.u32 s0, $0x1;
	s20 =	smul.u32 $0x2800, s0  }
0x7: {  	[smem:$0x7FF] =	sst s4;
	s9 =	smul.u32 $0x50000, s0;
	s31 =	sshll.u32 s0, $0x6  }
0x8: {  	s2 =	sor.u32 s5, s29;
	s8 =	smul.u32 $0x28000, s5;
	s5 =	ssub.s32 $0x2, s5  }
0x9: {  	s7 =	smul.u32 $0x500, s2;
	s2 =	rddreg [dreg:$0x3];
	_ =	strace $0x8000004A  }
0xa: {  	s10 =	sadd.s32 s20, s6;
	s30 =	sshrl.u32 s5, $0x1;
	s9 =	sshrl.u32 s9, $0x2  }
0xb: {  	s8 =	sadd.s32 s8, s6;
	s11 =	ssub.s32 s5, s30;
	s12 =	sadd.s32 s9, s3  }
0xc: {  	s9 =	sor.u32 $0x1C03, s31;
	s7 =	sadd.s32 s7, s6;
	s6 =	sadd.s32 $0xC000, s10  }
0xd: {  	s21 =	sadd.s32 $0x34000, s8;
	s8 =	simm.s32 $0x3;
	s10 =	sshrl.u32 s12, $0x3  }
0xe: {  	s12 =	simm.s32 $0x2800;
	s5 =	sadd.s32 $0x2000, s7;
	s7 =	smax.u32 s11, $0x1  }
0xf: {  	s11 =	simm.s32 $0x80;
	s20 =	sadd.s32 s20, s21;
	s21 =	simm.s32 $0x0  }
.LBB2_1:
0x10: {  	[tilespmem:s4], [sflag:$0x3] =	stream.linear.gather [hbm4b:s5+s4], $0x2800, $0x38;
	[tilespmem:$0x1EA00] =	vst v63  }
0x11: {  	_ =	swait.ge [sflag:s8], $0x2800  }
0x12: {  	[sflag:s8] =	ssyncset.done $0x0  }
0x13: {  	[sflag:s8] =	ssyncadd.s32 $0xFFFFD800  }
0x14: {  	[spmem:s10], [sflag:s9] =	dma.local [hbm:s6], $0x2800  }
0x15: {  	_ =	swait.ge [sflag:s8], $0x2800  }
0x16: {  	[sflag:s8] =	ssyncset.done $0x0  }
0x17: {  	[sflag:s8] =	ssyncadd.s32 $0xFFFFD800  }
0x18: {  	[bflag:$0x0] =	sbarrier.arrive $0xFFFF  }
0x19: {  	v0 =	vld [tilespmem:$0x0];
	_ =	sdelay $0x1  }
0x1a: {  	v1 =	vld [tilespmem:$0x10];
	_ =	sdelay $0x1  }
0x1b: {  	v2 =	vld [tilespmem:$0x20]  }
0x1c: {  	v3 =	vand.u32 $0xFFFF, v0  }
0x1d: {  	v6 =	vld [tilespmem:$0x30];
	v0 =	vshrl.u32 v0, $0x10;
	[tilespmem:$0x2800] =	vst v3  }
0x1e: {  	v7 =	vand.u32 $0xFFFF, v1;
	[tilespmem:$0x2880] =	vst v0  }
0x1f: {  	v9 =	vld [tilespmem:$0x40];
	v8 =	vshrl.u32 v1, $0x10;
	[tilespmem:$0x2810] =	vst v7  }
0x20: {  	v10 =	vand.u32 $0xFFFF, v2;
	[tilespmem:$0x2890] =	vst v8  }
0x21: {  	v12 =	vld [tilespmem:$0x50];
	v11 =	vshrl.u32 v2, $0x10;
	[tilespmem:$0x2820] =	vst v10  }
0x22: {  	v13 =	vand.u32 $0xFFFF, v6;
	[tilespmem:$0x28A0] =	vst v11  }
0x23: {  	v15 =	vld [tilespmem:$0x60];
	v14 =	vshrl.u32 v6, $0x10;
	[tilespmem:$0x2830] =	vst v13  }
0x24: {  	v16 =	vand.u32 $0xFFFF, v9;
	[tilespmem:$0x28B0] =	vst v14  }
0x25: {  	v18 =	vld [tilespmem:$0x70];
	v17 =	vshrl.u32 v9, $0x10;
	[tilespmem:$0x2840] =	vst v16  }
0x26: {  	v19 =	vand.u32 $0xFFFF, v12;
	[tilespmem:$0x28C0] =	vst v17  }
0x27: {  	v20 =	vshrl.u32 v12, $0x10;
	[tilespmem:$0x2850] =	vst v19  }
0x28: {  	v21 =	vand.u32 $0xFFFF, v15;
	[tilespmem:$0x28D0] =	vst v20  }
0x29: {  	v22 =	vshrl.u32 v15, $0x10;
	[tilespmem:$0x2860] =	vst v21  }
0x2a: {  	v23 =	vand.u32 $0xFFFF, v18;
	[tilespmem:$0x28E0] =	vst v22  }
0x2b: {  	v24 =	vshrl.u32 v18, $0x10;
	[tilespmem:$0x2870] =	vst v23  }
0x2c: {  	[tilespmem:$0x28F0] =	vst v24  }
0x2d: {  	[tilespmem:s13], [sflag:$0x1] =	stream.indirect.gather [hbm4b:s1+s11], $0x80, s12, s11, $0xb8;
	[tilespmem:$0x1EA00] =	vst v63  }
0x2e: {  	v25 =	vld [tilespmem:$0x80];
	_ =	sdelay $0x1  }
0x2f: {  	v26 =	vld [tilespmem:$0x90];
	_ =	sdelay $0x1  }
0x30: {  	v27 =	vld [tilespmem:$0xA0]  }
0x31: {  	v28 =	vand.u32 $0xFFFF, v25  }
0x32: {  	v29 =	vld [tilespmem:$0xB0];
	v0 =	vshrl.u32 v25, $0x10;
	[tilespmem:$0x2900] =	vst v28  }
0x33: {  	v30 =	vand.u32 $0xFFFF, v26;
	[tilespmem:$0x2980] =	vst v0  }
0x34: {  	v32 =	vld [tilespmem:$0xC0];
	v31 =	vshrl.u32 v26, $0x10;
	[tilespmem:$0x2910] =	vst v30  }
0x35: {  	v33 =	vand.u32 $0xFFFF, v27;
	[tilespmem:$0x2990] =	vst v31  }
0x36: {  	v35 =	vld [tilespmem:$0xD0];
	v34 =	vshrl.u32 v27, $0x10;
	[tilespmem:$0x2920] =	vst v33  }
0x37: {  	v36 =	vand.u32 $0xFFFF, v29;
	[tilespmem:$0x29A0] =	vst v34  }
0x38: {  	v38 =	vld [tilespmem:$0xE0];
	v37 =	vshrl.u32 v29, $0x10;
	[tilespmem:$0x2930] =	vst v36  }
0x39: {  	v39 =	vand.u32 $0xFFFF, v32;
	[tilespmem:$0x29B0] =	vst v37  }
0x3a: {  	v41 =	vld [tilespmem:$0xF0];
	v40 =	vshrl.u32 v32, $0x10;
	[tilespmem:$0x2940] =	vst v39  }
0x3b: {  	v42 =	vand.u32 $0xFFFF, v35;
	[tilespmem:$0x29C0] =	vst v40  }
0x3c: {  	v43 =	vshrl.u32 v35, $0x10;
	[tilespmem:$0x2950] =	vst v42  }
0x3d: {  	v44 =	vand.u32 $0xFFFF, v38;
	[tilespmem:$0x29D0] =	vst v43  }
0x3e: {  	v45 =	vshrl.u32 v38, $0x10;
	[tilespmem:$0x2960] =	vst v44  }
0x3f: {  	v46 =	vand.u32 $0xFFFF, v41;
	[tilespmem:$0x29E0] =	vst v45  }
0x40: {  	v47 =	vshrl.u32 v41, $0x10;
	[tilespmem:$0x2970] =	vst v46  }
0x41: {  	[tilespmem:$0x29F0] =	vst v47  }
0x42: {  	[tilespmem:s15], [sflag:$0x2] =	stream.indirect.gather [hbm4b:s1+s11], $0x80, s14, s11, $0xb8;
	[tilespmem:$0x1EA00] =	vst v63  }
0x43: {  	_ =	swait.ge [sflag:s16], $0x4000  }
0x44: {  	[sflag:s16] =	ssyncset.done $0x0  }
0x45: {  	[sflag:s16] =	ssyncadd.s32 $0xFFFFC000  }
0x46: {  	[spmem:s3] =	stream.indirect.scatter.add.f32 [tilespmem:s13], [sflag:$0x3], $0x80, s17, s11, $0xb8;
	[tilespmem:$0x1EA00] =	vst v63  }
0x47: {  	_ =	swait.ge [sflag:s8], $0x4000  }
0x48: {  	[sflag:s8] =	ssyncset.done $0x0  }
0x49: {  	s22 =	simm.s32 $0x1F0;
	[sflag:s8] =	ssyncadd.s32 $0xFFFFC000  }
0x4a: {  	v48 =	vld [tilespmem:s22+$0xFFFFFF10];
	_ =	sdelay $0x4  }
0x4b: {  	v49 =	vand.u32 $0xFFFF, v48  }
0x4c: {  	v0 =	vshrl.u32 v48, $0x10;
	[tilespmem:$0x2800] =	vst v49  }
0x4d: {  	[tilespmem:$0x2880] =	vst v0  }
0x4e: {  	v0 =	vld [tilespmem:s22+$0xFFFFFF20];
	_ =	sdelay $0x4  }
0x4f: {  	v50 =	vand.u32 $0xFFFF, v0  }
0x50: {  	v0 =	vshrl.u32 v0, $0x10;
	[tilespmem:$0x2810] =	vst v50  }
0x51: {  	[tilespmem:$0x2890] =	vst v0  }
0x52: {  	v0 =	vld [tilespmem:s22+$0xFFFFFF30];
	_ =	sdelay $0x4  }
0x53: {  	v51 =	vand.u32 $0xFFFF, v0  }
0x54: {  	v0 =	vshrl.u32 v0, $0x10;
	[tilespmem:$0x2820] =	vst v51  }
0x55: {  	[tilespmem:$0x28A0] =	vst v0  }
0x56: {  	v0 =	vld [tilespmem:s22+$0xFFFFFF40];
	_ =	sdelay $0x4  }
0x57: {  	v52 =	vand.u32 $0xFFFF, v0  }
0x58: {  	v0 =	vshrl.u32 v0, $0x10;
	[tilespmem:$0x2830] =	vst v52  }
0x59: {  	[tilespmem:$0x28B0] =	vst v0  }
0x5a: {  	v0 =	vld [tilespmem:s22+$0xFFFFFF50];
	_ =	sdelay $0x4  }
0x5b: {  	v53 =	vand.u32 $0xFFFF, v0  }
0x5c: {  	v0 =	vshrl.u32 v0, $0x10;
	[tilespmem:$0x2840] =	vst v53  }
0x5d: {  	[tilespmem:$0x28C0] =	vst v0  }
0x5e: {  	v0 =	vld [tilespmem:s22+$0xFFFFFF60];
	_ =	sdelay $0x4  }
0x5f: {  	v54 =	vand.u32 $0xFFFF, v0  }
0x60: {  	v0 =	vshrl.u32 v0, $0x10;
	[tilespmem:$0x2850] =	vst v54  }
0x61: {  	[tilespmem:$0x28D0] =	vst v0  }
0x62: {  	v0 =	vld [tilespmem:s22+$0xFFFFFF70];
	_ =	sdelay $0x4  }
0x63: {  	v55 =	vand.u32 $0xFFFF, v0  }
0x64: {  	v0 =	vshrl.u32 v0, $0x10;
	[tilespmem:$0x2860] =	vst v55  }
0x65: {  	[tilespmem:$0x28E0] =	vst v0  }
0x66: {  	v0 =	vld [tilespmem:s22+$0xFFFFFF80];
	_ =	sdelay $0x4  }
0x67: {  	v56 =	vand.u32 $0xFFFF, v0  }
0x68: {  	v0 =	vshrl.u32 v0, $0x10;
	[tilespmem:$0x2870] =	vst v56  }
0x69: {  	[tilespmem:$0x28F0] =	vst v0  }
0x6a: {  	[tilespmem:s13], [sflag:$0x1] =	stream.indirect.gather [hbm4b:s1+s11], $0x80, s12, s11, $0xb8;
	[tilespmem:$0x1EA00] =	vst v63  }
0x6b: {  	_ =	swait.ge [sflag:s18], $0x4000  }
0x6c: {  	[sflag:s18] =	ssyncset.done $0x0  }
0x6d: {  	[sflag:s18] =	ssyncadd.s32 $0xFFFFC000  }
0x6e: {  	[spmem:s3] =	stream.indirect.scatter.add.f32 [tilespmem:s15], [sflag:$0x3], $0x80, s19, s11, $0xb8;
	[tilespmem:$0x1EA00] =	vst v63  }
0x6f: {  	_ =	swait.ge [sflag:s8], $0x4000  }
0x70: {  	[sflag:s8] =	ssyncset.done $0x0  }
0x71: {  	[sflag:s8] =	ssyncadd.s32 $0xFFFFC000  }
0x72: {  	v57 =	vld [tilespmem:s22+$0xFFFFFF90];
	_ =	sdelay $0x4  }
0x73: {  	v58 =	vand.u32 $0xFFFF, v57  }
0x74: {  	v0 =	vshrl.u32 v57, $0x10;
	[tilespmem:$0x2900] =	vst v58  }
0x75: {  	[tilespmem:$0x2980] =	vst v0  }
0x76: {  	v0 =	vld [tilespmem:s22+$0xFFFFFFA0];
	_ =	sdelay $0x4  }
0x77: {  	v59 =	vand.u32 $0xFFFF, v0  }
0x78: {  	v0 =	vshrl.u32 v0, $0x10;
	[tilespmem:$0x2910] =	vst v59  }
0x79: {  	[tilespmem:$0x2990] =	vst v0  }
0x7a: {  	v0 =	vld [tilespmem:s22+$0xFFFFFFB0];
	_ =	sdelay $0x4  }
0x7b: {  	v60 =	vand.u32 $0xFFFF, v0  }
0x7c: {  	v0 =	vshrl.u32 v0, $0x10;
	[tilespmem:$0x2920] =	vst v60  }
0x7d: {  	[tilespmem:$0x29A0] =	vst v0  }
0x7e: {  	v0 =	vld [tilespmem:s22+$0xFFFFFFC0];
	_ =	sdelay $0x4  }
0x7f: {  	v61 =	vand.u32 $0xFFFF, v0  }
0x80: {  	v0 =	vshrl.u32 v0, $0x10;
	[tilespmem:$0x2930] =	vst v61  }
0x81: {  	[tilespmem:$0x29B0] =	vst v0  }
0x82: {  	v0 =	vld [tilespmem:s22+$0xFFFFFFD0];
	_ =	sdelay $0x4  }
0x83: {  	v62 =	vand.u32 $0xFFFF, v0  }
0x84: {  	v0 =	vshrl.u32 v0, $0x10;
	[tilespmem:$0x2940] =	vst v62  }
0x85: {  	[tilespmem:$0x29C0] =	vst v0  }
0x86: {  	v0 =	vld [tilespmem:s22+$0xFFFFFFE0];
	_ =	sdelay $0x4  }
0x87: {  	v63 =	vand.u32 $0xFFFF, v0  }
0x88: {  	v0 =	vshrl.u32 v0, $0x10;
	[tilespmem:$0x2950] =	vst v63  }
0x89: {  	s23 =	simm.s32 $0xBC0;
	[tilespmem:$0x29D0] =	vst v0  }
.LBB2_2:
0x8a: {  	p0 =	sne.s32 s23, $0x9FC0;
	v0 =	vld [tilespmem:s22+$0xFFFFFFF0];
	s24 =	smov.u32 s23;
	s23 =	sadd.s32 $0x400, s23  }
0x8b: {  	_ =	sdelay $0x3  }
0x8c: {  	v1 =	vand.u32 $0xFFFF, v0;
	v0 =	vshrl.u32 v0, $0x10  }
0x8d: {  	[tilespmem:$0x2960] =	vst v1  }
0x8e: {  	[tilespmem:$0x29E0] =	vst v0  }
0x8f: {  	v0 =	vld [tilespmem:s22+$0x0];
	_ =	sdelay $0x4  }
0x90: {  	v1 =	vand.u32 $0xFFFF, v0;
	v0 =	vshrl.u32 v0, $0x10  }
0x91: {  	[tilespmem:$0x2970] =	vst v1  }
0x92: {  	[tilespmem:$0x29F0] =	vst v0  }
0x93: {  	[tilespmem:s15], [sflag:$0x2] =	stream.indirect.gather [hbm4b:s1+s11], $0x80, s14, s11, $0xb8;
	[tilespmem:$0x1EA00] =	vst v63  }
0x94: {  	_ =	swait.ge [sflag:s16], $0x4000  }
0x95: {  	[sflag:s16] =	ssyncset.done $0x0  }
0x96: {  	[sflag:s16] =	ssyncadd.s32 $0xFFFFC000  }
0x97: {  	[spmem:s3] =	stream.indirect.scatter.add.f32 [tilespmem:s13], [sflag:$0x3], $0x80, s17, s11, $0xb8;
	[tilespmem:$0x1EA00] =	vst v63  }
0x98: {  	_ =	swait.ge [sflag:s8], $0x4000  }
0x99: {  	[sflag:s8] =	ssyncset.done $0x0  }
0x9a: {  	s22 =	sshra.s32 s24, $0x2;
	[sflag:s8] =	ssyncadd.s32 $0xFFFFC000  }
0x9b: {  	v0 =	vld [tilespmem:s22+$0xFFFFFF10];
	_ =	sdelay $0x4  }
0x9c: {  	v1 =	vand.u32 $0xFFFF, v0;
	v0 =	vshrl.u32 v0, $0x10  }
0x9d: {  	[tilespmem:$0x2800] =	vst v1  }
0x9e: {  	[tilespmem:$0x2880] =	vst v0  }
0x9f: {  	v0 =	vld [tilespmem:s22+$0xFFFFFF20];
	_ =	sdelay $0x4  }
0xa0: {  	v1 =	vand.u32 $0xFFFF, v0;
	v0 =	vshrl.u32 v0, $0x10  }
0xa1: {  	[tilespmem:$0x2810] =	vst v1  }
0xa2: {  	[tilespmem:$0x2890] =	vst v0  }
0xa3: {  	v0 =	vld [tilespmem:s22+$0xFFFFFF30];
	_ =	sdelay $0x4  }
0xa4: {  	v1 =	vand.u32 $0xFFFF, v0;
	v0 =	vshrl.u32 v0, $0x10  }
0xa5: {  	[tilespmem:$0x2820] =	vst v1  }
0xa6: {  	[tilespmem:$0x28A0] =	vst v0  }
0xa7: {  	v0 =	vld [tilespmem:s22+$0xFFFFFF40];
	_ =	sdelay $0x4  }
0xa8: {  	v1 =	vand.u32 $0xFFFF, v0;
	v0 =	vshrl.u32 v0, $0x10  }
0xa9: {  	[tilespmem:$0x2830] =	vst v1  }
0xaa: {  	[tilespmem:$0x28B0] =	vst v0  }
0xab: {  	v0 =	vld [tilespmem:s22+$0xFFFFFF50];
	_ =	sdelay $0x4  }
0xac: {  	v1 =	vand.u32 $0xFFFF, v0;
	v0 =	vshrl.u32 v0, $0x10  }
0xad: {  	[tilespmem:$0x2840] =	vst v1  }
0xae: {  	[tilespmem:$0x28C0] =	vst v0  }
0xaf: {  	v0 =	vld [tilespmem:s22+$0xFFFFFF60];
	_ =	sdelay $0x4  }
0xb0: {  	v1 =	vand.u32 $0xFFFF, v0;
	v0 =	vshrl.u32 v0, $0x10  }
0xb1: {  	[tilespmem:$0x2850] =	vst v1  }
0xb2: {  	[tilespmem:$0x28D0] =	vst v0  }
0xb3: {  	v0 =	vld [tilespmem:s22+$0xFFFFFF70];
	_ =	sdelay $0x4  }
0xb4: {  	v1 =	vand.u32 $0xFFFF, v0;
	v0 =	vshrl.u32 v0, $0x10  }
0xb5: {  	[tilespmem:$0x2860] =	vst v1  }
0xb6: {  	[tilespmem:$0x28E0] =	vst v0  }
0xb7: {  	v0 =	vld [tilespmem:s22+$0xFFFFFF80];
	_ =	sdelay $0x4  }
0xb8: {  	v1 =	vand.u32 $0xFFFF, v0;
	v0 =	vshrl.u32 v0, $0x10  }
0xb9: {  	[tilespmem:$0x2870] =	vst v1  }
0xba: {  	[tilespmem:$0x28F0] =	vst v0  }
0xbb: {  	[tilespmem:s13], [sflag:$0x1] =	stream.indirect.gather [hbm4b:s1+s11], $0x80, s12, s11, $0xb8;
	[tilespmem:$0x1EA00] =	vst v63  }
0xbc: {  	_ =	swait.ge [sflag:s18], $0x4000  }
0xbd: {  	[sflag:s18] =	ssyncset.done $0x0  }
0xbe: {  	[sflag:s18] =	ssyncadd.s32 $0xFFFFC000  }
0xbf: {  	[spmem:s3] =	stream.indirect.scatter.add.f32 [tilespmem:s15], [sflag:$0x3], $0x80, s19, s11, $0xb8;
	[tilespmem:$0x1EA00] =	vst v63  }
0xc0: {  	_ =	swait.ge [sflag:s8], $0x4000  }
0xc1: {  	[sflag:s8] =	ssyncset.done $0x0  }
0xc2: {  	[sflag:s8] =	ssyncadd.s32 $0xFFFFC000  }
0xc3: {  	v0 =	vld [tilespmem:s22+$0xFFFFFF90];
	_ =	sdelay $0x4  }
0xc4: {  	v1 =	vand.u32 $0xFFFF, v0;
	v0 =	vshrl.u32 v0, $0x10  }
0xc5: {  	[tilespmem:$0x2900] =	vst v1  }
0xc6: {  	[tilespmem:$0x2980] =	vst v0  }
0xc7: {  	v0 =	vld [tilespmem:s22+$0xFFFFFFA0];
	_ =	sdelay $0x4  }
0xc8: {  	v1 =	vand.u32 $0xFFFF, v0;
	v0 =	vshrl.u32 v0, $0x10  }
0xc9: {  	[tilespmem:$0x2910] =	vst v1  }
0xca: {  	[tilespmem:$0x2990] =	vst v0  }
0xcb: {  	v0 =	vld [tilespmem:s22+$0xFFFFFFB0];
	_ =	sdelay $0x4  }
0xcc: {  	v1 =	vand.u32 $0xFFFF, v0;
	v0 =	vshrl.u32 v0, $0x10  }
0xcd: {  	[tilespmem:$0x2920] =	vst v1  }
0xce: {  	[tilespmem:$0x29A0] =	vst v0  }
0xcf: {  	v0 =	vld [tilespmem:s22+$0xFFFFFFC0];
	_ =	sdelay $0x4  }
0xd0: {  	v1 =	vand.u32 $0xFFFF, v0;
	v0 =	vshrl.u32 v0, $0x10  }
0xd1: {  	[tilespmem:$0x2930] =	vst v1  }
0xd2: {  	[tilespmem:$0x29B0] =	vst v0  }
0xd3: {  	v0 =	vld [tilespmem:s22+$0xFFFFFFD0];
	_ =	sdelay $0x4  }
0xd4: {  	v1 =	vand.u32 $0xFFFF, v0;
	v0 =	vshrl.u32 v0, $0x10  }
0xd5: {  	[tilespmem:$0x2940] =	vst v1  }
0xd6: {  	[tilespmem:$0x29C0] =	vst v0  }
0xd7: {  	v0 =	vld [tilespmem:s22+$0xFFFFFFE0];
	_ =	sdelay $0x2  }
.Ltmp0:
0xd8: {  	(pc) =	sbr.rel @p0 .LBB2_2-.Ltmp0, $4  }
0xd9: {  	_ = 	snop  }
0xda: {  	v1 =	vand.u32 $0xFFFF, v0;
	v0 =	vshrl.u32 v0, $0x10  }
0xdb: {  	[tilespmem:$0x2950] =	vst v1  }
0xdc: {  	[tilespmem:$0x29D0] =	vst v0  }
0xdd: {  	v0 =	vld [tilespmem:s22+$0xFFFFFFF0];
	_ =	sdelay $0x4  }
0xde: {  	v1 =	vand.u32 $0xFFFF, v0  }
0xdf: {  	v0 =	vshrl.u32 v0, $0x10;
	[tilespmem:$0x2960] =	vst v1  }
0xe0: {  	[tilespmem:$0x29E0] =	vst v0  }
0xe1: {  	v0 =	vld [tilespmem:s22+$0x0];
	_ =	sdelay $0x4  }
0xe2: {  	v63 =	vand.u32 $0xFFFF, v0  }
0xe3: {  	v0 =	vshrl.u32 v0, $0x10;
	[tilespmem:$0x2970] =	vst v63  }
0xe4: {  	[tilespmem:$0x29F0] =	vst v0  }
0xe5: {  	[tilespmem:s15], [sflag:$0x2] =	stream.indirect.gather [hbm4b:s1+s11], $0x80, s14, s11, $0xb8;
	[tilespmem:$0x1EA00] =	vst v63  }
0xe6: {  	_ =	swait.ge [sflag:s16], $0x4000  }
0xe7: {  	[sflag:s16] =	ssyncset.done $0x0  }
0xe8: {  	[sflag:s16] =	ssyncadd.s32 $0xFFFFC000  }
0xe9: {  	[spmem:s3] =	stream.indirect.scatter.add.f32 [tilespmem:s13], [sflag:$0x3], $0x80, s17, s11, $0xb8;
	[tilespmem:$0x1EA00] =	vst v63  }
0xea: {  	_ =	swait.ge [sflag:s8], $0x4000  }
0xeb: {  	[sflag:s8] =	ssyncset.done $0x0  }
0xec: {  	[sflag:s8] =	ssyncadd.s32 $0xFFFFC000  }
0xed: {  	_ =	swait.ge [sflag:s18], $0x4000  }
0xee: {  	[sflag:s18] =	ssyncset.done $0x0  }
0xef: {  	[sflag:s18] =	ssyncadd.s32 $0xFFFFC000  }
0xf0: {  	[spmem:s3] =	stream.indirect.scatter.add.f32 [tilespmem:s15], [sflag:$0x3], $0x80, s19, s11, $0xb8;
	[tilespmem:$0x1EA00] =	vst v63  }
0xf1: {  	_ =	swait.ge [sflag:s8], $0x4000  }
0xf2: {  	s21 =	sadd.s32 $0x1, s21;
	[sflag:s8] =	ssyncset.done $0x0  }
0xf3: {  	p0 =	sne.s32 s21, s7;
	[sflag:s8] =	ssyncadd.s32 $0xFFFFC000  }
.Ltmp1:
0xf4: {  	[bflag:$0x0] =	sbarrier.arrive $0xFFFF;
	(pc) =	sbr.rel @p0 .LBB2_1-.Ltmp1, $4  }
0xf5: {  	[hbm:s20], [sflag:s9] =	dma.local [spmem:s10], $0x2800  }
0xf6: {  	_ =	swait.ge [sflag:s8], $0x2800  }
0xf7: {  	[sflag:s8] =	ssyncset.done $0x0  }
0xf8: {  	[sflag:s8] =	ssyncadd.s32 $0xFFFFD800  }
0xf9: {  	_ =	sfence.sel $0x180000  }
0xfa: {  	[bflag:$0x0] =	sbarrier.arrive $0xFFFF  }
0xfb: {  	p0 =	sne.s32 s0, $0x0;
	_ =	strace $0x9000004A  }
0xfc: {  	s0 =	sadd.s32 @!p0 $0x100000, s2;
	[bflag:$0x2] =	sbarrier.arrive $0xFFFF  }
0xfd: {  	[sflag:s0] =	ssyncadd.tile.s32 @!p0 $0x1;
	_ =	shalt  }
.Lfunc_end2:
_tile_overlayer_lowered:
.L_overlay_start_2:
0xfe: {  	(tag) =	ssettag $0x2  }
0xff: {  	s0 =	rddreg [dreg:$0x0];
	s2 =	stileid.u32  }
0x100: {  	s1 =	rddreg [dreg:$0x1];
	p0 =	sne.s32 s2, $0x0  }
0x101: {  	s3 =	rddreg [dreg:$0x2];
	[bflag:$0x3] =	sbarrier.arrive $0xFFFF;
	s2 =	simm.s32 @!p0 $0x1C03  }
0x102: {  	[timem:s3], [sflag:s2] =	dma.local @!p0 [hbm:s0], s1  }
0x103: {  	s0 =	simm.s32 @!p0 $0x3  }
0x104: {  	_ =	swait.ge @!p0 [sflag:s0], s1  }
0x105: {  	s1 =	ssub.s32 @!p0 $0x0, s1;
	[sflag:s0] =	ssyncset.done @!p0 $0x0  }
0x106: {  	[sflag:s0] =	ssyncadd.s32 @!p0 s1  }
0x107: {  	[bflag:$0x3] =	sbarrier.arrive $0xFFFF  }
0x108: {  	_ =	shalt  }

// kernel: kernel.14.cloned.1.call-start
scs
__scs_entry_jumppad:
0x0: {  	(pc) =	sbr.rel $0x88, $3  }
0x1: {  	(tag) =	ssettag $0x0;
	lr =	simm.s32 $0x1  }
0x2: {  	[smem:$0x3F9B] =	sst lr;
	_ =	strace $0xD0000000  }
0x3: {  	_ = 	snop  }
0x4: {  	_ = 	snop  }
0x5: {  	_ = 	snop  }
0x6: {  	_ = 	snop  }
0x7: {  	_ = 	snop  }
__scs_overlays_trampoline_lowered:
0x8: {  	[smem:$0x3FAA] =	sst s0  }
0x9: {  	[smem:$0x3FAB] =	sst s1  }
0xa: {  	[smem:$0x3FAC] =	sst s2  }
0xb: {  	[smem:$0x3FAD] =	sst s3  }
0xc: {  	[smem:$0x3FAE] =	sst s4  }
0xd: {  	[smem:$0x3FAF] =	sst s5  }
0xe: {  	[smem:$0x3FB0] =	sst s6  }
0xf: {  	[smem:$0x3FB1] =	sst s7  }
0x10: {  	[smem:$0x3FB2] =	sst s8  }
0x11: {  	[smem:$0x3FB3] =	sst s9;
	s0 =	simm.s32 @!p0 $0x0  }
0x12: {  	s1 =	sld [smem:$0x3F99];
	s0 =	simm.s32 @p0 $0x1  }
0x13: {  	[smem:$0x3FB4] =	sst s0;
	s0 =	simm.s32 @!p1 $0x0  }
0x14: {  	s2 =	sld [smem:$0x3F98];
	s0 =	simm.s32 @p1 $0x1  }
0x15: {  	[smem:$0x3FB5] =	sst s0;
	s0 =	simm.s32 @!p2 $0x0  }
0x16: {  	s3 =	sld [smem:$0x3FDB];
	s0 =	simm.s32 @p2 $0x1  }
0x17: {  	s4 =	simm.s32 $0x1BF5;
	[smem:$0x3FB7] =	sst s0  }
0x18: {  	s0 =	sld [smem:$0x3F9A];
	_ =	swait.ge [sflag:s4], $0x0  }
0x19: {  	s7 =	sld [smem:$0x3F9B]  }
0x1a: {  	s8 =	sadd.s32 $0xFFFFE003, lr  }
0x1b: {  	s9 =	sadd.s32 $0xFFFFFEF7, lr;
	s5 =	simm.s32 $0xFFFFFFFF;
	p2 =	slt.u32 s8, $0xFFFFF086  }
0x1c: {  	p1 =	slt.u32 s9, $0xF7A;
	s5 =	simm.s32 @!p2 $0x0  }
0x1d: {  	s5 =	simm.s32 @p1 $0x1;
	p0 =	seq.s32 s7, s2  }
0x1e: {  	s7 =	smul.u32 @!p0 $0xF7A, s2;
	p2 =	seq.s32 @!p0 s5, $0x0  }
0x1f: {  	s9 =	smul.u32 $0xF7A, s1;
	s8 =	simm.s32 @!p0 $0x1BF5;
	p2 =	por !p2, p0  }
0x20: {  	[sflag:s8] =	ssyncset.s32 @!p0 $0xFFFFF086;
	s6 =	sadd.s32 @!p0 s3, s7;
	s7 =	simm.s32 @!p0 $0x108  }
0x21: {  	s3 =	sadd.s32 s3, s9;
	s6 =	sadd.s32 @!p0 $0x88, s6;
	s7 =	simm.s32 @p2 $0x1082  }
0x22: {  	[simem:s7], [sflag:s8] =	dma.local @!p0 [hbm:s6], $0xF7A  }
0x23: {  	s9 =	sor.u32 $0xD0000000, s2;
	s6 =	simm.s32 $0x108;
	_ =	swait.ge @!p0 [sflag:s8], $0x0  }
0x24: {  	s3 =	sadd.s32 $0x88, s3;
	s6 =	simm.s32 @!p1 $0x1082;
	[sflag:s4] =	ssyncset.s32 $0xFFFFF086  }
0x25: {  	[simem:s6], [sflag:s4] =	dma.local [hbm:s3], $0xF7A  }
0x26: {  	[smem:$0x3F9B] =	sst s1;
	(tag) =	ssettag s2;
	_ =	strace s9  }
0x27: {  	s1 =	sld [smem:$0x3FAB]  }
0x28: {  	s2 =	sld [smem:$0x3FAC]  }
0x29: {  	s4 =	sld [smem:$0x3FAE]  }
0x2a: {  	p0 =	seq.s32 s5, $0x0;
	s5 =	sld [smem:$0x3FAF]  }
0x2b: {  	s6 =	sld [smem:$0x3FB0]  }
0x2c: {  	s7 =	sld [smem:$0x3FB1]  }
0x2d: {  	s3 =	simm.s32 $0x108;
	s8 =	sld [smem:$0x3FB2]  }
0x2e: {  	s3 =	simm.s32 @!p0 $0x1082;
	s9 =	sld [smem:$0x3FB3]  }
0x2f: {  	lr =	sadd.s32 s0, s3;
	s0 =	sld [smem:$0x3FAA]  }
0x30: {  	s3 =	sld [smem:$0x3FAD]  }
0x31: {  	[smem:$0x3FB6] =	sst s10  }
0x32: {  	s10 =	sld [smem:$0x3FB4];
	_ =	sdelay $0x3  }
0x33: {  	p0 =	seq.s32 s10, $0x1;
	s10 =	sld [smem:$0x3FB6];
	_ =	sdelay $0x3  }
0x34: {  	[smem:$0x3FB6] =	sst s10  }
0x35: {  	s10 =	sld [smem:$0x3FB5];
	_ =	sdelay $0x3  }
0x36: {  	p1 =	seq.s32 s10, $0x1;
	s10 =	sld [smem:$0x3FB6];
	_ =	sdelay $0x3  }
0x37: {  	[smem:$0x3FB6] =	sst s10  }
0x38: {  	s10 =	sld [smem:$0x3FB7]  }
0x39: {  	_ = 	snop;
	(pc) =	sbr.ind lr, $3  }
0x3a: {  	_ = 	snop  }
0x3b: {  	_ = 	snop  }
0x3c: {  	p2 =	seq.s32 s10, $0x1;
	s10 =	sld [smem:$0x3FB6]  }
0x3d: {  	_ =	shalt  }
0x3e: {  	_ =	shalt  }
0x3f: {  	_ =	shalt  }
0x40: {  	_ =	shalt  }
0x41: {  	_ =	shalt  }
0x42: {  	_ =	shalt  }
0x43: {  	_ =	shalt  }
0x44: {  	_ =	shalt  }
0x45: {  	_ =	shalt  }
0x46: {  	_ =	shalt  }
0x47: {  	_ =	shalt  }
0x48: {  	_ =	shalt  }
0x49: {  	_ =	shalt  }
0x4a: {  	_ =	shalt  }
0x4b: {  	_ =	shalt  }
0x4c: {  	_ =	shalt  }
0x4d: {  	_ =	shalt  }
0x4e: {  	_ =	shalt  }
0x4f: {  	_ =	shalt  }
0x50: {  	_ =	shalt  }
0x51: {  	_ =	shalt  }
0x52: {  	_ =	shalt  }
0x53: {  	_ =	shalt  }
0x54: {  	_ =	shalt  }
0x55: {  	_ =	shalt  }
0x56: {  	_ =	shalt  }
0x57: {  	_ =	shalt  }
0x58: {  	_ =	shalt  }
0x59: {  	_ =	shalt  }
0x5a: {  	_ =	shalt  }
0x5b: {  	_ =	shalt  }
0x5c: {  	_ =	shalt  }
0x5d: {  	_ =	shalt  }
0x5e: {  	_ =	shalt  }
0x5f: {  	_ =	shalt  }
0x60: {  	_ =	shalt  }
0x61: {  	_ =	shalt  }
0x62: {  	_ =	shalt  }
0x63: {  	_ =	shalt  }
0x64: {  	_ =	shalt  }
0x65: {  	_ =	shalt  }
0x66: {  	_ =	shalt  }
0x67: {  	_ =	shalt  }
0x68: {  	_ =	shalt  }
0x69: {  	_ =	shalt  }
0x6a: {  	_ =	shalt  }
0x6b: {  	_ =	shalt  }
0x6c: {  	_ =	shalt  }
0x6d: {  	_ =	shalt  }
0x6e: {  	_ =	shalt  }
0x6f: {  	_ =	shalt  }
0x70: {  	_ =	shalt  }
0x71: {  	_ =	shalt  }
0x72: {  	_ =	shalt  }
0x73: {  	_ =	shalt  }
0x74: {  	_ =	shalt  }
0x75: {  	_ =	shalt  }
0x76: {  	_ =	shalt  }
0x77: {  	_ =	shalt  }
0x78: {  	_ =	shalt  }
0x79: {  	_ =	shalt  }
0x7a: {  	_ =	shalt  }
0x7b: {  	_ =	shalt  }
0x7c: {  	_ =	shalt  }
0x7d: {  	_ =	shalt  }
0x7e: {  	_ =	shalt  }
0x7f: {  	_ =	shalt  }
0x80: {  	_ =	shalt  }
0x81: {  	_ =	shalt  }
0x82: {  	_ =	shalt  }
0x83: {  	_ =	shalt  }
0x84: {  	_ =	shalt  }
0x85: {  	_ =	shalt  }
0x86: {  	_ =	shalt  }
0x87: {  	_ =	shalt  }
.Lfunc_end0:
.L_simem_size_0:
called_computation.2_lowered:
.L_overlay_start_0:
0x88: {  	s2 =	sld [smem:$0x3FD9]  }
0x89: {  	s3 =	sld [smem:$0x3FFE];
	_ =	sdelay $0x1  }
0x8a: {  	s1 =	srdreg.scid  }
0x8b: {  	s0 =	sand.u32 $0x1, s1  }
0x8c: {  	s17 =	sshll.u32 s0, $0xA;
	s2 =	sadd.s32 s3, s2  }
0x8d: {  	s2 =	sadd.s32 s2, s17  }
0x8e: {  	[smem:$0x3FC2] =	sst s2  }
0x8f: {  	_ = 	snop  }
0x90: {  	s2 =	sld [smem:$0x3FD0];
	(tm) =	ssettm $0x1  }
0x91: {  	s18 =	sld [smem:$0x3FFB];
	_ =	sdelay $0x3  }
0x92: {  	_ =	strace s18  }
0x93: {  	s3 =	sld [smem:$0x3FFC];
	_ =	sdelay $0x3  }
0x94: {  	_ =	strace s3  }
0x95: {  	s3 =	sld [smem:$0x3FFD];
	_ =	sdelay $0x3  }
0x96: {  	_ =	strace s3  }
0x97: {  	_ =	strace $0x8FFFFFFF  }
0x98: {  	s19 =	sld [smem:$0x3FDB];
	_ =	sdelay $0x1  }
0x99: {  	s4 =	simm.s32 $_scs_section_size  }
0x9a: {  	s5 =	simm.s32 $_size__tile_overlayer_lowered;
	s6 =	simm.s32 $_tile_overlayer_lowered  }
0x9b: {  	s22 =	simm.s32 $0x1BFF;
	s21 =	sshll.u32 s6, $0x1;
	s3 =	sadd.s32 s4, s19  }
0x9c: {  	s7 =	simm.s32 $0x0;
	s20 =	sshll.u32 s5, $0x1;
	s5 =	sadd.s32 s21, s3  }
0x9d: {  	[timem:s7], [sflag:s22] =	dma.local [hbm:s5], s20  }
0x9e: {  	_ =	swait.ge [sflag:s22], s20  }
0x9f: {  	s4 =	ssub.s32 $0x0, s20;
	[sflag:s22] =	ssyncset.done $0x0  }
0xa0: {  	[sflag:s22] =	ssyncadd.s32 s4;
	_ =	sdelay $0x1  }
0xa1: {  	s23 =	simm.s32 $0x1B8B  }
0xa2: {  	_ =	swait.ge [sflag:s23], $0x1  }
0xa3: {  	[sflag:s23] =	ssyncset.done $0x0  }
0xa4: {  	s25 =	simm.s32 $0x1B8E;
	s24 =	sld [smem:$0x3FFE];
	[sflag:s23] =	ssyncadd.s32 $0xFFFFFFFF  }
0xa5: {  	s26 =	simm.s32 $execute0_lowered;
	[smem:$0x3FD2] =	sst s25  }
0xa6: {  	s5 =	sshll.u32 s26, $0x1;
	_ =	strace $0x8000004C;
	[dreg:$0x1] =	wrdreg $0xFFFFFFFF  }
0xa7: {  	s28 =	simm.s32 $_size_execute0_lowered;
	s3 =	sadd.s32 s3, s5;
	[dreg:$0x0] =	wrdreg $0x0  }
0xa8: {  	s5 =	sshll.u32 s28, $0x1;
	[dreg:$0x2] =	wrdreg s3  }
0xa9: {  	[dreg:$0x3] =	wrdreg s5  }
0xaa: {  	[dreg:$0x4] =	wrdreg $0xC0  }
0xab: {  	_ =	task [dreg:s7], $0x5FFFF  }
0xac: {  	[dreg:$0x1] =	wrdreg $0xFFFFFFFF  }
0xad: {  	[dreg:$0x0] =	wrdreg $0x60  }
0xae: {  	[dreg:$0x2] =	wrdreg s2  }
0xaf: {  	[dreg:$0x3] =	wrdreg s24  }
0xb0: {  	[dreg:$0x4] =	wrdreg $0xAA000  }
0xb1: {  	[dreg:$0x5] =	wrdreg $0x9  }
0xb2: {  	_ =	task.clear_ibuf [dreg:s7], $0x6FFFF;
	_ =	strace $0x9000004C  }
0xb3: {  	s29 =	simm.s32 $0x9;
	_ =	strace $0x8000004E  }
0xb4: {  	_ =	swait.ge [sflag:s29], $0x1  }
0xb5: {  	[sflag:s29] =	ssyncadd.s32 $0xFFFFFFFF  }
0xb6: {  	_ =	strace $0x9000004E  }
0xb7: {  	_ =	sfence  }
0xb8: {  	s30 =	sld [smem:$0x0];
	_ =	sdelay $0x2  }
0xb9: {  	s31 =	sshll.u32 s1, $0xD;
	s1 =	sshrl.u32 s1, $0x2  }
0xba: {  	s3 =	sand.u32 $0x4000, s31;
	s1 =	sadd.s32 s1, s30  }
0xbb: {  	s0 =	sor.u32 s3, s0;
	s1 =	sshll.u32 s1, $0x11  }
0xbc: {  	s0 =	sor.u32 s1, s0  }
0xbd: {  	s0 =	sadd.s32 $0x8F2B, s0  }
0xbe: {  	[sflag:s0] =	ssyncadd.remote.s32 $0x1  }
0xbf: {  	_ =	sfence.sel $0xFFFF  }
0xc0: {  	[dreg:$0x0] =	wrdreg $0xFFFFFFFF;
	(pc) =	sbr.abs _section_cstart, $3  }
0xc1: {  	[dreg:$0x1] =	wrdreg $0xFFFFFFFF  }
0xc2: {  	_ =	task.clear_ibuf [dreg:s7], $0x2FFFF;
	_ =	strace $0x9FFFFFFF  }
0xc3: {  	(tm) =	ssettm $0x7FFFFFFF  }
tec
execute0_lowered:
.L_overlay_start_1:
0x0: {  	(tag) =	ssettag $0x1  }
0x1: {  	s2 =	srdreg.scid;
	s1 =	rddreg [dreg:$0x0]  }
0x2: {  	s0 =	stileid.u32;
	s6 =	rddreg [dreg:$0x1]  }
0x3: {  	s3 =	rddreg [dreg:$0x2];
	s4 =	simm.s32 $0x0;
	s13 =	simm.s32 $0x2A00  }
0x4: {  	s14 =	simm.s32 $0x2900;
	s15 =	simm.s32 $0x6A00;
	s16 =	simm.s32 $0x1  }
0x5: {  	s17 =	simm.s32 $0x2880;
	s18 =	simm.s32 $0x2;
	s19 =	simm.s32 $0x2980  }
0x6: {  	s5 =	sand.u32 $0x1, s2;
	s29 =	sshll.u32 s0, $0x1;
	s20 =	smul.u32 $0x2800, s0  }
0x7: {  	[smem:$0x7FF] =	sst s4;
	s9 =	smul.u32 $0x50000, s0;
	s31 =	sshll.u32 s0, $0x6  }
0x8: {  	s2 =	sor.u32 s5, s29;
	s8 =	smul.u32 $0x28000, s5;
	s5 =	ssub.s32 $0x2, s5  }
0x9: {  	s7 =	smul.u32 $0x500, s2;
	s2 =	rddreg [dreg:$0x3];
	_ =	strace $0x8000004D  }
0xa: {  	s10 =	sadd.s32 s20, s6;
	s30 =	sshrl.u32 s5, $0x1;
	s9 =	sshrl.u32 s9, $0x2  }
0xb: {  	s8 =	sadd.s32 s8, s6;
	s11 =	ssub.s32 s5, s30;
	s12 =	sadd.s32 s9, s3  }
0xc: {  	s9 =	sor.u32 $0x1C03, s31;
	s7 =	sadd.s32 s7, s6;
	s6 =	sadd.s32 $0xC000, s10  }
0xd: {  	s21 =	sadd.s32 $0x34000, s8;
	s8 =	simm.s32 $0x3;
	s10 =	sshrl.u32 s12, $0x3  }
0xe: {  	s12 =	simm.s32 $0x2800;
	s5 =	sadd.s32 $0x2000, s7;
	s7 =	smax.u32 s11, $0x1  }
0xf: {  	s11 =	simm.s32 $0x80;
	s20 =	sadd.s32 s20, s21;
	s21 =	simm.s32 $0x0  }
.LBB2_1:
0x10: {  	[tilespmem:s4], [sflag:$0x3] =	stream.linear.gather [hbm4b:s5+s4], $0x2800, $0x38;
	[tilespmem:$0x1EA00] =	vst v63  }
0x11: {  	_ =	swait.ge [sflag:s8], $0x2800  }
0x12: {  	[sflag:s8] =	ssyncset.done $0x0  }
0x13: {  	[sflag:s8] =	ssyncadd.s32 $0xFFFFD800  }
0x14: {  	[spmem:s10], [sflag:s9] =	dma.local [hbm:s6], $0x2800  }
0x15: {  	_ =	swait.ge [sflag:s8], $0x2800  }
0x16: {  	[sflag:s8] =	ssyncset.done $0x0  }
0x17: {  	[sflag:s8] =	ssyncadd.s32 $0xFFFFD800  }
0x18: {  	[bflag:$0x0] =	sbarrier.arrive $0xFFFF  }
0x19: {  	v0 =	vld [tilespmem:$0x0];
	_ =	sdelay $0x1  }
0x1a: {  	v1 =	vld [tilespmem:$0x10];
	_ =	sdelay $0x1  }
0x1b: {  	v2 =	vld [tilespmem:$0x20]  }
0x1c: {  	v3 =	vand.u32 $0xFFFF, v0  }
0x1d: {  	v6 =	vld [tilespmem:$0x30];
	v0 =	vshrl.u32 v0, $0x10;
	[tilespmem:$0x2800] =	vst v3  }
0x1e: {  	v7 =	vand.u32 $0xFFFF, v1;
	[tilespmem:$0x2880] =	vst v0  }
0x1f: {  	v9 =	vld [tilespmem:$0x40];
	v8 =	vshrl.u32 v1, $0x10;
	[tilespmem:$0x2810] =	vst v7  }
0x20: {  	v10 =	vand.u32 $0xFFFF, v2;
	[tilespmem:$0x2890] =	vst v8  }
0x21: {  	v12 =	vld [tilespmem:$0x50];
	v11 =	vshrl.u32 v2, $0x10;
	[tilespmem:$0x2820] =	vst v10  }
0x22: {  	v13 =	vand.u32 $0xFFFF, v6;
	[tilespmem:$0x28A0] =	vst v11  }
0x23: {  	v15 =	vld [tilespmem:$0x60];
	v14 =	vshrl.u32 v6, $0x10;
	[tilespmem:$0x2830] =	vst v13  }
0x24: {  	v16 =	vand.u32 $0xFFFF, v9;
	[tilespmem:$0x28B0] =	vst v14  }
0x25: {  	v18 =	vld [tilespmem:$0x70];
	v17 =	vshrl.u32 v9, $0x10;
	[tilespmem:$0x2840] =	vst v16  }
0x26: {  	v19 =	vand.u32 $0xFFFF, v12;
	[tilespmem:$0x28C0] =	vst v17  }
0x27: {  	v20 =	vshrl.u32 v12, $0x10;
	[tilespmem:$0x2850] =	vst v19  }
0x28: {  	v21 =	vand.u32 $0xFFFF, v15;
	[tilespmem:$0x28D0] =	vst v20  }
0x29: {  	v22 =	vshrl.u32 v15, $0x10;
	[tilespmem:$0x2860] =	vst v21  }
0x2a: {  	v23 =	vand.u32 $0xFFFF, v18;
	[tilespmem:$0x28E0] =	vst v22  }
0x2b: {  	v24 =	vshrl.u32 v18, $0x10;
	[tilespmem:$0x2870] =	vst v23  }
0x2c: {  	[tilespmem:$0x28F0] =	vst v24  }
0x2d: {  	[tilespmem:s13], [sflag:$0x1] =	stream.indirect.gather [hbm4b:s1+s11], $0x80, s12, s11, $0xb8;
	[tilespmem:$0x1EA00] =	vst v63  }
0x2e: {  	v25 =	vld [tilespmem:$0x80];
	_ =	sdelay $0x1  }
0x2f: {  	v26 =	vld [tilespmem:$0x90];
	_ =	sdelay $0x1  }
0x30: {  	v27 =	vld [tilespmem:$0xA0]  }
0x31: {  	v28 =	vand.u32 $0xFFFF, v25  }
0x32: {  	v29 =	vld [tilespmem:$0xB0];
	v0 =	vshrl.u32 v25, $0x10;
	[tilespmem:$0x2900] =	vst v28  }
0x33: {  	v30 =	vand.u32 $0xFFFF, v26;
	[tilespmem:$0x2980] =	vst v0  }
0x34: {  	v32 =	vld [tilespmem:$0xC0];
	v31 =	vshrl.u32 v26, $0x10;
	[tilespmem:$0x2910] =	vst v30  }
0x35: {  	v33 =	vand.u32 $0xFFFF, v27;
	[tilespmem:$0x2990] =	vst v31  }
0x36: {  	v35 =	vld [tilespmem:$0xD0];
	v34 =	vshrl.u32 v27, $0x10;
	[tilespmem:$0x2920] =	vst v33  }
0x37: {  	v36 =	vand.u32 $0xFFFF, v29;
	[tilespmem:$0x29A0] =	vst v34  }
0x38: {  	v38 =	vld [tilespmem:$0xE0];
	v37 =	vshrl.u32 v29, $0x10;
	[tilespmem:$0x2930] =	vst v36  }
0x39: {  	v39 =	vand.u32 $0xFFFF, v32;
	[tilespmem:$0x29B0] =	vst v37  }
0x3a: {  	v41 =	vld [tilespmem:$0xF0];
	v40 =	vshrl.u32 v32, $0x10;
	[tilespmem:$0x2940] =	vst v39  }
0x3b: {  	v42 =	vand.u32 $0xFFFF, v35;
	[tilespmem:$0x29C0] =	vst v40  }
0x3c: {  	v43 =	vshrl.u32 v35, $0x10;
	[tilespmem:$0x2950] =	vst v42  }
0x3d: {  	v44 =	vand.u32 $0xFFFF, v38;
	[tilespmem:$0x29D0] =	vst v43  }
0x3e: {  	v45 =	vshrl.u32 v38, $0x10;
	[tilespmem:$0x2960] =	vst v44  }
0x3f: {  	v46 =	vand.u32 $0xFFFF, v41;
	[tilespmem:$0x29E0] =	vst v45  }
0x40: {  	v47 =	vshrl.u32 v41, $0x10;
	[tilespmem:$0x2970] =	vst v46  }
0x41: {  	[tilespmem:$0x29F0] =	vst v47  }
0x42: {  	[tilespmem:s15], [sflag:$0x2] =	stream.indirect.gather [hbm4b:s1+s11], $0x80, s14, s11, $0xb8;
	[tilespmem:$0x1EA00] =	vst v63  }
0x43: {  	_ =	swait.ge [sflag:s16], $0x4000  }
0x44: {  	[sflag:s16] =	ssyncset.done $0x0  }
0x45: {  	[sflag:s16] =	ssyncadd.s32 $0xFFFFC000  }
0x46: {  	[spmem:s3] =	stream.indirect.scatter.add.f32 [tilespmem:s13], [sflag:$0x3], $0x80, s17, s11, $0xb8;
	[tilespmem:$0x1EA00] =	vst v63  }
0x47: {  	_ =	swait.ge [sflag:s8], $0x4000  }
0x48: {  	[sflag:s8] =	ssyncset.done $0x0  }
0x49: {  	s22 =	simm.s32 $0x1F0;
	[sflag:s8] =	ssyncadd.s32 $0xFFFFC000  }
0x4a: {  	v48 =	vld [tilespmem:s22+$0xFFFFFF10];
	_ =	sdelay $0x4  }
0x4b: {  	v49 =	vand.u32 $0xFFFF, v48  }
0x4c: {  	v0 =	vshrl.u32 v48, $0x10;
	[tilespmem:$0x2800] =	vst v49  }
0x4d: {  	[tilespmem:$0x2880] =	vst v0  }
0x4e: {  	v0 =	vld [tilespmem:s22+$0xFFFFFF20];
	_ =	sdelay $0x4  }
0x4f: {  	v50 =	vand.u32 $0xFFFF, v0  }
0x50: {  	v0 =	vshrl.u32 v0, $0x10;
	[tilespmem:$0x2810] =	vst v50  }
0x51: {  	[tilespmem:$0x2890] =	vst v0  }
0x52: {  	v0 =	vld [tilespmem:s22+$0xFFFFFF30];
	_ =	sdelay $0x4  }
0x53: {  	v51 =	vand.u32 $0xFFFF, v0  }
0x54: {  	v0 =	vshrl.u32 v0, $0x10;
	[tilespmem:$0x2820] =	vst v51  }
0x55: {  	[tilespmem:$0x28A0] =	vst v0  }
0x56: {  	v0 =	vld [tilespmem:s22+$0xFFFFFF40];
	_ =	sdelay $0x4  }
0x57: {  	v52 =	vand.u32 $0xFFFF, v0  }
0x58: {  	v0 =	vshrl.u32 v0, $0x10;
	[tilespmem:$0x2830] =	vst v52  }
0x59: {  	[tilespmem:$0x28B0] =	vst v0  }
0x5a: {  	v0 =	vld [tilespmem:s22+$0xFFFFFF50];
	_ =	sdelay $0x4  }
0x5b: {  	v53 =	vand.u32 $0xFFFF, v0  }
0x5c: {  	v0 =	vshrl.u32 v0, $0x10;
	[tilespmem:$0x2840] =	vst v53  }
0x5d: {  	[tilespmem:$0x28C0] =	vst v0  }
0x5e: {  	v0 =	vld [tilespmem:s22+$0xFFFFFF60];
	_ =	sdelay $0x4  }
0x5f: {  	v54 =	vand.u32 $0xFFFF, v0  }
0x60: {  	v0 =	vshrl.u32 v0, $0x10;
	[tilespmem:$0x2850] =	vst v54  }
0x61: {  	[tilespmem:$0x28D0] =	vst v0  }
0x62: {  	v0 =	vld [tilespmem:s22+$0xFFFFFF70];
	_ =	sdelay $0x4  }
0x63: {  	v55 =	vand.u32 $0xFFFF, v0  }
0x64: {  	v0 =	vshrl.u32 v0, $0x10;
	[tilespmem:$0x2860] =	vst v55  }
0x65: {  	[tilespmem:$0x28E0] =	vst v0  }
0x66: {  	v0 =	vld [tilespmem:s22+$0xFFFFFF80];
	_ =	sdelay $0x4  }
0x67: {  	v56 =	vand.u32 $0xFFFF, v0  }
0x68: {  	v0 =	vshrl.u32 v0, $0x10;
	[tilespmem:$0x2870] =	vst v56  }
0x69: {  	[tilespmem:$0x28F0] =	vst v0  }
0x6a: {  	[tilespmem:s13], [sflag:$0x1] =	stream.indirect.gather [hbm4b:s1+s11], $0x80, s12, s11, $0xb8;
	[tilespmem:$0x1EA00] =	vst v63  }
0x6b: {  	_ =	swait.ge [sflag:s18], $0x4000  }
0x6c: {  	[sflag:s18] =	ssyncset.done $0x0  }
0x6d: {  	[sflag:s18] =	ssyncadd.s32 $0xFFFFC000  }
0x6e: {  	[spmem:s3] =	stream.indirect.scatter.add.f32 [tilespmem:s15], [sflag:$0x3], $0x80, s19, s11, $0xb8;
	[tilespmem:$0x1EA00] =	vst v63  }
0x6f: {  	_ =	swait.ge [sflag:s8], $0x4000  }
0x70: {  	[sflag:s8] =	ssyncset.done $0x0  }
0x71: {  	[sflag:s8] =	ssyncadd.s32 $0xFFFFC000  }
0x72: {  	v57 =	vld [tilespmem:s22+$0xFFFFFF90];
	_ =	sdelay $0x4  }
0x73: {  	v58 =	vand.u32 $0xFFFF, v57  }
0x74: {  	v0 =	vshrl.u32 v57, $0x10;
	[tilespmem:$0x2900] =	vst v58  }
0x75: {  	[tilespmem:$0x2980] =	vst v0  }
0x76: {  	v0 =	vld [tilespmem:s22+$0xFFFFFFA0];
	_ =	sdelay $0x4  }
0x77: {  	v59 =	vand.u32 $0xFFFF, v0  }
0x78: {  	v0 =	vshrl.u32 v0, $0x10;
	[tilespmem:$0x2910] =	vst v59  }
0x79: {  	[tilespmem:$0x2990] =	vst v0  }
0x7a: {  	v0 =	vld [tilespmem:s22+$0xFFFFFFB0];
	_ =	sdelay $0x4  }
0x7b: {  	v60 =	vand.u32 $0xFFFF, v0  }
0x7c: {  	v0 =	vshrl.u32 v0, $0x10;
	[tilespmem:$0x2920] =	vst v60  }
0x7d: {  	[tilespmem:$0x29A0] =	vst v0  }
0x7e: {  	v0 =	vld [tilespmem:s22+$0xFFFFFFC0];
	_ =	sdelay $0x4  }
0x7f: {  	v61 =	vand.u32 $0xFFFF, v0  }
0x80: {  	v0 =	vshrl.u32 v0, $0x10;
	[tilespmem:$0x2930] =	vst v61  }
0x81: {  	[tilespmem:$0x29B0] =	vst v0  }
0x82: {  	v0 =	vld [tilespmem:s22+$0xFFFFFFD0];
	_ =	sdelay $0x4  }
0x83: {  	v62 =	vand.u32 $0xFFFF, v0  }
0x84: {  	v0 =	vshrl.u32 v0, $0x10;
	[tilespmem:$0x2940] =	vst v62  }
0x85: {  	[tilespmem:$0x29C0] =	vst v0  }
0x86: {  	v0 =	vld [tilespmem:s22+$0xFFFFFFE0];
	_ =	sdelay $0x4  }
0x87: {  	v63 =	vand.u32 $0xFFFF, v0  }
0x88: {  	v0 =	vshrl.u32 v0, $0x10;
	[tilespmem:$0x2950] =	vst v63  }
0x89: {  	s23 =	simm.s32 $0xBC0;
	[tilespmem:$0x29D0] =	vst v0  }
.LBB2_2:
0x8a: {  	p0 =	sne.s32 s23, $0x9FC0;
	v0 =	vld [tilespmem:s22+$0xFFFFFFF0];
	s24 =	smov.u32 s23;
	s23 =	sadd.s32 $0x400, s23  }
0x8b: {  	_ =	sdelay $0x3  }
0x8c: {  	v1 =	vand.u32 $0xFFFF, v0;
	v0 =	vshrl.u32 v0, $0x10  }
0x8d: {  	[tilespmem:$0x2960] =	vst v1  }
0x8e: {  	[tilespmem:$0x29E0] =	vst v0  }
0x8f: {  	v0 =	vld [tilespmem:s22+$0x0];
	_ =	sdelay $0x4  }
0x90: {  	v1 =	vand.u32 $0xFFFF, v0;
	v0 =	vshrl.u32 v0, $0x10  }
0x91: {  	[tilespmem:$0x2970] =	vst v1  }
0x92: {  	[tilespmem:$0x29F0] =	vst v0  }
0x93: {  	[tilespmem:s15], [sflag:$0x2] =	stream.indirect.gather [hbm4b:s1+s11], $0x80, s14, s11, $0xb8;
	[tilespmem:$0x1EA00] =	vst v63  }
0x94: {  	_ =	swait.ge [sflag:s16], $0x4000  }
0x95: {  	[sflag:s16] =	ssyncset.done $0x0  }
0x96: {  	[sflag:s16] =	ssyncadd.s32 $0xFFFFC000  }
0x97: {  	[spmem:s3] =	stream.indirect.scatter.add.f32 [tilespmem:s13], [sflag:$0x3], $0x80, s17, s11, $0xb8;
	[tilespmem:$0x1EA00] =	vst v63  }
0x98: {  	_ =	swait.ge [sflag:s8], $0x4000  }
0x99: {  	[sflag:s8] =	ssyncset.done $0x0  }
0x9a: {  	s22 =	sshra.s32 s24, $0x2;
	[sflag:s8] =	ssyncadd.s32 $0xFFFFC000  }
0x9b: {  	v0 =	vld [tilespmem:s22+$0xFFFFFF10];
	_ =	sdelay $0x4  }
0x9c: {  	v1 =	vand.u32 $0xFFFF, v0;
	v0 =	vshrl.u32 v0, $0x10  }
0x9d: {  	[tilespmem:$0x2800] =	vst v1  }
0x9e: {  	[tilespmem:$0x2880] =	vst v0  }
0x9f: {  	v0 =	vld [tilespmem:s22+$0xFFFFFF20];
	_ =	sdelay $0x4  }
0xa0: {  	v1 =	vand.u32 $0xFFFF, v0;
	v0 =	vshrl.u32 v0, $0x10  }
0xa1: {  	[tilespmem:$0x2810] =	vst v1  }
0xa2: {  	[tilespmem:$0x2890] =	vst v0  }
0xa3: {  	v0 =	vld [tilespmem:s22+$0xFFFFFF30];
	_ =	sdelay $0x4  }
0xa4: {  	v1 =	vand.u32 $0xFFFF, v0;
	v0 =	vshrl.u32 v0, $0x10  }
0xa5: {  	[tilespmem:$0x2820] =	vst v1  }
0xa6: {  	[tilespmem:$0x28A0] =	vst v0  }
0xa7: {  	v0 =	vld [tilespmem:s22+$0xFFFFFF40];
	_ =	sdelay $0x4  }
0xa8: {  	v1 =	vand.u32 $0xFFFF, v0;
	v0 =	vshrl.u32 v0, $0x10  }
0xa9: {  	[tilespmem:$0x2830] =	vst v1  }
0xaa: {  	[tilespmem:$0x28B0] =	vst v0  }
0xab: {  	v0 =	vld [tilespmem:s22+$0xFFFFFF50];
	_ =	sdelay $0x4  }
0xac: {  	v1 =	vand.u32 $0xFFFF, v0;
	v0 =	vshrl.u32 v0, $0x10  }
0xad: {  	[tilespmem:$0x2840] =	vst v1  }
0xae: {  	[tilespmem:$0x28C0] =	vst v0  }
0xaf: {  	v0 =	vld [tilespmem:s22+$0xFFFFFF60];
	_ =	sdelay $0x4  }
0xb0: {  	v1 =	vand.u32 $0xFFFF, v0;
	v0 =	vshrl.u32 v0, $0x10  }
0xb1: {  	[tilespmem:$0x2850] =	vst v1  }
0xb2: {  	[tilespmem:$0x28D0] =	vst v0  }
0xb3: {  	v0 =	vld [tilespmem:s22+$0xFFFFFF70];
	_ =	sdelay $0x4  }
0xb4: {  	v1 =	vand.u32 $0xFFFF, v0;
	v0 =	vshrl.u32 v0, $0x10  }
0xb5: {  	[tilespmem:$0x2860] =	vst v1  }
0xb6: {  	[tilespmem:$0x28E0] =	vst v0  }
0xb7: {  	v0 =	vld [tilespmem:s22+$0xFFFFFF80];
	_ =	sdelay $0x4  }
0xb8: {  	v1 =	vand.u32 $0xFFFF, v0;
	v0 =	vshrl.u32 v0, $0x10  }
0xb9: {  	[tilespmem:$0x2870] =	vst v1  }
0xba: {  	[tilespmem:$0x28F0] =	vst v0  }
0xbb: {  	[tilespmem:s13], [sflag:$0x1] =	stream.indirect.gather [hbm4b:s1+s11], $0x80, s12, s11, $0xb8;
	[tilespmem:$0x1EA00] =	vst v63  }
0xbc: {  	_ =	swait.ge [sflag:s18], $0x4000  }
0xbd: {  	[sflag:s18] =	ssyncset.done $0x0  }
0xbe: {  	[sflag:s18] =	ssyncadd.s32 $0xFFFFC000  }
0xbf: {  	[spmem:s3] =	stream.indirect.scatter.add.f32 [tilespmem:s15], [sflag:$0x3], $0x80, s19, s11, $0xb8;
	[tilespmem:$0x1EA00] =	vst v63  }
0xc0: {  	_ =	swait.ge [sflag:s8], $0x4000  }
0xc1: {  	[sflag:s8] =	ssyncset.done $0x0  }
0xc2: {  	[sflag:s8] =	ssyncadd.s32 $0xFFFFC000  }
0xc3: {  	v0 =	vld [tilespmem:s22+$0xFFFFFF90];
	_ =	sdelay $0x4  }
0xc4: {  	v1 =	vand.u32 $0xFFFF, v0;
	v0 =	vshrl.u32 v0, $0x10  }
0xc5: {  	[tilespmem:$0x2900] =	vst v1  }
0xc6: {  	[tilespmem:$0x2980] =	vst v0  }
0xc7: {  	v0 =	vld [tilespmem:s22+$0xFFFFFFA0];
	_ =	sdelay $0x4  }
0xc8: {  	v1 =	vand.u32 $0xFFFF, v0;
	v0 =	vshrl.u32 v0, $0x10  }
0xc9: {  	[tilespmem:$0x2910] =	vst v1  }
0xca: {  	[tilespmem:$0x2990] =	vst v0  }
0xcb: {  	v0 =	vld [tilespmem:s22+$0xFFFFFFB0];
	_ =	sdelay $0x4  }
0xcc: {  	v1 =	vand.u32 $0xFFFF, v0;
	v0 =	vshrl.u32 v0, $0x10  }
0xcd: {  	[tilespmem:$0x2920] =	vst v1  }
0xce: {  	[tilespmem:$0x29A0] =	vst v0  }
0xcf: {  	v0 =	vld [tilespmem:s22+$0xFFFFFFC0];
	_ =	sdelay $0x4  }
0xd0: {  	v1 =	vand.u32 $0xFFFF, v0;
	v0 =	vshrl.u32 v0, $0x10  }
0xd1: {  	[tilespmem:$0x2930] =	vst v1  }
0xd2: {  	[tilespmem:$0x29B0] =	vst v0  }
0xd3: {  	v0 =	vld [tilespmem:s22+$0xFFFFFFD0];
	_ =	sdelay $0x4  }
0xd4: {  	v1 =	vand.u32 $0xFFFF, v0;
	v0 =	vshrl.u32 v0, $0x10  }
0xd5: {  	[tilespmem:$0x2940] =	vst v1  }
0xd6: {  	[tilespmem:$0x29C0] =	vst v0  }
0xd7: {  	v0 =	vld [tilespmem:s22+$0xFFFFFFE0];
	_ =	sdelay $0x2  }
.Ltmp0:
0xd8: {  	(pc) =	sbr.rel @p0 .LBB2_2-.Ltmp0, $4  }
0xd9: {  	_ = 	snop  }
0xda: {  	v1 =	vand.u32 $0xFFFF, v0;
	v0 =	vshrl.u32 v0, $0x10  }
0xdb: {  	[tilespmem:$0x2950] =	vst v1  }
0xdc: {  	[tilespmem:$0x29D0] =	vst v0  }
0xdd: {  	v0 =	vld [tilespmem:s22+$0xFFFFFFF0];
	_ =	sdelay $0x4  }
0xde: {  	v1 =	vand.u32 $0xFFFF, v0  }
0xdf: {  	v0 =	vshrl.u32 v0, $0x10;
	[tilespmem:$0x2960] =	vst v1  }
0xe0: {  	[tilespmem:$0x29E0] =	vst v0  }
0xe1: {  	v0 =	vld [tilespmem:s22+$0x0];
	_ =	sdelay $0x4  }
0xe2: {  	v63 =	vand.u32 $0xFFFF, v0  }
0xe3: {  	v0 =	vshrl.u32 v0, $0x10;
	[tilespmem:$0x2970] =	vst v63  }
0xe4: {  	[tilespmem:$0x29F0] =	vst v0  }
0xe5: {  	[tilespmem:s15], [sflag:$0x2] =	stream.indirect.gather [hbm4b:s1+s11], $0x80, s14, s11, $0xb8;
	[tilespmem:$0x1EA00] =	vst v63  }
0xe6: {  	_ =	swait.ge [sflag:s16], $0x4000  }
0xe7: {  	[sflag:s16] =	ssyncset.done $0x0  }
0xe8: {  	[sflag:s16] =	ssyncadd.s32 $0xFFFFC000  }
0xe9: {  	[spmem:s3] =	stream.indirect.scatter.add.f32 [tilespmem:s13], [sflag:$0x3], $0x80, s17, s11, $0xb8;
	[tilespmem:$0x1EA00] =	vst v63  }
0xea: {  	_ =	swait.ge [sflag:s8], $0x4000  }
0xeb: {  	[sflag:s8] =	ssyncset.done $0x0  }
0xec: {  	[sflag:s8] =	ssyncadd.s32 $0xFFFFC000  }
0xed: {  	_ =	swait.ge [sflag:s18], $0x4000  }
0xee: {  	[sflag:s18] =	ssyncset.done $0x0  }
0xef: {  	[sflag:s18] =	ssyncadd.s32 $0xFFFFC000  }
0xf0: {  	[spmem:s3] =	stream.indirect.scatter.add.f32 [tilespmem:s15], [sflag:$0x3], $0x80, s19, s11, $0xb8;
	[tilespmem:$0x1EA00] =	vst v63  }
0xf1: {  	_ =	swait.ge [sflag:s8], $0x4000  }
0xf2: {  	s21 =	sadd.s32 $0x1, s21;
	[sflag:s8] =	ssyncset.done $0x0  }
0xf3: {  	p0 =	sne.s32 s21, s7;
	[sflag:s8] =	ssyncadd.s32 $0xFFFFC000  }
.Ltmp1:
0xf4: {  	[bflag:$0x0] =	sbarrier.arrive $0xFFFF;
	(pc) =	sbr.rel @p0 .LBB2_1-.Ltmp1, $4  }
0xf5: {  	[hbm:s20], [sflag:s9] =	dma.local [spmem:s10], $0x2800  }
0xf6: {  	_ =	swait.ge [sflag:s8], $0x2800  }
0xf7: {  	[sflag:s8] =	ssyncset.done $0x0  }
0xf8: {  	[sflag:s8] =	ssyncadd.s32 $0xFFFFD800  }
0xf9: {  	_ =	sfence.sel $0x180000  }
0xfa: {  	[bflag:$0x0] =	sbarrier.arrive $0xFFFF  }
0xfb: {  	p0 =	sne.s32 s0, $0x0;
	_ =	strace $0x9000004D  }
0xfc: {  	s0 =	sadd.s32 @!p0 $0x100000, s2;
	[bflag:$0x2] =	sbarrier.arrive $0xFFFF  }
0xfd: {  	[sflag:s0] =	ssyncadd.tile.s32 @!p0 $0x1;
	_ =	shalt  }
.Lfunc_end2:
_tile_overlayer_lowered:
.L_overlay_start_2:
0xfe: {  	(tag) =	ssettag $0x2  }
0xff: {  	s0 =	rddreg [dreg:$0x0];
	s2 =	stileid.u32  }
0x100: {  	s1 =	rddreg [dreg:$0x1];
	p0 =	sne.s32 s2, $0x0  }
0x101: {  	s3 =	rddreg [dreg:$0x2];
	[bflag:$0x3] =	sbarrier.arrive $0xFFFF;
	s2 =	simm.s32 @!p0 $0x1C03  }
0x102: {  	[timem:s3], [sflag:s2] =	dma.local @!p0 [hbm:s0], s1  }
0x103: {  	s0 =	simm.s32 @!p0 $0x3  }
0x104: {  	_ =	swait.ge @!p0 [sflag:s0], s1  }
0x105: {  	s1 =	ssub.s32 @!p0 $0x0, s1;
	[sflag:s0] =	ssyncset.done @!p0 $0x0  }
0x106: {  	[sflag:s0] =	ssyncadd.s32 @!p0 s1  }
0x107: {  	[bflag:$0x3] =	sbarrier.arrive $0xFFFF  }
0x108: {  	_ =	shalt  }

// kernel: kernel.8.cloned.1.call-start
scs
__scs_entry_jumppad:
0x0: {  	(pc) =	sbr.rel $0x88, $3  }
0x1: {  	(tag) =	ssettag $0x0;
	lr =	simm.s32 $0x1  }
0x2: {  	[smem:$0x3F9B] =	sst lr;
	_ =	strace $0xD0000000  }
0x3: {  	_ = 	snop  }
0x4: {  	_ = 	snop  }
0x5: {  	_ = 	snop  }
0x6: {  	_ = 	snop  }
0x7: {  	_ = 	snop  }
__scs_overlays_trampoline_lowered:
0x8: {  	[smem:$0x3FAA] =	sst s0  }
0x9: {  	[smem:$0x3FAB] =	sst s1  }
0xa: {  	[smem:$0x3FAC] =	sst s2  }
0xb: {  	[smem:$0x3FAD] =	sst s3  }
0xc: {  	[smem:$0x3FAE] =	sst s4  }
0xd: {  	[smem:$0x3FAF] =	sst s5  }
0xe: {  	[smem:$0x3FB0] =	sst s6  }
0xf: {  	[smem:$0x3FB1] =	sst s7  }
0x10: {  	[smem:$0x3FB2] =	sst s8  }
0x11: {  	[smem:$0x3FB3] =	sst s9;
	s0 =	simm.s32 @!p0 $0x0  }
0x12: {  	s1 =	sld [smem:$0x3F99];
	s0 =	simm.s32 @p0 $0x1  }
0x13: {  	[smem:$0x3FB4] =	sst s0;
	s0 =	simm.s32 @!p1 $0x0  }
0x14: {  	s2 =	sld [smem:$0x3F98];
	s0 =	simm.s32 @p1 $0x1  }
0x15: {  	[smem:$0x3FB5] =	sst s0;
	s0 =	simm.s32 @!p2 $0x0  }
0x16: {  	s3 =	sld [smem:$0x3FDB];
	s0 =	simm.s32 @p2 $0x1  }
0x17: {  	s4 =	simm.s32 $0x1BF5;
	[smem:$0x3FB7] =	sst s0  }
0x18: {  	s0 =	sld [smem:$0x3F9A];
	_ =	swait.ge [sflag:s4], $0x0  }
0x19: {  	s7 =	sld [smem:$0x3F9B]  }
0x1a: {  	s8 =	sadd.s32 $0xFFFFE003, lr  }
0x1b: {  	s9 =	sadd.s32 $0xFFFFFEF7, lr;
	s5 =	simm.s32 $0xFFFFFFFF;
	p2 =	slt.u32 s8, $0xFFFFF086  }
0x1c: {  	p1 =	slt.u32 s9, $0xF7A;
	s5 =	simm.s32 @!p2 $0x0  }
0x1d: {  	s5 =	simm.s32 @p1 $0x1;
	p0 =	seq.s32 s7, s2  }
0x1e: {  	s7 =	smul.u32 @!p0 $0xF7A, s2;
	p2 =	seq.s32 @!p0 s5, $0x0  }
0x1f: {  	s9 =	smul.u32 $0xF7A, s1;
	s8 =	simm.s32 @!p0 $0x1BF5;
	p2 =	por !p2, p0  }
0x20: {  	[sflag:s8] =	ssyncset.s32 @!p0 $0xFFFFF086;
	s6 =	sadd.s32 @!p0 s3, s7;
	s7 =	simm.s32 @!p0 $0x108  }
0x21: {  	s3 =	sadd.s32 s3, s9;
	s6 =	sadd.s32 @!p0 $0x88, s6;
	s7 =	simm.s32 @p2 $0x1082  }
0x22: {  	[simem:s7], [sflag:s8] =	dma.local @!p0 [hbm:s6], $0xF7A  }
0x23: {  	s9 =	sor.u32 $0xD0000000, s2;
	s6 =	simm.s32 $0x108;
	_ =	swait.ge @!p0 [sflag:s8], $0x0  }
0x24: {  	s3 =	sadd.s32 $0x88, s3;
	s6 =	simm.s32 @!p1 $0x1082;
	[sflag:s4] =	ssyncset.s32 $0xFFFFF086  }
0x25: {  	[simem:s6], [sflag:s4] =	dma.local [hbm:s3], $0xF7A  }
0x26: {  	[smem:$0x3F9B] =	sst s1;
	(tag) =	ssettag s2;
	_ =	strace s9  }
0x27: {  	s1 =	sld [smem:$0x3FAB]  }
0x28: {  	s2 =	sld [smem:$0x3FAC]  }
0x29: {  	s4 =	sld [smem:$0x3FAE]  }
0x2a: {  	p0 =	seq.s32 s5, $0x0;
	s5 =	sld [smem:$0x3FAF]  }
0x2b: {  	s6 =	sld [smem:$0x3FB0]  }
0x2c: {  	s7 =	sld [smem:$0x3FB1]  }
0x2d: {  	s3 =	simm.s32 $0x108;
	s8 =	sld [smem:$0x3FB2]  }
0x2e: {  	s3 =	simm.s32 @!p0 $0x1082;
	s9 =	sld [smem:$0x3FB3]  }
0x2f: {  	lr =	sadd.s32 s0, s3;
	s0 =	sld [smem:$0x3FAA]  }
0x30: {  	s3 =	sld [smem:$0x3FAD]  }
0x31: {  	[smem:$0x3FB6] =	sst s10  }
0x32: {  	s10 =	sld [smem:$0x3FB4];
	_ =	sdelay $0x3  }
0x33: {  	p0 =	seq.s32 s10, $0x1;
	s10 =	sld [smem:$0x3FB6];
	_ =	sdelay $0x3  }
0x34: {  	[smem:$0x3FB6] =	sst s10  }
0x35: {  	s10 =	sld [smem:$0x3FB5];
	_ =	sdelay $0x3  }
0x36: {  	p1 =	seq.s32 s10, $0x1;
	s10 =	sld [smem:$0x3FB6];
	_ =	sdelay $0x3  }
0x37: {  	[smem:$0x3FB6] =	sst s10  }
0x38: {  	s10 =	sld [smem:$0x3FB7]  }
0x39: {  	_ = 	snop;
	(pc) =	sbr.ind lr, $3  }
0x3a: {  	_ = 	snop  }
0x3b: {  	_ = 	snop  }
0x3c: {  	p2 =	seq.s32 s10, $0x1;
	s10 =	sld [smem:$0x3FB6]  }
0x3d: {  	_ =	shalt  }
0x3e: {  	_ =	shalt  }
0x3f: {  	_ =	shalt  }
0x40: {  	_ =	shalt  }
0x41: {  	_ =	shalt  }
0x42: {  	_ =	shalt  }
0x43: {  	_ =	shalt  }
0x44: {  	_ =	shalt  }
0x45: {  	_ =	shalt  }
0x46: {  	_ =	shalt  }
0x47: {  	_ =	shalt  }
0x48: {  	_ =	shalt  }
0x49: {  	_ =	shalt  }
0x4a: {  	_ =	shalt  }
0x4b: {  	_ =	shalt  }
0x4c: {  	_ =	shalt  }
0x4d: {  	_ =	shalt  }
0x4e: {  	_ =	shalt  }
0x4f: {  	_ =	shalt  }
0x50: {  	_ =	shalt  }
0x51: {  	_ =	shalt  }
0x52: {  	_ =	shalt  }
0x53: {  	_ =	shalt  }
0x54: {  	_ =	shalt  }
0x55: {  	_ =	shalt  }
0x56: {  	_ =	shalt  }
0x57: {  	_ =	shalt  }
0x58: {  	_ =	shalt  }
0x59: {  	_ =	shalt  }
0x5a: {  	_ =	shalt  }
0x5b: {  	_ =	shalt  }
0x5c: {  	_ =	shalt  }
0x5d: {  	_ =	shalt  }
0x5e: {  	_ =	shalt  }
0x5f: {  	_ =	shalt  }
0x60: {  	_ =	shalt  }
0x61: {  	_ =	shalt  }
0x62: {  	_ =	shalt  }
0x63: {  	_ =	shalt  }
0x64: {  	_ =	shalt  }
0x65: {  	_ =	shalt  }
0x66: {  	_ =	shalt  }
0x67: {  	_ =	shalt  }
0x68: {  	_ =	shalt  }
0x69: {  	_ =	shalt  }
0x6a: {  	_ =	shalt  }
0x6b: {  	_ =	shalt  }
0x6c: {  	_ =	shalt  }
0x6d: {  	_ =	shalt  }
0x6e: {  	_ =	shalt  }
0x6f: {  	_ =	shalt  }
0x70: {  	_ =	shalt  }
0x71: {  	_ =	shalt  }
0x72: {  	_ =	shalt  }
0x73: {  	_ =	shalt  }
0x74: {  	_ =	shalt  }
0x75: {  	_ =	shalt  }
0x76: {  	_ =	shalt  }
0x77: {  	_ =	shalt  }
0x78: {  	_ =	shalt  }
0x79: {  	_ =	shalt  }
0x7a: {  	_ =	shalt  }
0x7b: {  	_ =	shalt  }
0x7c: {  	_ =	shalt  }
0x7d: {  	_ =	shalt  }
0x7e: {  	_ =	shalt  }
0x7f: {  	_ =	shalt  }
0x80: {  	_ =	shalt  }
0x81: {  	_ =	shalt  }
0x82: {  	_ =	shalt  }
0x83: {  	_ =	shalt  }
0x84: {  	_ =	shalt  }
0x85: {  	_ =	shalt  }
0x86: {  	_ =	shalt  }
0x87: {  	_ =	shalt  }
.Lfunc_end0:
.L_simem_size_0:
called_computation_lowered:
.L_overlay_start_0:
0x88: {  	s2 =	sld [smem:$0x3FD9]  }
0x89: {  	s3 =	sld [smem:$0x3FFE];
	_ =	sdelay $0x1  }
0x8a: {  	s1 =	srdreg.scid  }
0x8b: {  	s0 =	sand.u32 $0x1, s1  }
0x8c: {  	s17 =	sshll.u32 s0, $0xA;
	s2 =	sadd.s32 s3, s2  }
0x8d: {  	s2 =	sadd.s32 s2, s17  }
0x8e: {  	[smem:$0x3FC2] =	sst s2  }
0x8f: {  	_ = 	snop  }
0x90: {  	s2 =	sld [smem:$0x3FD0];
	(tm) =	ssettm $0x1  }
0x91: {  	s18 =	sld [smem:$0x3FFB];
	_ =	sdelay $0x3  }
0x92: {  	_ =	strace s18  }
0x93: {  	s3 =	sld [smem:$0x3FFC];
	_ =	sdelay $0x3  }
0x94: {  	_ =	strace s3  }
0x95: {  	s3 =	sld [smem:$0x3FFD];
	_ =	sdelay $0x3  }
0x96: {  	_ =	strace s3  }
0x97: {  	_ =	strace $0x8FFFFFFF  }
0x98: {  	s19 =	sld [smem:$0x3FDB];
	_ =	sdelay $0x1  }
0x99: {  	s4 =	simm.s32 $_scs_section_size  }
0x9a: {  	s5 =	simm.s32 $_size__tile_overlayer_lowered;
	s6 =	simm.s32 $_tile_overlayer_lowered  }
0x9b: {  	s22 =	simm.s32 $0x1BFF;
	s21 =	sshll.u32 s6, $0x1;
	s3 =	sadd.s32 s4, s19  }
0x9c: {  	s7 =	simm.s32 $0x0;
	s20 =	sshll.u32 s5, $0x1;
	s5 =	sadd.s32 s21, s3  }
0x9d: {  	[timem:s7], [sflag:s22] =	dma.local [hbm:s5], s20  }
0x9e: {  	_ =	swait.ge [sflag:s22], s20  }
0x9f: {  	s4 =	ssub.s32 $0x0, s20;
	[sflag:s22] =	ssyncset.done $0x0  }
0xa0: {  	[sflag:s22] =	ssyncadd.s32 s4;
	_ =	sdelay $0x1  }
0xa1: {  	s23 =	simm.s32 $0x1B8B  }
0xa2: {  	_ =	swait.ge [sflag:s23], $0x1  }
0xa3: {  	[sflag:s23] =	ssyncset.done $0x0  }
0xa4: {  	s25 =	simm.s32 $0x1B8E;
	s24 =	sld [smem:$0x3FFE];
	[sflag:s23] =	ssyncadd.s32 $0xFFFFFFFF  }
0xa5: {  	s26 =	simm.s32 $execute0_lowered;
	[smem:$0x3FD2] =	sst s25  }
0xa6: {  	s5 =	sshll.u32 s26, $0x1;
	_ =	strace $0x80000046;
	[dreg:$0x1] =	wrdreg $0xFFFFFFFF  }
0xa7: {  	s28 =	simm.s32 $_size_execute0_lowered;
	s3 =	sadd.s32 s3, s5;
	[dreg:$0x0] =	wrdreg $0x0  }
0xa8: {  	s5 =	sshll.u32 s28, $0x1;
	[dreg:$0x2] =	wrdreg s3  }
0xa9: {  	[dreg:$0x3] =	wrdreg s5  }
0xaa: {  	[dreg:$0x4] =	wrdreg $0xC0  }
0xab: {  	_ =	task [dreg:s7], $0x5FFFF  }
0xac: {  	[dreg:$0x1] =	wrdreg $0xFFFFFFFF  }
0xad: {  	[dreg:$0x0] =	wrdreg $0x60  }
0xae: {  	[dreg:$0x2] =	wrdreg s24  }
0xaf: {  	[dreg:$0x3] =	wrdreg s2  }
0xb0: {  	[dreg:$0x4] =	wrdreg $0x29000  }
0xb1: {  	[dreg:$0x5] =	wrdreg $0x9  }
0xb2: {  	_ =	task.clear_ibuf [dreg:s7], $0x6FFFF;
	_ =	strace $0x90000046  }
0xb3: {  	s29 =	simm.s32 $0x9;
	_ =	strace $0x80000048  }
0xb4: {  	_ =	swait.ge [sflag:s29], $0x1  }
0xb5: {  	[sflag:s29] =	ssyncadd.s32 $0xFFFFFFFF  }
0xb6: {  	_ =	strace $0x90000048  }
0xb7: {  	_ =	sfence  }
0xb8: {  	s30 =	sld [smem:$0x0];
	_ =	sdelay $0x2  }
0xb9: {  	s31 =	sshll.u32 s1, $0xD;
	s1 =	sshrl.u32 s1, $0x2  }
0xba: {  	s3 =	sand.u32 $0x4000, s31;
	s1 =	sadd.s32 s1, s30  }
0xbb: {  	s0 =	sor.u32 s3, s0;
	s1 =	sshll.u32 s1, $0x11  }
0xbc: {  	s0 =	sor.u32 s1, s0  }
0xbd: {  	s0 =	sadd.s32 $0x8F2B, s0  }
0xbe: {  	[sflag:s0] =	ssyncadd.remote.s32 $0x1  }
0xbf: {  	_ =	sfence.sel $0xFFFF  }
0xc0: {  	[dreg:$0x0] =	wrdreg $0xFFFFFFFF;
	(pc) =	sbr.abs _section_cstart, $3  }
0xc1: {  	[dreg:$0x1] =	wrdreg $0xFFFFFFFF  }
0xc2: {  	_ =	task.clear_ibuf [dreg:s7], $0x2FFFF;
	_ =	strace $0x9FFFFFFF  }
0xc3: {  	(tm) =	ssettm $0x7FFFFFFF  }
tec
execute0_lowered:
.L_overlay_start_1:
0x0: {  	(tag) =	ssettag $0x1  }
0x1: {  	s5 =	rddreg [dreg:$0x0]  }
0x2: {  	s1 =	srdreg.scid;
	s7 =	rddreg [dreg:$0x1]  }
0x3: {  	s0 =	stileid.u32;
	s2 =	rddreg [dreg:$0x2];
	s3 =	simm.s32 $0x0  }
0x4: {  	s13 =	simm.s32 $0x2800;
	s16 =	simm.s32 $0x10;
	s17 =	simm.s32 $0x0  }
0x5: {  	s6 =	sand.u32 $0x1, s1;
	s1 =	rddreg [dreg:$0x3];
	s8 =	smul.u32 $0x280, s0  }
0x6: {  	s28 =	sshll.u32 s0, $0x1;
	[smem:$0x7FF] =	sst s3;
	s15 =	smul.u32 $0xA0, s0  }
0x7: {  	s31 =	sshll.u32 s0, $0x6;
	s4 =	sor.u32 s6, s28;
	_ =	strace $0x80000047  }
0x8: {  	s9 =	ssub.s32 $0x2, s6;
	s30 =	sshll.u32 s6, $0x4;
	s4 =	smul.u32 $0x500, s4  }
0x9: {  	s11 =	sshrl.u32 s8, $0x3;
	s12 =	sshrl.u32 s9, $0x1;
	s29 =	sadd.s32 s8, s2  }
0xa: {  	s14 =	sadd.s32 s7, s30;
	s8 =	simm.s32 $0x1;
	s11 =	sadd.s32 s11, s5  }
0xb: {  	s9 =	ssub.s32 s9, s12;
	s12 =	simm.s32 $0x80;
	s14 =	sadd.s32 s15, s14  }
0xc: {  	s15 =	simm.s32 $0x20;
	s10 =	sadd.s32 s4, s5;
	s4 =	sadd.s32 $0xC000, s5  }
0xd: {  	s6 =	sadd.s32 $0xC200, s11;
	s7 =	smax.u32 s9, $0x1;
	s9 =	simm.s32 $0x2880  }
0xe: {  	s11 =	sshrl.u32 s29, $0x3;
	s5 =	sadd.s32 $0x2000, s10;
	s10 =	sor.u32 $0x1C01, s31  }
.LBB2_1:
0xf: {  	[tilespmem:s3], [sflag:$0x1] =	stream.linear.gather [hbm4b:s5+s3], $0x2800, $0x38;
	[tilespmem:$0x2B80] =	vst v63  }
0x10: {  	_ =	swait.ge [sflag:s8], $0x2800  }
0x11: {  	[sflag:s8] =	ssyncset.done $0x0  }
0x12: {  	[sflag:s8] =	ssyncadd.s32 $0xFFFFD800  }
0x13: {  	[tilespmem:s9], [sflag:$0x1] =	stream.linear.gather [hbm4b:s4+s3], $0x80, $0x38;
	[tilespmem:$0x2B80] =	vst v63  }
0x14: {  	_ =	swait.ge [sflag:s8], $0x80  }
0x15: {  	[sflag:s8] =	ssyncset.done $0x0  }
0x16: {  	[sflag:s8] =	ssyncadd.s32 $0xFFFFFF80  }
0x17: {  	[spmem:s11], [sflag:s10] =	dma.local [hbm:s6], $0x50  }
0x18: {  	_ =	swait.ge [sflag:s8], $0x50  }
0x19: {  	[sflag:s8] =	ssyncset.done $0x0  }
0x1a: {  	[sflag:s8] =	ssyncadd.s32 $0xFFFFFFB0  }
0x1b: {  	s18 =	simm.s32 $0x0;
	[bflag:$0x0] =	sbarrier.arrive $0xFFFF  }
0x1c: {  	v0 =	vld [tilespmem:s18+$0x0];
	_ =	sdelay $0x4  }
0x1d: {  	v0 =	vshrl.u32 v0, $0x10  }
0x1e: {  	[tilespmem:$0x2800] =	vst v0  }
0x1f: {  	v0 =	vld [tilespmem:s18+$0x10];
	_ =	sdelay $0x4  }
0x20: {  	v0 =	vshrl.u32 v0, $0x10  }
0x21: {  	[tilespmem:$0x2810] =	vst v0  }
0x22: {  	v0 =	vld [tilespmem:s18+$0x20];
	_ =	sdelay $0x4  }
0x23: {  	v0 =	vshrl.u32 v0, $0x10  }
0x24: {  	[tilespmem:$0x2820] =	vst v0  }
0x25: {  	v0 =	vld [tilespmem:s18+$0x30];
	_ =	sdelay $0x4  }
0x26: {  	v0 =	vshrl.u32 v0, $0x10  }
0x27: {  	[tilespmem:$0x2830] =	vst v0  }
0x28: {  	v0 =	vld [tilespmem:s18+$0x40];
	_ =	sdelay $0x4  }
0x29: {  	v0 =	vshrl.u32 v0, $0x10  }
0x2a: {  	[tilespmem:$0x2840] =	vst v0  }
0x2b: {  	v0 =	vld [tilespmem:s18+$0x50];
	_ =	sdelay $0x4  }
0x2c: {  	v0 =	vshrl.u32 v0, $0x10  }
0x2d: {  	[tilespmem:$0x2850] =	vst v0  }
0x2e: {  	v0 =	vld [tilespmem:s18+$0x60];
	_ =	sdelay $0x4  }
0x2f: {  	v0 =	vshrl.u32 v0, $0x10  }
0x30: {  	[tilespmem:$0x2860] =	vst v0  }
0x31: {  	v0 =	vld [tilespmem:s18+$0x70];
	_ =	sdelay $0x4  }
0x32: {  	v0 =	vshrl.u32 v0, $0x10  }
0x33: {  	[tilespmem:$0x2870] =	vst v0  }
0x34: {  	[spmem:s2] =	stream.indirect.scatter.add.f32 [tilespmem:s9], [sflag:$0x1], $0x1, s13, s12, $0xb8;
	[tilespmem:$0x2B80] =	vst v63  }
0x35: {  	_ =	swait.ge [sflag:s8], $0x80  }
0x36: {  	s21 =	simm.s32 $0x400;
	s18 =	simm.s32 $0x200;
	[sflag:s8] =	ssyncset.done $0x0  }
.LBB2_2:
0x37: {  	s20 =	sshra.s32 s18, $0x2  }
0x38: {  	[sflag:s8] =	ssyncadd.s32 $0xFFFFFF80;
	s18 =	smov.u32 s21;
	s19 =	sadd.s32 $0x200, s21  }
0x39: {  	p0 =	sne.s32 s21, $0x9E00;
	v0 =	vld [tilespmem:s20+$0x0];
	_ =	sdelay $0x4  }
0x3a: {  	v0 =	vshrl.u32 v0, $0x10  }
0x3b: {  	[tilespmem:$0x2800] =	vst v0  }
0x3c: {  	v0 =	vld [tilespmem:s20+$0x10];
	_ =	sdelay $0x4  }
0x3d: {  	v0 =	vshrl.u32 v0, $0x10  }
0x3e: {  	[tilespmem:$0x2810] =	vst v0  }
0x3f: {  	v0 =	vld [tilespmem:s20+$0x20];
	_ =	sdelay $0x4  }
0x40: {  	v0 =	vshrl.u32 v0, $0x10  }
0x41: {  	[tilespmem:$0x2820] =	vst v0  }
0x42: {  	v0 =	vld [tilespmem:s20+$0x30];
	_ =	sdelay $0x4  }
0x43: {  	v0 =	vshrl.u32 v0, $0x10  }
0x44: {  	[tilespmem:$0x2830] =	vst v0  }
0x45: {  	v0 =	vld [tilespmem:s20+$0x40];
	_ =	sdelay $0x4  }
0x46: {  	v0 =	vshrl.u32 v0, $0x10  }
0x47: {  	[tilespmem:$0x2840] =	vst v0  }
0x48: {  	v0 =	vld [tilespmem:s20+$0x50];
	_ =	sdelay $0x4  }
0x49: {  	v0 =	vshrl.u32 v0, $0x10  }
0x4a: {  	[tilespmem:$0x2850] =	vst v0  }
0x4b: {  	v0 =	vld [tilespmem:s20+$0x60];
	_ =	sdelay $0x4  }
0x4c: {  	v0 =	vshrl.u32 v0, $0x10  }
0x4d: {  	[tilespmem:$0x2860] =	vst v0  }
0x4e: {  	v0 =	vld [tilespmem:s20+$0x70];
	_ =	sdelay $0x4  }
.Ltmp0:
0x4f: {  	v0 =	vshrl.u32 v0, $0x10;
	(pc) =	sbr.rel @p0 .LBB2_2-.Ltmp0, $4  }
0x50: {  	[tilespmem:$0x2870] =	vst v0  }
0x51: {  	[spmem:s2] =	stream.indirect.scatter.add.f32 [tilespmem:s9], [sflag:$0x1], $0x1, s13, s12, $0xb8;
	[tilespmem:$0x2B80] =	vst v63  }
0x52: {  	_ =	swait.ge [sflag:s8], $0x80  }
0x53: {  	s21 =	smov.u32 s19;
	[sflag:s8] =	ssyncset.done $0x0  }
0x54: {  	s18 =	sshra.s32 s18, $0x2;
	[sflag:s8] =	ssyncadd.s32 $0xFFFFFF80  }
0x55: {  	v0 =	vld [tilespmem:s18+$0x0];
	_ =	sdelay $0x4  }
0x56: {  	v0 =	vshrl.u32 v0, $0x10  }
0x57: {  	[tilespmem:$0x2800] =	vst v0  }
0x58: {  	v0 =	vld [tilespmem:s18+$0x10];
	_ =	sdelay $0x4  }
0x59: {  	v0 =	vshrl.u32 v0, $0x10  }
0x5a: {  	[tilespmem:$0x2810] =	vst v0  }
0x5b: {  	v0 =	vld [tilespmem:s18+$0x20];
	_ =	sdelay $0x4  }
0x5c: {  	v0 =	vshrl.u32 v0, $0x10  }
0x5d: {  	[tilespmem:$0x2820] =	vst v0  }
0x5e: {  	v0 =	vld [tilespmem:s18+$0x30];
	_ =	sdelay $0x4  }
0x5f: {  	v0 =	vshrl.u32 v0, $0x10  }
0x60: {  	[tilespmem:$0x2830] =	vst v0  }
0x61: {  	v0 =	vld [tilespmem:s18+$0x40];
	_ =	sdelay $0x4  }
0x62: {  	v0 =	vshrl.u32 v0, $0x10  }
0x63: {  	[tilespmem:$0x2840] =	vst v0  }
0x64: {  	v0 =	vld [tilespmem:s18+$0x50];
	_ =	sdelay $0x4  }
0x65: {  	v0 =	vshrl.u32 v0, $0x10  }
0x66: {  	[tilespmem:$0x2850] =	vst v0  }
0x67: {  	v0 =	vld [tilespmem:s18+$0x60];
	_ =	sdelay $0x4  }
0x68: {  	v0 =	vshrl.u32 v0, $0x10  }
0x69: {  	[tilespmem:$0x2860] =	vst v0  }
0x6a: {  	v0 =	vld [tilespmem:s18+$0x70];
	_ =	sdelay $0x4  }
0x6b: {  	v0 =	vshrl.u32 v0, $0x10  }
0x6c: {  	[tilespmem:$0x2870] =	vst v0  }
0x6d: {  	[spmem:s2] =	stream.indirect.scatter.add.f32 [tilespmem:s9], [sflag:$0x1], $0x1, s13, s12, $0xb8;
	[tilespmem:$0x2B80] =	vst v63  }
0x6e: {  	_ =	swait.ge [sflag:s8], $0x80  }
0x6f: {  	s17 =	sadd.s32 $0x1, s17;
	[sflag:s8] =	ssyncset.done $0x0  }
0x70: {  	p0 =	sne.s32 s17, s7;
	[sflag:s8] =	ssyncadd.s32 $0xFFFFFF80  }
.Ltmp1:
0x71: {  	[bflag:$0x0] =	sbarrier.arrive $0xFFFF;
	(pc) =	sbr.rel @p0 .LBB2_1-.Ltmp1, $4  }
0x72: {  	[hbm:s14@s15], [sflag:s10] =	dma.strided [spmem:s11@s16], $0x50, s8, $0x10   }
0x73: {  	_ =	swait.ge [sflag:s8], $0x50  }
0x74: {  	[sflag:s8] =	ssyncset.done $0x0  }
0x75: {  	[sflag:s8] =	ssyncadd.s32 $0xFFFFFFB0  }
0x76: {  	_ =	sfence.sel $0x180000  }
0x77: {  	[bflag:$0x0] =	sbarrier.arrive $0xFFFF  }
0x78: {  	p0 =	sne.s32 s0, $0x0;
	_ =	strace $0x90000047  }
0x79: {  	s0 =	sadd.s32 @!p0 $0x100000, s1;
	[bflag:$0x2] =	sbarrier.arrive $0xFFFF  }
0x7a: {  	[sflag:s0] =	ssyncadd.tile.s32 @!p0 $0x1;
	_ =	shalt  }
.Lfunc_end2:
_tile_overlayer_lowered:
.L_overlay_start_2:
0x7b: {  	(tag) =	ssettag $0x2  }
0x7c: {  	s0 =	rddreg [dreg:$0x0];
	s2 =	stileid.u32  }
0x7d: {  	s1 =	rddreg [dreg:$0x1];
	p0 =	sne.s32 s2, $0x0  }
0x7e: {  	s3 =	rddreg [dreg:$0x2];
	[bflag:$0x3] =	sbarrier.arrive $0xFFFF;
	s2 =	simm.s32 @!p0 $0x1C01  }
0x7f: {  	[timem:s3], [sflag:s2] =	dma.local @!p0 [hbm:s0], s1  }
0x80: {  	s0 =	simm.s32 @!p0 $0x1  }
0x81: {  	_ =	swait.ge @!p0 [sflag:s0], s1  }
0x82: {  	s1 =	ssub.s32 @!p0 $0x0, s1;
	[sflag:s0] =	ssyncset.done @!p0 $0x0  }
0x83: {  	[sflag:s0] =	ssyncadd.s32 @!p0 s1  }
0x84: {  	[bflag:$0x3] =	sbarrier.arrive $0xFFFF  }
0x85: {  	_ =	shalt  }

</sc_bundles>
